<compile_context>
chip_gen: v7x
topology: tpu7x:2x2x1
jax: 0.10.2.dev20260603
libtpu: 0.0.44.dev20260713+nightly
codegen_flags: <defaults>
</compile_context>

<pallas_src>
import functools

import jax
import jax.numpy as jnp
from jax import lax
from jax.experimental import pallas as pl
from jax.experimental.pallas import tpu as pltpu
from jax.experimental.pallas import tpu_sc as plsc

EMBED = 64
VOCAB = 53
L = 16
DT = 8
IT = 128
REP = VOCAB * EMBED + 1
NHALF = 2


def _make_sc_kernel(b_dim, g_dim, n_workers):
    n_slabs = g_dim * DT * NHALF
    slabs_per_w = n_slabs // n_workers
    swords = DT * b_dim // NHALF
    it_per_slab = b_dim // IT // NHALF
    assert n_slabs % n_workers == 0 and slabs_per_w % 2 == 0

    mesh = plsc.VectorSubcoreMesh(core_axis_name="c", subcore_axis_name="s")

    @functools.partial(
        pl.kernel,
        mesh=mesh,
        out_type=jax.ShapeDtypeStruct((g_dim * EMBED * b_dim,), jnp.float32),
        compiler_params=pltpu.CompilerParams(needs_layout_passes=False),
        scratch_types=[
            pltpu.VMEM((L * REP,), jnp.float32),
            pltpu.VMEM((EMBED,), jnp.float32),
            pltpu.VMEM((EMBED,), jnp.float32),
            pltpu.VMEM((b_dim // 128, 128), jnp.int32),
            pltpu.VMEM((b_dim // 128, 128), jnp.float32),
            pltpu.VMEM((swords,), jnp.float32),
            pltpu.VMEM((swords,), jnp.float32),
            pltpu.SemaphoreType.DMA,
            pltpu.SemaphoreType.DMA,
        ],
    )
    def k(idx_hbm, nrm_hbm, tab_hbm, w_hbm, b_hbm, out_hbm,
          tabr_v, w_v, b_v, idx_v, nrm_v, out_v0, out_v1, osem0, osem1):
        wid = lax.axis_index("s") * 2 + lax.axis_index("c")
        s_base = wid * slabs_per_w

        pltpu.sync_copy(w_hbm, w_v)
        pltpu.sync_copy(b_hbm, b_v)
        pltpu.sync_copy(tab_hbm, out_v0.at[pl.ds(0, VOCAB * EMBED)])
        lanes = jax.lax.iota(jnp.int32, L)

        def rep_blk(kb, _):
            src = (out_v0[pl.ds(kb * L, L)]
                   + b_v[pl.ds((kb % (EMBED // L)) * L, L)])
            for r in range(L):
                plsc.store_scatter(tabr_v, [lanes + (r * REP + kb * L)], src)
            return _
        lax.fori_loop(0, VOCAB * EMBED // L, rep_blk, None)

        out_vs = (out_v0, out_v1)
        osems = (osem0, osem1)
        rep_off = lanes * REP

        def do_pair(k2, _):
            for bsel in range(2):
                si = k2 * 2 + bsel
                s = s_base + si
                out_v = out_vs[bsel]

                @pl.when((s % (DT * NHALF) == 0) | (si == 0))
                def _load_cols():
                    j = s // (DT * NHALF)
                    pltpu.sync_copy(idx_hbm.at[j // 8, :, j % 8, :], idx_v)
                    pltpu.sync_copy(nrm_hbm.at[j // 8, :, j % 8, :], nrm_v)

                @pl.when(k2 > 0)
                def _reclaim():
                    pltpu.make_async_copy(
                        out_v, out_hbm.at[pl.ds(s * swords, swords)],
                        osems[bsel]).wait()

                dt8 = ((s // NHALF) % DT) * DT
                ih = s % NHALF
                wsp = [plsc.load_gather(
                           w_v, [jnp.full((L,), dt8 + ds, jnp.int32)])
                       for ds in range(DT)]

                @plsc.parallel_loop(0, it_per_slab * 2, unroll=2)
                def do_itile(ith):
                    it = ith // 2
                    for ilb2 in range(IT // L // 2):
                        ilb = (ith % 2) * (IT // L // 2) + ilb2
                        it_abs = ih * it_per_slab + it
                        ob = it * (DT * IT) + ilb * L
                        idx16 = idx_v[it_abs, pl.ds(ilb * L, L)]
                        n16 = nrm_v[it_abs, pl.ds(ilb * L, L)]
                        addr = rep_off + idx16 * EMBED + dt8
                        rows = [plsc.load_gather(tabr_v, [addr + ds])
                                for ds in range(DT)]
                        vals = [rows[ds] + n16 * wsp[ds] for ds in range(DT)]
                        for ds in range(DT):
                            out_v[pl.ds(ob + ds * IT, L)] = vals[ds]

                pltpu.async_copy(out_v, out_hbm.at[pl.ds(s * swords, swords)],
                                 osems[bsel])
            return _
        lax.fori_loop(0, slabs_per_w // 2, do_pair, None)

        for bsel in range(2):
            pltpu.make_async_copy(out_vs[bsel],
                                  out_hbm.at[pl.ds(0, swords)],
                                  osems[bsel]).wait()

    return k


def kernel(discrete_expression, normalized_expr, bin_table, W, b):
    B, G = discrete_expression.shape
    def tiled_view(x):
        xt = jnp.swapaxes(x, 0, 1).reshape(G // 8, 8, B // IT, IT)
        return xt.transpose(0, 2, 1, 3)
    idxT = tiled_view(discrete_expression).astype(jnp.int32)
    nrmT = tiled_view(normalized_expr)
    tab = bin_table.reshape(-1)
    w = W.reshape(-1)
    k = _make_sc_kernel(B, G, 32)
    out = k(idxT, nrmT, tab, w, b)
    out5 = out.reshape(G, DT, B // IT, EMBED // DT, IT)
    return out5.transpose(2, 4, 0, 1, 3).reshape(B, G, EMBED)

# --- scband reference (transcript-rebuilt; emitter-appended) ---
"""Pipeline reference for scband-expression-embedding-10136122819127 (READ-ONLY COPY).

The authoritative reference and input builder live on the scoring server;
editing this copy changes nothing except your own understanding.
"""

import jax, jax.numpy as jnp
import numpy as np

EMBED_DIM = 64
NUM_BINS = 50
VOCAB = NUM_BINS + 3
B = 4096
G = 200

def _xavier(key, shape):
    fan_in, fan_out = shape[1], shape[0]
    a = float(np.sqrt(6.0 / (fan_in + fan_out)))
    return jax.random.uniform(key, shape, dtype=jnp.float32, minval=-a, maxval=a)

def setup_inputs(seed: int = 0) -> dict:
    key = jax.random.key(seed)
    k1, k2, k3, k4 = jax.random.split(key, 4)
    discrete_expression = jax.random.randint(k1, (B, G), 0, VOCAB, dtype=jnp.int64)
    normalized_expr = jax.random.normal(k2, (B, G), dtype=jnp.float32)
    # bin_embedding weight: xavier_uniform over (VOCAB, EMBED_DIM)
    bin_table = _xavier(k3, (VOCAB, EMBED_DIM))
    # continuous_projection: Linear(1, EMBED_DIM) -> weight (EMBED_DIM, 1), bias zeros
    W = _xavier(k4, (EMBED_DIM, 1))
    b = jnp.zeros((EMBED_DIM,), dtype=jnp.float32)
    return {"discrete_expression": discrete_expression, "normalized_expr": normalized_expr, "bin_table": bin_table, "W": W, "b": b}

def reference(discrete_expression, normalized_expr, bin_table, W, b):
    # bin embedding lookup (gather)
    discrete_embeddings = jnp.take(bin_table, discrete_expression, axis=0)  # (B, G, d)
    # continuous projection: Linear(1, d) on normalized_expr.unsqueeze(-1)
    continuous_component = jnp.matmul(normalized_expr[..., None], W.T) + b  # (B, G, d)
    expr_embeddings = discrete_embeddings + continuous_component
    return expr_embeddings

if __name__ == "__main__":
    import jax
    _d = setup_inputs()
    print(jax.jit(kernel)(*tuple(_d.values())))

</pallas_src>

<mosaic_0001>
#map = affine_map<(d0, d1) -> (0, 0, 0, 0)>
#map1 = affine_map<(d0, d1) -> (0)>
module attributes {stable_mosaic.version = 14 : i64} {
  func.func @k(%arg0: i32, %arg1: i32, %arg2: memref<25x32x8x128xi32, #tpu.memory_space<hbm>>, %arg3: memref<25x32x8x128xf32, #tpu.memory_space<hbm>>, %arg4: memref<3392xf32, #tpu.memory_space<hbm>>, %arg5: memref<64xf32, #tpu.memory_space<hbm>>, %arg6: memref<64xf32, #tpu.memory_space<hbm>>, %arg7: memref<52428800xf32, #tpu.memory_space<hbm>>, %arg8: memref<54288xf32, #tpu.memory_space<vmem>>, %arg9: memref<64xf32, #tpu.memory_space<vmem>>, %arg10: memref<64xf32, #tpu.memory_space<vmem>>, %arg11: memref<32x128xi32, #tpu.memory_space<vmem>>, %arg12: memref<32x128xf32, #tpu.memory_space<vmem>>, %arg13: memref<16384xf32, #tpu.memory_space<vmem>>, %arg14: memref<16384xf32, #tpu.memory_space<vmem>>, %arg15: memref<!tpu.dma_semaphore, #tpu.memory_space<semaphore_mem>>, %arg16: memref<!tpu.dma_semaphore, #tpu.memory_space<semaphore_mem>>) attributes {dimension_semantics = [#tpu.dimension_semantics<core_parallel>, #tpu.dimension_semantics<subcore_parallel>], iteration_bounds = array<i64: 2, 16>, scalar_prefetch = 0 : i64, scratch_operands = 9 : i64, tpu.core_type = #tpu.core_type<sc_vector_subcore>, window_params = [{transform_indices = #map}, {transform_indices = #map}, {transform_indices = #map1}, {transform_indices = #map1}, {transform_indices = #map1}, {transform_indices = #map1}]} {
    %mul3A = arith.constant 2 : i32
    %mul3A_0 = arith.muli %arg1, %mul3A : i32
    %add3A = arith.addi %mul3A_0, %arg0 : i32
    %mul3A_1 = arith.constant 100 : i32
    %mul3A_2 = arith.muli %add3A, %mul3A_1 : i32
    "tpu.region"() ({
      %run_scoped3A = tpu.sem_alloc : memref<!tpu.dma_semaphore, #tpu.memory_space<semaphore_mem>>
      tpu.enqueue_dma source(%arg5 : memref<64xf32, #tpu.memory_space<hbm>>) target(%arg9 : memref<64xf32, #tpu.memory_space<vmem>>) target_semaphore(%run_scoped3A : memref<!tpu.dma_semaphore, #tpu.memory_space<semaphore_mem>>)
      tpu.wait_dma2 semaphore(%run_scoped3A : memref<!tpu.dma_semaphore, #tpu.memory_space<semaphore_mem>>) src(%arg5 : memref<64xf32, #tpu.memory_space<hbm>>) dst(%arg9 : memref<64xf32, #tpu.memory_space<vmem>>)
      tpu.yield
    }) : () -> ()
    "tpu.region"() ({
      %run_scoped3A = tpu.sem_alloc : memref<!tpu.dma_semaphore, #tpu.memory_space<semaphore_mem>>
      tpu.enqueue_dma source(%arg6 : memref<64xf32, #tpu.memory_space<hbm>>) target(%arg10 : memref<64xf32, #tpu.memory_space<vmem>>) target_semaphore(%run_scoped3A : memref<!tpu.dma_semaphore, #tpu.memory_space<semaphore_mem>>)
      tpu.wait_dma2 semaphore(%run_scoped3A : memref<!tpu.dma_semaphore, #tpu.memory_space<semaphore_mem>>) src(%arg6 : memref<64xf32, #tpu.memory_space<hbm>>) dst(%arg10 : memref<64xf32, #tpu.memory_space<vmem>>)
      tpu.yield
    }) : () -> ()
    "tpu.region"() ({
      %run_scoped3A = tpu.sem_alloc : memref<!tpu.dma_semaphore, #tpu.memory_space<semaphore_mem>>
      %dma_start3A = arith.constant 0 : i32
      %dma_start3A_22 = tpu.memref_slice %arg13[%dma_start3A] : memref<16384xf32, #tpu.memory_space<vmem>> -> memref<3392xf32, #tpu.memory_space<vmem>>
      %dma_start3A_23 = arith.constant 0 : i32
      %dma_start3A_24 = tpu.memref_slice %arg13[%dma_start3A_23] : memref<16384xf32, #tpu.memory_space<vmem>> -> memref<3392xf32, #tpu.memory_space<vmem>>
      tpu.enqueue_dma source(%arg4 : memref<3392xf32, #tpu.memory_space<hbm>>) target(%dma_start3A_24 : memref<3392xf32, #tpu.memory_space<vmem>>) target_semaphore(%run_scoped3A : memref<!tpu.dma_semaphore, #tpu.memory_space<semaphore_mem>>)
      %dma_wait3A_25 = arith.constant 0 : i32
      %dma_wait3A_26 = tpu.memref_slice %arg13[%dma_wait3A_25] : memref<16384xf32, #tpu.memory_space<vmem>> -> memref<3392xf32, #tpu.memory_space<vmem>>
      %dma_wait3A_27 = arith.constant 0 : i32
      %dma_wait3A_28 = tpu.memref_slice %arg13[%dma_wait3A_27] : memref<16384xf32, #tpu.memory_space<vmem>> -> memref<3392xf32, #tpu.memory_space<vmem>>
      tpu.wait_dma2 semaphore(%run_scoped3A : memref<!tpu.dma_semaphore, #tpu.memory_space<semaphore_mem>>) src(%arg4 : memref<3392xf32, #tpu.memory_space<hbm>>) dst(%dma_wait3A_28 : memref<3392xf32, #tpu.memory_space<vmem>>)
      tpu.yield
    }) : () -> ()
    %iota3A = tpu.iota {dimensions = array<i32: 0>} : vector<16xi32>
    %scan3A = arith.constant 0 : i32
    %scan3A_3 = arith.constant 212 : i32
    %scan3A_4 = arith.addi %scan3A, %scan3A_3 : i32
    %scan3A_5 = arith.constant 1 : i32
    scf.for %scan3A_22 = %scan3A to %scan3A_4 step %scan3A_5  : i32 {
      %mul3A_23 = arith.constant 16 : i32
      %mul3A_24 = arith.muli %scan3A_22, %mul3A_23 : i32
      %get3A = arith.index_cast %mul3A_24 : i32 to index
      %get3A_25 = tpu.vector_load %arg13[%get3A] {strides = array<i32>} : memref<16384xf32, #tpu.memory_space<vmem>>, vector<16xf32>,
      %jit3A = arith.constant 4 : i32
      %eq3A = arith.constant 0 : i32
      %eq3A_26 = arith.cmpi eq, %jit3A, %eq3A : i32
      %jit3A_27 = arith.constant 1 : i32
      %select_n3A = arith.select %eq3A_26, %jit3A_27, %jit3A : i32
      %rem3A = arith.remsi %scan3A_22, %select_n3A : i32
      %ne3A = arith.constant 0 : i32
      %ne3A_28 = arith.cmpi ne, %rem3A, %ne3A : i32
      %lt3A = arith.constant 0 : i32
      %lt3A_29 = arith.cmpi slt, %rem3A, %lt3A : i32
      %lt3A_30 = arith.constant 0 : i32
      %lt3A_31 = arith.cmpi slt, %select_n3A, %lt3A_30 : i32
      %ne3A_32 = arith.xori %lt3A_29, %lt3A_31 : i1
      %and3A = arith.andi %ne3A_32, %ne3A_28 : i1
      %add3A_33 = arith.addi %rem3A, %select_n3A : i32
      %select_n3A_34 = arith.select %and3A, %add3A_33, %rem3A : i32
      %mul3A_35 = arith.constant 16 : i32
      %mul3A_36 = arith.muli %select_n3A_34, %mul3A_35 : i32
      %get3A_37 = arith.index_cast %mul3A_36 : i32 to index
      %get3A_38 = tpu.vector_load %arg10[%get3A_37] {strides = array<i32>} : memref<64xf32, #tpu.memory_space<vmem>>, vector<16xf32>,
      %add3A_39 = arith.addf %get3A_25, %get3A_38 : vector<16xf32>
      %mul3A_40 = arith.constant 16 : i32
      %mul3A_41 = arith.muli %scan3A_22, %mul3A_40 : i32
      %add3A_42 = arith.constant 0 : i32
      %add3A_43 = arith.addi %add3A_42, %mul3A_41 : i32
      %add3A_44 = vector.broadcast %add3A_43 : i32 to vector<16xi32>
      %add3A_45 = arith.addi %iota3A, %add3A_44 : vector<16xi32>
      tpu.vector_store_idx %arg8[%add3A_45], %add3A_39 : memref<54288xf32, #tpu.memory_space<vmem>>[vector<16xi32>], vector<16xf32>,
      %mul3A_46 = arith.constant 16 : i32
      %mul3A_47 = arith.muli %scan3A_22, %mul3A_46 : i32
      %add3A_48 = arith.constant 3393 : i32
      %add3A_49 = arith.addi %add3A_48, %mul3A_47 : i32
      %add3A_50 = vector.broadcast %add3A_49 : i32 to vector<16xi32>
      %add3A_51 = arith.addi %iota3A, %add3A_50 : vector<16xi32>
      tpu.vector_store_idx %arg8[%add3A_51], %add3A_39 : memref<54288xf32, #tpu.memory_space<vmem>>[vector<16xi32>], vector<16xf32>,
      %mul3A_52 = arith.constant 16 : i32
      %mul3A_53 = arith.muli %scan3A_22, %mul3A_52 : i32
      %add3A_54 = arith.constant 6786 : i32
      %add3A_55 = arith.addi %add3A_54, %mul3A_53 : i32
      %add3A_56 = vector.broadcast %add3A_55 : i32 to vector<16xi32>
      %add3A_57 = arith.addi %iota3A, %add3A_56 : vector<16xi32>
      tpu.vector_store_idx %arg8[%add3A_57], %add3A_39 : memref<54288xf32, #tpu.memory_space<vmem>>[vector<16xi32>], vector<16xf32>,
      %mul3A_58 = arith.constant 16 : i32
      %mul3A_59 = arith.muli %scan3A_22, %mul3A_58 : i32
      %add3A_60 = arith.constant 10179 : i32
      %add3A_61 = arith.addi %add3A_60, %mul3A_59 : i32
      %add3A_62 = vector.broadcast %add3A_61 : i32 to vector<16xi32>
      %add3A_63 = arith.addi %iota3A, %add3A_62 : vector<16xi32>
      tpu.vector_store_idx %arg8[%add3A_63], %add3A_39 : memref<54288xf32, #tpu.memory_space<vmem>>[vector<16xi32>], vector<16xf32>,
      %mul3A_64 = arith.constant 16 : i32
      %mul3A_65 = arith.muli %scan3A_22, %mul3A_64 : i32
      %add3A_66 = arith.constant 13572 : i32
      %add3A_67 = arith.addi %add3A_66, %mul3A_65 : i32
      %add3A_68 = vector.broadcast %add3A_67 : i32 to vector<16xi32>
      %add3A_69 = arith.addi %iota3A, %add3A_68 : vector<16xi32>
      tpu.vector_store_idx %arg8[%add3A_69], %add3A_39 : memref<54288xf32, #tpu.memory_space<vmem>>[vector<16xi32>], vector<16xf32>,
      %mul3A_70 = arith.constant 16 : i32
      %mul3A_71 = arith.muli %scan3A_22, %mul3A_70 : i32
      %add3A_72 = arith.constant 16965 : i32
      %add3A_73 = arith.addi %add3A_72, %mul3A_71 : i32
      %add3A_74 = vector.broadcast %add3A_73 : i32 to vector<16xi32>
      %add3A_75 = arith.addi %iota3A, %add3A_74 : vector<16xi32>
      tpu.vector_store_idx %arg8[%add3A_75], %add3A_39 : memref<54288xf32, #tpu.memory_space<vmem>>[vector<16xi32>], vector<16xf32>,
      %mul3A_76 = arith.constant 16 : i32
      %mul3A_77 = arith.muli %scan3A_22, %mul3A_76 : i32
      %add3A_78 = arith.constant 20358 : i32
      %add3A_79 = arith.addi %add3A_78, %mul3A_77 : i32
      %add3A_80 = vector.broadcast %add3A_79 : i32 to vector<16xi32>
      %add3A_81 = arith.addi %iota3A, %add3A_80 : vector<16xi32>
      tpu.vector_store_idx %arg8[%add3A_81], %add3A_39 : memref<54288xf32, #tpu.memory_space<vmem>>[vector<16xi32>], vector<16xf32>,
      %mul3A_82 = arith.constant 16 : i32
      %mul3A_83 = arith.muli %scan3A_22, %mul3A_82 : i32
      %add3A_84 = arith.constant 23751 : i32
      %add3A_85 = arith.addi %add3A_84, %mul3A_83 : i32
      %add3A_86 = vector.broadcast %add3A_85 : i32 to vector<16xi32>
      %add3A_87 = arith.addi %iota3A, %add3A_86 : vector<16xi32>
      tpu.vector_store_idx %arg8[%add3A_87], %add3A_39 : memref<54288xf32, #tpu.memory_space<vmem>>[vector<16xi32>], vector<16xf32>,
      %mul3A_88 = arith.constant 16 : i32
      %mul3A_89 = arith.muli %scan3A_22, %mul3A_88 : i32
      %add3A_90 = arith.constant 27144 : i32
      %add3A_91 = arith.addi %add3A_90, %mul3A_89 : i32
      %add3A_92 = vector.broadcast %add3A_91 : i32 to vector<16xi32>
      %add3A_93 = arith.addi %iota3A, %add3A_92 : vector<16xi32>
      tpu.vector_store_idx %arg8[%add3A_93], %add3A_39 : memref<54288xf32, #tpu.memory_space<vmem>>[vector<16xi32>], vector<16xf32>,
      %mul3A_94 = arith.constant 16 : i32
      %mul3A_95 = arith.muli %scan3A_22, %mul3A_94 : i32
      %add3A_96 = arith.constant 30537 : i32
      %add3A_97 = arith.addi %add3A_96, %mul3A_95 : i32
      %add3A_98 = vector.broadcast %add3A_97 : i32 to vector<16xi32>
      %add3A_99 = arith.addi %iota3A, %add3A_98 : vector<16xi32>
      tpu.vector_store_idx %arg8[%add3A_99], %add3A_39 : memref<54288xf32, #tpu.memory_space<vmem>>[vector<16xi32>], vector<16xf32>,
      %mul3A_100 = arith.constant 16 : i32
      %mul3A_101 = arith.muli %scan3A_22, %mul3A_100 : i32
      %add3A_102 = arith.constant 33930 : i32
      %add3A_103 = arith.addi %add3A_102, %mul3A_101 : i32
      %add3A_104 = vector.broadcast %add3A_103 : i32 to vector<16xi32>
      %add3A_105 = arith.addi %iota3A, %add3A_104 : vector<16xi32>
      tpu.vector_store_idx %arg8[%add3A_105], %add3A_39 : memref<54288xf32, #tpu.memory_space<vmem>>[vector<16xi32>], vector<16xf32>,
      %mul3A_106 = arith.constant 16 : i32
      %mul3A_107 = arith.muli %scan3A_22, %mul3A_106 : i32
      %add3A_108 = arith.constant 37323 : i32
      %add3A_109 = arith.addi %add3A_108, %mul3A_107 : i32
      %add3A_110 = vector.broadcast %add3A_109 : i32 to vector<16xi32>
      %add3A_111 = arith.addi %iota3A, %add3A_110 : vector<16xi32>
      tpu.vector_store_idx %arg8[%add3A_111], %add3A_39 : memref<54288xf32, #tpu.memory_space<vmem>>[vector<16xi32>], vector<16xf32>,
      %mul3A_112 = arith.constant 16 : i32
      %mul3A_113 = arith.muli %scan3A_22, %mul3A_112 : i32
      %add3A_114 = arith.constant 40716 : i32
      %add3A_115 = arith.addi %add3A_114, %mul3A_113 : i32
      %add3A_116 = vector.broadcast %add3A_115 : i32 to vector<16xi32>
      %add3A_117 = arith.addi %iota3A, %add3A_116 : vector<16xi32>
      tpu.vector_store_idx %arg8[%add3A_117], %add3A_39 : memref<54288xf32, #tpu.memory_space<vmem>>[vector<16xi32>], vector<16xf32>,
      %mul3A_118 = arith.constant 16 : i32
      %mul3A_119 = arith.muli %scan3A_22, %mul3A_118 : i32
      %add3A_120 = arith.constant 44109 : i32
      %add3A_121 = arith.addi %add3A_120, %mul3A_119 : i32
      %add3A_122 = vector.broadcast %add3A_121 : i32 to vector<16xi32>
      %add3A_123 = arith.addi %iota3A, %add3A_122 : vector<16xi32>
      tpu.vector_store_idx %arg8[%add3A_123], %add3A_39 : memref<54288xf32, #tpu.memory_space<vmem>>[vector<16xi32>], vector<16xf32>,
      %mul3A_124 = arith.constant 16 : i32
      %mul3A_125 = arith.muli %scan3A_22, %mul3A_124 : i32
      %add3A_126 = arith.constant 47502 : i32
      %add3A_127 = arith.addi %add3A_126, %mul3A_125 : i32
      %add3A_128 = vector.broadcast %add3A_127 : i32 to vector<16xi32>
      %add3A_129 = arith.addi %iota3A, %add3A_128 : vector<16xi32>
      tpu.vector_store_idx %arg8[%add3A_129], %add3A_39 : memref<54288xf32, #tpu.memory_space<vmem>>[vector<16xi32>], vector<16xf32>,
      %mul3A_130 = arith.constant 16 : i32
      %mul3A_131 = arith.muli %scan3A_22, %mul3A_130 : i32
      %add3A_132 = arith.constant 50895 : i32
      %add3A_133 = arith.addi %add3A_132, %mul3A_131 : i32
      %add3A_134 = vector.broadcast %add3A_133 : i32 to vector<16xi32>
      %add3A_135 = arith.addi %iota3A, %add3A_134 : vector<16xi32>
      tpu.vector_store_idx %arg8[%add3A_135], %add3A_39 : memref<54288xf32, #tpu.memory_space<vmem>>[vector<16xi32>], vector<16xf32>,
    }
    %scan3A_6 = arith.constant 212 : i32
    %mul3A_7 = arith.constant 3393 : i32
    %mul3A_8 = vector.broadcast %mul3A_7 : i32 to vector<16xi32>
    %mul3A_9 = arith.muli %iota3A, %mul3A_8 : vector<16xi32>
    %scan3A_10 = arith.constant 0 : i32
    %scan3A_11 = arith.constant 50 : i32
    %scan3A_12 = arith.addi %scan3A_10, %scan3A_11 : i32
    %scan3A_13 = arith.constant 1 : i32
    scf.for %scan3A_22 = %scan3A_10 to %scan3A_12 step %scan3A_13  : i32 {
      %mul3A_23 = arith.constant 2 : i32
      %mul3A_24 = arith.muli %scan3A_22, %mul3A_23 : i32
      %add3A_25 = arith.constant 0 : i32
      %add3A_26 = arith.addi %mul3A_24, %add3A_25 : i32
      %add3A_27 = arith.addi %mul3A_2, %add3A_26 : i32
      %jit3A = arith.constant 16 : i32
      %eq3A = arith.constant 0 : i32
      %eq3A_28 = arith.cmpi eq, %jit3A, %eq3A : i32
      %jit3A_29 = arith.constant 1 : i32
      %select_n3A = arith.select %eq3A_28, %jit3A_29, %jit3A : i32
      %rem3A = arith.remsi %add3A_27, %select_n3A : i32
      %ne3A = arith.constant 0 : i32
      %ne3A_30 = arith.cmpi ne, %rem3A, %ne3A : i32
      %lt3A = arith.constant 0 : i32
      %lt3A_31 = arith.cmpi slt, %rem3A, %lt3A : i32
      %lt3A_32 = arith.constant 0 : i32
      %lt3A_33 = arith.cmpi slt, %select_n3A, %lt3A_32 : i32
      %ne3A_34 = arith.xori %lt3A_31, %lt3A_33 : i1
      %and3A = arith.andi %ne3A_34, %ne3A_30 : i1
      %add3A_35 = arith.addi %rem3A, %select_n3A : i32
      %select_n3A_36 = arith.select %and3A, %add3A_35, %rem3A : i32
      %eq3A_37 = arith.constant 0 : i32
      %eq3A_38 = arith.cmpi eq, %select_n3A_36, %eq3A_37 : i32
      %eq3A_39 = arith.constant 0 : i32
      %eq3A_40 = arith.cmpi eq, %add3A_26, %eq3A_39 : i32
      %or3A = arith.ori %eq3A_38, %eq3A_40 : i1
      %convert_element_type3A = arith.extui %or3A : i1 to i32
      %cond3A = arith.constant 0 : i32
      %cond3A_41 = arith.cmpi ne, %convert_element_type3A, %cond3A : i32
      scf.if %cond3A_41 {
        %jit3A_267 = arith.constant 16 : i32
        %div3A_268 = arith.divsi %add3A_27, %jit3A_267 : i32
        %sign3A_269 = arith.constant 0 : i32
        %sign3A_270 = arith.cmpi sgt, %add3A_27, %sign3A_269 : i32
        %sign3A_271 = arith.extui %sign3A_270 : i1 to i32
        %sign3A_272 = arith.constant 0 : i32
        %sign3A_273 = arith.cmpi slt, %add3A_27, %sign3A_272 : i32
        %sign3A_274 = arith.extui %sign3A_273 : i1 to i32
        %sign3A_275 = arith.subi %sign3A_271, %sign3A_274 : i32
        %sign3A_276 = arith.constant 0 : i32
        %sign3A_277 = arith.cmpi sgt, %jit3A_267, %sign3A_276 : i32
        %sign3A_278 = arith.extui %sign3A_277 : i1 to i32
        %sign3A_279 = arith.constant 0 : i32
        %sign3A_280 = arith.cmpi slt, %jit3A_267, %sign3A_279 : i32
        %sign3A_281 = arith.extui %sign3A_280 : i1 to i32
        %sign3A_282 = arith.subi %sign3A_278, %sign3A_281 : i32
        %ne3A_283 = arith.cmpi ne, %sign3A_275, %sign3A_282 : i32
        %rem3A_284 = arith.remsi %add3A_27, %jit3A_267 : i32
        %ne3A_285 = arith.constant 0 : i32
        %ne3A_286 = arith.cmpi ne, %rem3A_284, %ne3A_285 : i32
        %and3A_287 = arith.andi %ne3A_283, %ne3A_286 : i1
        %sub3A_288 = arith.constant 1 : i32
        %sub3A_289 = arith.subi %div3A_268, %sub3A_288 : i32
        %select_n3A_290 = arith.select %and3A_287, %sub3A_289, %div3A_268 : i32
        %jit3A_291 = arith.constant 8 : i32
        %div3A_292 = arith.divsi %select_n3A_290, %jit3A_291 : i32
        %sign3A_293 = arith.constant 0 : i32
        %sign3A_294 = arith.cmpi sgt, %select_n3A_290, %sign3A_293 : i32
        %sign3A_295 = arith.extui %sign3A_294 : i1 to i32
        %sign3A_296 = arith.constant 0 : i32
        %sign3A_297 = arith.cmpi slt, %select_n3A_290, %sign3A_296 : i32
        %sign3A_298 = arith.extui %sign3A_297 : i1 to i32
        %sign3A_299 = arith.subi %sign3A_295, %sign3A_298 : i32
        %sign3A_300 = arith.constant 0 : i32
        %sign3A_301 = arith.cmpi sgt, %jit3A_291, %sign3A_300 : i32
        %sign3A_302 = arith.extui %sign3A_301 : i1 to i32
        %sign3A_303 = arith.constant 0 : i32
        %sign3A_304 = arith.cmpi slt, %jit3A_291, %sign3A_303 : i32
        %sign3A_305 = arith.extui %sign3A_304 : i1 to i32
        %sign3A_306 = arith.subi %sign3A_302, %sign3A_305 : i32
        %ne3A_307 = arith.cmpi ne, %sign3A_299, %sign3A_306 : i32
        %rem3A_308 = arith.remsi %select_n3A_290, %jit3A_291 : i32
        %ne3A_309 = arith.constant 0 : i32
        %ne3A_310 = arith.cmpi ne, %rem3A_308, %ne3A_309 : i32
        %and3A_311 = arith.andi %ne3A_307, %ne3A_310 : i1
        %sub3A_312 = arith.constant 1 : i32
        %sub3A_313 = arith.subi %div3A_292, %sub3A_312 : i32
        %select_n3A_314 = arith.select %and3A_311, %sub3A_313, %div3A_292 : i32
        %jit3A_315 = arith.constant 8 : i32
        %eq3A_316 = arith.constant 0 : i32
        %eq3A_317 = arith.cmpi eq, %jit3A_315, %eq3A_316 : i32
        %jit3A_318 = arith.constant 1 : i32
        %select_n3A_319 = arith.select %eq3A_317, %jit3A_318, %jit3A_315 : i32
        %rem3A_320 = arith.remsi %select_n3A_290, %select_n3A_319 : i32
        %ne3A_321 = arith.constant 0 : i32
        %ne3A_322 = arith.cmpi ne, %rem3A_320, %ne3A_321 : i32
        %lt3A_323 = arith.constant 0 : i32
        %lt3A_324 = arith.cmpi slt, %rem3A_320, %lt3A_323 : i32
        %lt3A_325 = arith.constant 0 : i32
        %lt3A_326 = arith.cmpi slt, %select_n3A_319, %lt3A_325 : i32
        %ne3A_327 = arith.xori %lt3A_324, %lt3A_326 : i1
        %and3A_328 = arith.andi %ne3A_327, %ne3A_322 : i1
        %add3A_329 = arith.addi %rem3A_320, %select_n3A_319 : i32
        %select_n3A_330 = arith.select %and3A_328, %add3A_329, %rem3A_320 : i32
        "tpu.region"() ({
          %run_scoped3A = tpu.sem_alloc : memref<!tpu.dma_semaphore, #tpu.memory_space<semaphore_mem>>
          %dma_start3A_371 = arith.constant 0 : i32
          %dma_start3A_372 = arith.constant 0 : i32
          %dma_start3A_373 = tpu.memref_slice %arg2[%select_n3A_314, %dma_start3A_371, %select_n3A_330, %dma_start3A_372] : memref<25x32x8x128xi32, #tpu.memory_space<hbm>> -> memref<1x32x1x128xi32, #tpu.memory_space<hbm>>
          %dma_start3A_374 = tpu.memref_squeeze %dma_start3A_373 : memref<1x32x1x128xi32, #tpu.memory_space<hbm>> -> memref<32x128xi32, #tpu.memory_space<hbm>>
          %dma_start3A_375 = arith.constant 0 : i32
          %dma_start3A_376 = arith.constant 0 : i32
          %dma_start3A_377 = tpu.memref_slice %arg2[%select_n3A_314, %dma_start3A_375, %select_n3A_330, %dma_start3A_376] : memref<25x32x8x128xi32, #tpu.memory_space<hbm>> -> memref<1x32x1x128xi32, #tpu.memory_space<hbm>>
          %dma_start3A_378 = tpu.memref_squeeze %dma_start3A_377 : memref<1x32x1x128xi32, #tpu.memory_space<hbm>> -> memref<32x128xi32, #tpu.memory_space<hbm>>
          tpu.enqueue_dma source(%dma_start3A_378 : memref<32x128xi32, #tpu.memory_space<hbm>>) target(%arg11 : memref<32x128xi32, #tpu.memory_space<vmem>>) target_semaphore(%run_scoped3A : memref<!tpu.dma_semaphore, #tpu.memory_space<semaphore_mem>>)
          %dma_wait3A_379 = arith.constant 0 : i32
          %dma_wait3A_380 = arith.constant 0 : i32
          %dma_wait3A_381 = tpu.memref_slice %arg2[%select_n3A_314, %dma_wait3A_379, %select_n3A_330, %dma_wait3A_380] : memref<25x32x8x128xi32, #tpu.memory_space<hbm>> -> memref<1x32x1x128xi32, #tpu.memory_space<hbm>>
          %dma_wait3A_382 = tpu.memref_squeeze %dma_wait3A_381 : memref<1x32x1x128xi32, #tpu.memory_space<hbm>> -> memref<32x128xi32, #tpu.memory_space<hbm>>
          %dma_wait3A_383 = arith.constant 0 : i32
          %dma_wait3A_384 = arith.constant 0 : i32
          %dma_wait3A_385 = tpu.memref_slice %arg2[%select_n3A_314, %dma_wait3A_383, %select_n3A_330, %dma_wait3A_384] : memref<25x32x8x128xi32, #tpu.memory_space<hbm>> -> memref<1x32x1x128xi32, #tpu.memory_space<hbm>>
          %dma_wait3A_386 = tpu.memref_squeeze %dma_wait3A_385 : memref<1x32x1x128xi32, #tpu.memory_space<hbm>> -> memref<32x128xi32, #tpu.memory_space<hbm>>
          tpu.wait_dma2 semaphore(%run_scoped3A : memref<!tpu.dma_semaphore, #tpu.memory_space<semaphore_mem>>) src(%dma_wait3A_386 : memref<32x128xi32, #tpu.memory_space<hbm>>) dst(%arg11 : memref<32x128xi32, #tpu.memory_space<vmem>>)
          tpu.yield
        }) : () -> ()
        %jit3A_331 = arith.constant 8 : i32
        %div3A_332 = arith.divsi %select_n3A_290, %jit3A_331 : i32
        %sign3A_333 = arith.constant 0 : i32
        %sign3A_334 = arith.cmpi sgt, %select_n3A_290, %sign3A_333 : i32
        %sign3A_335 = arith.extui %sign3A_334 : i1 to i32
        %sign3A_336 = arith.constant 0 : i32
        %sign3A_337 = arith.cmpi slt, %select_n3A_290, %sign3A_336 : i32
        %sign3A_338 = arith.extui %sign3A_337 : i1 to i32
        %sign3A_339 = arith.subi %sign3A_335, %sign3A_338 : i32
        %sign3A_340 = arith.constant 0 : i32
        %sign3A_341 = arith.cmpi sgt, %jit3A_331, %sign3A_340 : i32
        %sign3A_342 = arith.extui %sign3A_341 : i1 to i32
        %sign3A_343 = arith.constant 0 : i32
        %sign3A_344 = arith.cmpi slt, %jit3A_331, %sign3A_343 : i32
        %sign3A_345 = arith.extui %sign3A_344 : i1 to i32
        %sign3A_346 = arith.subi %sign3A_342, %sign3A_345 : i32
        %ne3A_347 = arith.cmpi ne, %sign3A_339, %sign3A_346 : i32
        %rem3A_348 = arith.remsi %select_n3A_290, %jit3A_331 : i32
        %ne3A_349 = arith.constant 0 : i32
        %ne3A_350 = arith.cmpi ne, %rem3A_348, %ne3A_349 : i32
        %and3A_351 = arith.andi %ne3A_347, %ne3A_350 : i1
        %sub3A_352 = arith.constant 1 : i32
        %sub3A_353 = arith.subi %div3A_332, %sub3A_352 : i32
        %select_n3A_354 = arith.select %and3A_351, %sub3A_353, %div3A_332 : i32
        %jit3A_355 = arith.constant 8 : i32
        %eq3A_356 = arith.constant 0 : i32
        %eq3A_357 = arith.cmpi eq, %jit3A_355, %eq3A_356 : i32
        %jit3A_358 = arith.constant 1 : i32
        %select_n3A_359 = arith.select %eq3A_357, %jit3A_358, %jit3A_355 : i32
        %rem3A_360 = arith.remsi %select_n3A_290, %select_n3A_359 : i32
        %ne3A_361 = arith.constant 0 : i32
        %ne3A_362 = arith.cmpi ne, %rem3A_360, %ne3A_361 : i32
        %lt3A_363 = arith.constant 0 : i32
        %lt3A_364 = arith.cmpi slt, %rem3A_360, %lt3A_363 : i32
        %lt3A_365 = arith.constant 0 : i32
        %lt3A_366 = arith.cmpi slt, %select_n3A_359, %lt3A_365 : i32
        %ne3A_367 = arith.xori %lt3A_364, %lt3A_366 : i1
        %and3A_368 = arith.andi %ne3A_367, %ne3A_362 : i1
        %add3A_369 = arith.addi %rem3A_360, %select_n3A_359 : i32
        %select_n3A_370 = arith.select %and3A_368, %add3A_369, %rem3A_360 : i32
        "tpu.region"() ({
          %run_scoped3A = tpu.sem_alloc : memref<!tpu.dma_semaphore, #tpu.memory_space<semaphore_mem>>
          %dma_start3A_371 = arith.constant 0 : i32
          %dma_start3A_372 = arith.constant 0 : i32
          %dma_start3A_373 = tpu.memref_slice %arg3[%select_n3A_354, %dma_start3A_371, %select_n3A_370, %dma_start3A_372] : memref<25x32x8x128xf32, #tpu.memory_space<hbm>> -> memref<1x32x1x128xf32, #tpu.memory_space<hbm>>
          %dma_start3A_374 = tpu.memref_squeeze %dma_start3A_373 : memref<1x32x1x128xf32, #tpu.memory_space<hbm>> -> memref<32x128xf32, #tpu.memory_space<hbm>>
          %dma_start3A_375 = arith.constant 0 : i32
          %dma_start3A_376 = arith.constant 0 : i32
          %dma_start3A_377 = tpu.memref_slice %arg3[%select_n3A_354, %dma_start3A_375, %select_n3A_370, %dma_start3A_376] : memref<25x32x8x128xf32, #tpu.memory_space<hbm>> -> memref<1x32x1x128xf32, #tpu.memory_space<hbm>>
          %dma_start3A_378 = tpu.memref_squeeze %dma_start3A_377 : memref<1x32x1x128xf32, #tpu.memory_space<hbm>> -> memref<32x128xf32, #tpu.memory_space<hbm>>
          tpu.enqueue_dma source(%dma_start3A_378 : memref<32x128xf32, #tpu.memory_space<hbm>>) target(%arg12 : memref<32x128xf32, #tpu.memory_space<vmem>>) target_semaphore(%run_scoped3A : memref<!tpu.dma_semaphore, #tpu.memory_space<semaphore_mem>>)
          %dma_wait3A_379 = arith.constant 0 : i32
          %dma_wait3A_380 = arith.constant 0 : i32
          %dma_wait3A_381 = tpu.memref_slice %arg3[%select_n3A_354, %dma_wait3A_379, %select_n3A_370, %dma_wait3A_380] : memref<25x32x8x128xf32, #tpu.memory_space<hbm>> -> memref<1x32x1x128xf32, #tpu.memory_space<hbm>>
          %dma_wait3A_382 = tpu.memref_squeeze %dma_wait3A_381 : memref<1x32x1x128xf32, #tpu.memory_space<hbm>> -> memref<32x128xf32, #tpu.memory_space<hbm>>
          %dma_wait3A_383 = arith.constant 0 : i32
          %dma_wait3A_384 = arith.constant 0 : i32
          %dma_wait3A_385 = tpu.memref_slice %arg3[%select_n3A_354, %dma_wait3A_383, %select_n3A_370, %dma_wait3A_384] : memref<25x32x8x128xf32, #tpu.memory_space<hbm>> -> memref<1x32x1x128xf32, #tpu.memory_space<hbm>>
          %dma_wait3A_386 = tpu.memref_squeeze %dma_wait3A_385 : memref<1x32x1x128xf32, #tpu.memory_space<hbm>> -> memref<32x128xf32, #tpu.memory_space<hbm>>
          tpu.wait_dma2 semaphore(%run_scoped3A : memref<!tpu.dma_semaphore, #tpu.memory_space<semaphore_mem>>) src(%dma_wait3A_386 : memref<32x128xf32, #tpu.memory_space<hbm>>) dst(%arg12 : memref<32x128xf32, #tpu.memory_space<vmem>>)
          tpu.yield
        }) : () -> ()
      } else {
      }
      %gt3A = arith.constant 0 : i32
      %gt3A_42 = arith.cmpi sgt, %scan3A_22, %gt3A : i32
      %convert_element_type3A_43 = arith.extui %gt3A_42 : i1 to i32
      %cond3A_44 = arith.constant 0 : i32
      %cond3A_45 = arith.cmpi ne, %convert_element_type3A_43, %cond3A_44 : i32
      scf.if %cond3A_45 {
        %mul3A_267 = arith.constant 16384 : i32
        %mul3A_268 = arith.muli %add3A_27, %mul3A_267 : i32
        %dma_wait3A_269 = tpu.memref_slice %arg7[%mul3A_268] : memref<52428800xf32, #tpu.memory_space<hbm>> -> memref<16384xf32, #tpu.memory_space<hbm>>
        %dma_wait3A_270 = tpu.memref_slice %arg7[%mul3A_268] : memref<52428800xf32, #tpu.memory_space<hbm>> -> memref<16384xf32, #tpu.memory_space<hbm>>
        tpu.wait_dma2 semaphore(%arg15 : memref<!tpu.dma_semaphore, #tpu.memory_space<semaphore_mem>>) src(%arg13 : memref<16384xf32, #tpu.memory_space<vmem>>) dst(%dma_wait3A_270 : memref<16384xf32, #tpu.memory_space<hbm>>)
      } else {
      }
      %jit3A_46 = arith.constant 2 : i32
      %div3A = arith.divsi %add3A_27, %jit3A_46 : i32
      %sign3A = arith.constant 0 : i32
      %sign3A_47 = arith.cmpi sgt, %add3A_27, %sign3A : i32
      %sign3A_48 = arith.extui %sign3A_47 : i1 to i32
      %sign3A_49 = arith.constant 0 : i32
      %sign3A_50 = arith.cmpi slt, %add3A_27, %sign3A_49 : i32
      %sign3A_51 = arith.extui %sign3A_50 : i1 to i32
      %sign3A_52 = arith.subi %sign3A_48, %sign3A_51 : i32
      %sign3A_53 = arith.constant 0 : i32
      %sign3A_54 = arith.cmpi sgt, %jit3A_46, %sign3A_53 : i32
      %sign3A_55 = arith.extui %sign3A_54 : i1 to i32
      %sign3A_56 = arith.constant 0 : i32
      %sign3A_57 = arith.cmpi slt, %jit3A_46, %sign3A_56 : i32
      %sign3A_58 = arith.extui %sign3A_57 : i1 to i32
      %sign3A_59 = arith.subi %sign3A_55, %sign3A_58 : i32
      %ne3A_60 = arith.cmpi ne, %sign3A_52, %sign3A_59 : i32
      %rem3A_61 = arith.remsi %add3A_27, %jit3A_46 : i32
      %ne3A_62 = arith.constant 0 : i32
      %ne3A_63 = arith.cmpi ne, %rem3A_61, %ne3A_62 : i32
      %and3A_64 = arith.andi %ne3A_60, %ne3A_63 : i1
      %sub3A = arith.constant 1 : i32
      %sub3A_65 = arith.subi %div3A, %sub3A : i32
      %select_n3A_66 = arith.select %and3A_64, %sub3A_65, %div3A : i32
      %jit3A_67 = arith.constant 8 : i32
      %eq3A_68 = arith.constant 0 : i32
      %eq3A_69 = arith.cmpi eq, %jit3A_67, %eq3A_68 : i32
      %jit3A_70 = arith.constant 1 : i32
      %select_n3A_71 = arith.select %eq3A_69, %jit3A_70, %jit3A_67 : i32
      %rem3A_72 = arith.remsi %select_n3A_66, %select_n3A_71 : i32
      %ne3A_73 = arith.constant 0 : i32
      %ne3A_74 = arith.cmpi ne, %rem3A_72, %ne3A_73 : i32
      %lt3A_75 = arith.constant 0 : i32
      %lt3A_76 = arith.cmpi slt, %rem3A_72, %lt3A_75 : i32
      %lt3A_77 = arith.constant 0 : i32
      %lt3A_78 = arith.cmpi slt, %select_n3A_71, %lt3A_77 : i32
      %ne3A_79 = arith.xori %lt3A_76, %lt3A_78 : i1
      %and3A_80 = arith.andi %ne3A_79, %ne3A_74 : i1
      %add3A_81 = arith.addi %rem3A_72, %select_n3A_71 : i32
      %select_n3A_82 = arith.select %and3A_80, %add3A_81, %rem3A_72 : i32
      %mul3A_83 = arith.constant 8 : i32
      %mul3A_84 = arith.muli %select_n3A_82, %mul3A_83 : i32
      %jit3A_85 = arith.constant 2 : i32
      %eq3A_86 = arith.constant 0 : i32
      %eq3A_87 = arith.cmpi eq, %jit3A_85, %eq3A_86 : i32
      %jit3A_88 = arith.constant 1 : i32
      %select_n3A_89 = arith.select %eq3A_87, %jit3A_88, %jit3A_85 : i32
      %rem3A_90 = arith.remsi %add3A_27, %select_n3A_89 : i32
      %ne3A_91 = arith.constant 0 : i32
      %ne3A_92 = arith.cmpi ne, %rem3A_90, %ne3A_91 : i32
      %lt3A_93 = arith.constant 0 : i32
      %lt3A_94 = arith.cmpi slt, %rem3A_90, %lt3A_93 : i32
      %lt3A_95 = arith.constant 0 : i32
      %lt3A_96 = arith.cmpi slt, %select_n3A_89, %lt3A_95 : i32
      %ne3A_97 = arith.xori %lt3A_94, %lt3A_96 : i1
      %and3A_98 = arith.andi %ne3A_97, %ne3A_92 : i1
      %add3A_99 = arith.addi %rem3A_90, %select_n3A_89 : i32
      %select_n3A_100 = arith.select %and3A_98, %add3A_99, %rem3A_90 : i32
      %add3A_101 = arith.constant 0 : i32
      %add3A_102 = arith.addi %mul3A_84, %add3A_101 : i32
      %broadcast_in_dim3A = vector.broadcast %add3A_102 : i32 to vector<16xi32>
      %gather3A = tpu.vector_load_idx %arg9[%broadcast_in_dim3A] : memref<64xf32, #tpu.memory_space<vmem>>[vector<16xi32>], vector<16xf32>,
      %add3A_103 = arith.constant 1 : i32
      %add3A_104 = arith.addi %mul3A_84, %add3A_103 : i32
      %broadcast_in_dim3A_105 = vector.broadcast %add3A_104 : i32 to vector<16xi32>
      %gather3A_106 = tpu.vector_load_idx %arg9[%broadcast_in_dim3A_105] : memref<64xf32, #tpu.memory_space<vmem>>[vector<16xi32>], vector<16xf32>,
      %add3A_107 = arith.constant 2 : i32
      %add3A_108 = arith.addi %mul3A_84, %add3A_107 : i32
      %broadcast_in_dim3A_109 = vector.broadcast %add3A_108 : i32 to vector<16xi32>
      %gather3A_110 = tpu.vector_load_idx %arg9[%broadcast_in_dim3A_109] : memref<64xf32, #tpu.memory_space<vmem>>[vector<16xi32>], vector<16xf32>,
      %add3A_111 = arith.constant 3 : i32
      %add3A_112 = arith.addi %mul3A_84, %add3A_111 : i32
      %broadcast_in_dim3A_113 = vector.broadcast %add3A_112 : i32 to vector<16xi32>
      %gather3A_114 = tpu.vector_load_idx %arg9[%broadcast_in_dim3A_113] : memref<64xf32, #tpu.memory_space<vmem>>[vector<16xi32>], vector<16xf32>,
      %add3A_115 = arith.constant 4 : i32
      %add3A_116 = arith.addi %mul3A_84, %add3A_115 : i32
      %broadcast_in_dim3A_117 = vector.broadcast %add3A_116 : i32 to vector<16xi32>
      %gather3A_118 = tpu.vector_load_idx %arg9[%broadcast_in_dim3A_117] : memref<64xf32, #tpu.memory_space<vmem>>[vector<16xi32>], vector<16xf32>,
      %add3A_119 = arith.constant 5 : i32
      %add3A_120 = arith.addi %mul3A_84, %add3A_119 : i32
      %broadcast_in_dim3A_121 = vector.broadcast %add3A_120 : i32 to vector<16xi32>
      %gather3A_122 = tpu.vector_load_idx %arg9[%broadcast_in_dim3A_121] : memref<64xf32, #tpu.memory_space<vmem>>[vector<16xi32>], vector<16xf32>,
      %add3A_123 = arith.constant 6 : i32
      %add3A_124 = arith.addi %mul3A_84, %add3A_123 : i32
      %broadcast_in_dim3A_125 = vector.broadcast %add3A_124 : i32 to vector<16xi32>
      %gather3A_126 = tpu.vector_load_idx %arg9[%broadcast_in_dim3A_125] : memref<64xf32, #tpu.memory_space<vmem>>[vector<16xi32>], vector<16xf32>,
      %add3A_127 = arith.constant 7 : i32
      %add3A_128 = arith.addi %mul3A_84, %add3A_127 : i32
      %broadcast_in_dim3A_129 = vector.broadcast %add3A_128 : i32 to vector<16xi32>
      %gather3A_130 = tpu.vector_load_idx %arg9[%broadcast_in_dim3A_129] : memref<64xf32, #tpu.memory_space<vmem>>[vector<16xi32>], vector<16xf32>,
      %parallel_loop3A = arith.constant 0 : i32
      %parallel_loop3A_131 = arith.constant 32 : i32
      %parallel_loop3A_132 = arith.constant 1 : i32
      scf.for %parallel_loop3A_267 = %parallel_loop3A to %parallel_loop3A_131 step %parallel_loop3A_132  : i32 {
        %parallel_loop3A_268 = arith.constant 2 : i32
        %parallel_loop3A_269 = arith.divsi %parallel_loop3A_267, %parallel_loop3A_268 : i32
        %parallel_loop3A_270 = arith.constant 0 : i32
        %parallel_loop3A_271 = arith.cmpi sgt, %parallel_loop3A_267, %parallel_loop3A_270 : i32
        %parallel_loop3A_272 = arith.extui %parallel_loop3A_271 : i1 to i32
        %parallel_loop3A_273 = arith.constant 0 : i32
        %parallel_loop3A_274 = arith.cmpi slt, %parallel_loop3A_267, %parallel_loop3A_273 : i32
        %parallel_loop3A_275 = arith.extui %parallel_loop3A_274 : i1 to i32
        %parallel_loop3A_276 = arith.subi %parallel_loop3A_272, %parallel_loop3A_275 : i32
        %parallel_loop3A_277 = arith.constant 0 : i32
        %parallel_loop3A_278 = arith.cmpi sgt, %parallel_loop3A_268, %parallel_loop3A_277 : i32
        %parallel_loop3A_279 = arith.extui %parallel_loop3A_278 : i1 to i32
        %parallel_loop3A_280 = arith.constant 0 : i32
        %parallel_loop3A_281 = arith.cmpi slt, %parallel_loop3A_268, %parallel_loop3A_280 : i32
        %parallel_loop3A_282 = arith.extui %parallel_loop3A_281 : i1 to i32
        %parallel_loop3A_283 = arith.subi %parallel_loop3A_279, %parallel_loop3A_282 : i32
        %parallel_loop3A_284 = arith.cmpi ne, %parallel_loop3A_276, %parallel_loop3A_283 : i32
        %parallel_loop3A_285 = arith.remsi %parallel_loop3A_267, %parallel_loop3A_268 : i32
        %parallel_loop3A_286 = arith.constant 0 : i32
        %parallel_loop3A_287 = arith.cmpi ne, %parallel_loop3A_285, %parallel_loop3A_286 : i32
        %parallel_loop3A_288 = arith.andi %parallel_loop3A_284, %parallel_loop3A_287 : i1
        %parallel_loop3A_289 = arith.constant 1 : i32
        %parallel_loop3A_290 = arith.subi %parallel_loop3A_269, %parallel_loop3A_289 : i32
        %parallel_loop3A_291 = arith.select %parallel_loop3A_288, %parallel_loop3A_290, %parallel_loop3A_269 : i32
        %parallel_loop3A_292 = arith.constant 2 : i32
        %parallel_loop3A_293 = arith.constant 0 : i32
        %parallel_loop3A_294 = arith.cmpi eq, %parallel_loop3A_292, %parallel_loop3A_293 : i32
        %parallel_loop3A_295 = arith.constant 1 : i32
        %parallel_loop3A_296 = arith.select %parallel_loop3A_294, %parallel_loop3A_295, %parallel_loop3A_292 : i32
        %parallel_loop3A_297 = arith.remsi %parallel_loop3A_267, %parallel_loop3A_296 : i32
        %parallel_loop3A_298 = arith.constant 0 : i32
        %parallel_loop3A_299 = arith.cmpi ne, %parallel_loop3A_297, %parallel_loop3A_298 : i32
        %parallel_loop3A_300 = arith.constant 0 : i32
        %parallel_loop3A_301 = arith.cmpi slt, %parallel_loop3A_297, %parallel_loop3A_300 : i32
        %parallel_loop3A_302 = arith.constant 0 : i32
        %parallel_loop3A_303 = arith.cmpi slt, %parallel_loop3A_296, %parallel_loop3A_302 : i32
        %parallel_loop3A_304 = arith.xori %parallel_loop3A_301, %parallel_loop3A_303 : i1
        %parallel_loop3A_305 = arith.andi %parallel_loop3A_304, %parallel_loop3A_299 : i1
        %parallel_loop3A_306 = arith.addi %parallel_loop3A_297, %parallel_loop3A_296 : i32
        %parallel_loop3A_307 = arith.select %parallel_loop3A_305, %parallel_loop3A_306, %parallel_loop3A_297 : i32
        %parallel_loop3A_308 = arith.constant 4 : i32
        %parallel_loop3A_309 = arith.muli %parallel_loop3A_307, %parallel_loop3A_308 : i32
        %parallel_loop3A_310 = arith.constant 0 : i32
        %parallel_loop3A_311 = arith.addi %parallel_loop3A_309, %parallel_loop3A_310 : i32
        %parallel_loop3A_312 = arith.constant 16 : i32
        %parallel_loop3A_313 = arith.muli %select_n3A_100, %parallel_loop3A_312 : i32
        %parallel_loop3A_314 = arith.addi %parallel_loop3A_313, %parallel_loop3A_291 : i32
        %parallel_loop3A_315 = arith.constant 1024 : i32
        %parallel_loop3A_316 = arith.muli %parallel_loop3A_291, %parallel_loop3A_315 : i32
        %parallel_loop3A_317 = arith.constant 16 : i32
        %parallel_loop3A_318 = arith.muli %parallel_loop3A_311, %parallel_loop3A_317 : i32
        %parallel_loop3A_319 = arith.addi %parallel_loop3A_316, %parallel_loop3A_318 : i32
        %parallel_loop3A_320 = arith.constant 16 : i32
        %parallel_loop3A_321 = arith.muli %parallel_loop3A_311, %parallel_loop3A_320 : i32
        %parallel_loop3A_322 = arith.index_cast %parallel_loop3A_314 : i32 to index
        %parallel_loop3A_323 = arith.index_cast %parallel_loop3A_321 : i32 to index
        %parallel_loop3A_324 = tpu.vector_load %arg11[%parallel_loop3A_322, %parallel_loop3A_323] {strides = array<i32>} : memref<32x128xi32, #tpu.memory_space<vmem>>, vector<16xi32>,
        %parallel_loop3A_325 = arith.constant 16 : i32
        %parallel_loop3A_326 = arith.muli %parallel_loop3A_311, %parallel_loop3A_325 : i32
        %parallel_loop3A_327 = arith.index_cast %parallel_loop3A_314 : i32 to index
        %parallel_loop3A_328 = arith.index_cast %parallel_loop3A_326 : i32 to index
        %parallel_loop3A_329 = tpu.vector_load %arg12[%parallel_loop3A_327, %parallel_loop3A_328] {strides = array<i32>} : memref<32x128xf32, #tpu.memory_space<vmem>>, vector<16xf32>,
        %parallel_loop3A_330 = arith.constant 64 : i32
        %parallel_loop3A_331 = vector.broadcast %parallel_loop3A_330 : i32 to vector<16xi32>
        %parallel_loop3A_332 = arith.muli %parallel_loop3A_324, %parallel_loop3A_331 : vector<16xi32>
        %parallel_loop3A_333 = arith.addi %mul3A_9, %parallel_loop3A_332 : vector<16xi32>
        %parallel_loop3A_334 = vector.broadcast %mul3A_84 : i32 to vector<16xi32>
        %parallel_loop3A_335 = arith.addi %parallel_loop3A_333, %parallel_loop3A_334 : vector<16xi32>
        %parallel_loop3A_336 = arith.constant 0 : i32
        %parallel_loop3A_337 = vector.broadcast %parallel_loop3A_336 : i32 to vector<16xi32>
        %parallel_loop3A_338 = arith.addi %parallel_loop3A_335, %parallel_loop3A_337 : vector<16xi32>
        %parallel_loop3A_339 = tpu.vector_load_idx %arg8[%parallel_loop3A_338] : memref<54288xf32, #tpu.memory_space<vmem>>[vector<16xi32>], vector<16xf32>,
        %parallel_loop3A_340 = arith.constant 1 : i32
        %parallel_loop3A_341 = vector.broadcast %parallel_loop3A_340 : i32 to vector<16xi32>
        %parallel_loop3A_342 = arith.addi %parallel_loop3A_335, %parallel_loop3A_341 : vector<16xi32>
        %parallel_loop3A_343 = tpu.vector_load_idx %arg8[%parallel_loop3A_342] : memref<54288xf32, #tpu.memory_space<vmem>>[vector<16xi32>], vector<16xf32>,
        %parallel_loop3A_344 = arith.constant 2 : i32
        %parallel_loop3A_345 = vector.broadcast %parallel_loop3A_344 : i32 to vector<16xi32>
        %parallel_loop3A_346 = arith.addi %parallel_loop3A_335, %parallel_loop3A_345 : vector<16xi32>
        %parallel_loop3A_347 = tpu.vector_load_idx %arg8[%parallel_loop3A_346] : memref<54288xf32, #tpu.memory_space<vmem>>[vector<16xi32>], vector<16xf32>,
        %parallel_loop3A_348 = arith.constant 3 : i32
        %parallel_loop3A_349 = vector.broadcast %parallel_loop3A_348 : i32 to vector<16xi32>
        %parallel_loop3A_350 = arith.addi %parallel_loop3A_335, %parallel_loop3A_349 : vector<16xi32>
        %parallel_loop3A_351 = tpu.vector_load_idx %arg8[%parallel_loop3A_350] : memref<54288xf32, #tpu.memory_space<vmem>>[vector<16xi32>], vector<16xf32>,
        %parallel_loop3A_352 = arith.constant 4 : i32
        %parallel_loop3A_353 = vector.broadcast %parallel_loop3A_352 : i32 to vector<16xi32>
        %parallel_loop3A_354 = arith.addi %parallel_loop3A_335, %parallel_loop3A_353 : vector<16xi32>
        %parallel_loop3A_355 = tpu.vector_load_idx %arg8[%parallel_loop3A_354] : memref<54288xf32, #tpu.memory_space<vmem>>[vector<16xi32>], vector<16xf32>,
        %parallel_loop3A_356 = arith.constant 5 : i32
        %parallel_loop3A_357 = vector.broadcast %parallel_loop3A_356 : i32 to vector<16xi32>
        %parallel_loop3A_358 = arith.addi %parallel_loop3A_335, %parallel_loop3A_357 : vector<16xi32>
        %parallel_loop3A_359 = tpu.vector_load_idx %arg8[%parallel_loop3A_358] : memref<54288xf32, #tpu.memory_space<vmem>>[vector<16xi32>], vector<16xf32>,
        %parallel_loop3A_360 = arith.constant 6 : i32
        %parallel_loop3A_361 = vector.broadcast %parallel_loop3A_360 : i32 to vector<16xi32>
        %parallel_loop3A_362 = arith.addi %parallel_loop3A_335, %parallel_loop3A_361 : vector<16xi32>
        %parallel_loop3A_363 = tpu.vector_load_idx %arg8[%parallel_loop3A_362] : memref<54288xf32, #tpu.memory_space<vmem>>[vector<16xi32>], vector<16xf32>,
        %parallel_loop3A_364 = arith.constant 7 : i32
        %parallel_loop3A_365 = vector.broadcast %parallel_loop3A_364 : i32 to vector<16xi32>
        %parallel_loop3A_366 = arith.addi %parallel_loop3A_335, %parallel_loop3A_365 : vector<16xi32>
        %parallel_loop3A_367 = tpu.vector_load_idx %arg8[%parallel_loop3A_366] : memref<54288xf32, #tpu.memory_space<vmem>>[vector<16xi32>], vector<16xf32>,
        %parallel_loop3A_368 = arith.mulf %parallel_loop3A_329, %gather3A : vector<16xf32>
        %parallel_loop3A_369 = arith.addf %parallel_loop3A_339, %parallel_loop3A_368 : vector<16xf32>
        %parallel_loop3A_370 = arith.mulf %parallel_loop3A_329, %gather3A_106 : vector<16xf32>
        %parallel_loop3A_371 = arith.addf %parallel_loop3A_343, %parallel_loop3A_370 : vector<16xf32>
        %parallel_loop3A_372 = arith.mulf %parallel_loop3A_329, %gather3A_110 : vector<16xf32>
        %parallel_loop3A_373 = arith.addf %parallel_loop3A_347, %parallel_loop3A_372 : vector<16xf32>
        %parallel_loop3A_374 = arith.mulf %parallel_loop3A_329, %gather3A_114 : vector<16xf32>
        %parallel_loop3A_375 = arith.addf %parallel_loop3A_351, %parallel_loop3A_374 : vector<16xf32>
        %parallel_loop3A_376 = arith.mulf %parallel_loop3A_329, %gather3A_118 : vector<16xf32>
        %parallel_loop3A_377 = arith.addf %parallel_loop3A_355, %parallel_loop3A_376 : vector<16xf32>
        %parallel_loop3A_378 = arith.mulf %parallel_loop3A_329, %gather3A_122 : vector<16xf32>
        %parallel_loop3A_379 = arith.addf %parallel_loop3A_359, %parallel_loop3A_378 : vector<16xf32>
        %parallel_loop3A_380 = arith.mulf %parallel_loop3A_329, %gather3A_126 : vector<16xf32>
        %parallel_loop3A_381 = arith.addf %parallel_loop3A_363, %parallel_loop3A_380 : vector<16xf32>
        %parallel_loop3A_382 = arith.mulf %parallel_loop3A_329, %gather3A_130 : vector<16xf32>
        %parallel_loop3A_383 = arith.addf %parallel_loop3A_367, %parallel_loop3A_382 : vector<16xf32>
        %parallel_loop3A_384 = arith.constant 0 : i32
        %parallel_loop3A_385 = arith.addi %parallel_loop3A_319, %parallel_loop3A_384 : i32
        %parallel_loop3A_386 = arith.index_cast %parallel_loop3A_385 : i32 to index
        %parallel_loop3A_387 = tpu.vector_load %arg13[%parallel_loop3A_386] {strides = array<i32>} : memref<16384xf32, #tpu.memory_space<vmem>>, vector<16xf32>,
        tpu.vector_store %arg13[%parallel_loop3A_386], %parallel_loop3A_369 {strides = array<i32>} : memref<16384xf32, #tpu.memory_space<vmem>>, vector<16xf32>,
        %parallel_loop3A_388 = arith.constant 128 : i32
        %parallel_loop3A_389 = arith.addi %parallel_loop3A_319, %parallel_loop3A_388 : i32
        %parallel_loop3A_390 = arith.index_cast %parallel_loop3A_389 : i32 to index
        %parallel_loop3A_391 = tpu.vector_load %arg13[%parallel_loop3A_390] {strides = array<i32>} : memref<16384xf32, #tpu.memory_space<vmem>>, vector<16xf32>,
        tpu.vector_store %arg13[%parallel_loop3A_390], %parallel_loop3A_371 {strides = array<i32>} : memref<16384xf32, #tpu.memory_space<vmem>>, vector<16xf32>,
        %parallel_loop3A_392 = arith.constant 256 : i32
        %parallel_loop3A_393 = arith.addi %parallel_loop3A_319, %parallel_loop3A_392 : i32
        %parallel_loop3A_394 = arith.index_cast %parallel_loop3A_393 : i32 to index
        %parallel_loop3A_395 = tpu.vector_load %arg13[%parallel_loop3A_394] {strides = array<i32>} : memref<16384xf32, #tpu.memory_space<vmem>>, vector<16xf32>,
        tpu.vector_store %arg13[%parallel_loop3A_394], %parallel_loop3A_373 {strides = array<i32>} : memref<16384xf32, #tpu.memory_space<vmem>>, vector<16xf32>,
        %parallel_loop3A_396 = arith.constant 384 : i32
        %parallel_loop3A_397 = arith.addi %parallel_loop3A_319, %parallel_loop3A_396 : i32
        %parallel_loop3A_398 = arith.index_cast %parallel_loop3A_397 : i32 to index
        %parallel_loop3A_399 = tpu.vector_load %arg13[%parallel_loop3A_398] {strides = array<i32>} : memref<16384xf32, #tpu.memory_space<vmem>>, vector<16xf32>,
        tpu.vector_store %arg13[%parallel_loop3A_398], %parallel_loop3A_375 {strides = array<i32>} : memref<16384xf32, #tpu.memory_space<vmem>>, vector<16xf32>,
        %parallel_loop3A_400 = arith.constant 512 : i32
        %parallel_loop3A_401 = arith.addi %parallel_loop3A_319, %parallel_loop3A_400 : i32
        %parallel_loop3A_402 = arith.index_cast %parallel_loop3A_401 : i32 to index
        %parallel_loop3A_403 = tpu.vector_load %arg13[%parallel_loop3A_402] {strides = array<i32>} : memref<16384xf32, #tpu.memory_space<vmem>>, vector<16xf32>,
        tpu.vector_store %arg13[%parallel_loop3A_402], %parallel_loop3A_377 {strides = array<i32>} : memref<16384xf32, #tpu.memory_space<vmem>>, vector<16xf32>,
        %parallel_loop3A_404 = arith.constant 640 : i32
        %parallel_loop3A_405 = arith.addi %parallel_loop3A_319, %parallel_loop3A_404 : i32
        %parallel_loop3A_406 = arith.index_cast %parallel_loop3A_405 : i32 to index
        %parallel_loop3A_407 = tpu.vector_load %arg13[%parallel_loop3A_406] {strides = array<i32>} : memref<16384xf32, #tpu.memory_space<vmem>>, vector<16xf32>,
        tpu.vector_store %arg13[%parallel_loop3A_406], %parallel_loop3A_379 {strides = array<i32>} : memref<16384xf32, #tpu.memory_space<vmem>>, vector<16xf32>,
        %parallel_loop3A_408 = arith.constant 768 : i32
        %parallel_loop3A_409 = arith.addi %parallel_loop3A_319, %parallel_loop3A_408 : i32
        %parallel_loop3A_410 = arith.index_cast %parallel_loop3A_409 : i32 to index
        %parallel_loop3A_411 = tpu.vector_load %arg13[%parallel_loop3A_410] {strides = array<i32>} : memref<16384xf32, #tpu.memory_space<vmem>>, vector<16xf32>,
        tpu.vector_store %arg13[%parallel_loop3A_410], %parallel_loop3A_381 {strides = array<i32>} : memref<16384xf32, #tpu.memory_space<vmem>>, vector<16xf32>,
        %parallel_loop3A_412 = arith.constant 896 : i32
        %parallel_loop3A_413 = arith.addi %parallel_loop3A_319, %parallel_loop3A_412 : i32
        %parallel_loop3A_414 = arith.index_cast %parallel_loop3A_413 : i32 to index
        %parallel_loop3A_415 = tpu.vector_load %arg13[%parallel_loop3A_414] {strides = array<i32>} : memref<16384xf32, #tpu.memory_space<vmem>>, vector<16xf32>,
        tpu.vector_store %arg13[%parallel_loop3A_414], %parallel_loop3A_383 {strides = array<i32>} : memref<16384xf32, #tpu.memory_space<vmem>>, vector<16xf32>,
        %parallel_loop3A_416 = arith.constant 2 : i32
        %parallel_loop3A_417 = arith.constant 0 : i32
        %parallel_loop3A_418 = arith.cmpi eq, %parallel_loop3A_416, %parallel_loop3A_417 : i32
        %parallel_loop3A_419 = arith.constant 1 : i32
        %parallel_loop3A_420 = arith.select %parallel_loop3A_418, %parallel_loop3A_419, %parallel_loop3A_416 : i32
        %parallel_loop3A_421 = arith.remsi %parallel_loop3A_267, %parallel_loop3A_420 : i32
        %parallel_loop3A_422 = arith.constant 0 : i32
        %parallel_loop3A_423 = arith.cmpi ne, %parallel_loop3A_421, %parallel_loop3A_422 : i32
        %parallel_loop3A_424 = arith.constant 0 : i32
        %parallel_loop3A_425 = arith.cmpi slt, %parallel_loop3A_421, %parallel_loop3A_424 : i32
        %parallel_loop3A_426 = arith.constant 0 : i32
        %parallel_loop3A_427 = arith.cmpi slt, %parallel_loop3A_420, %parallel_loop3A_426 : i32
        %parallel_loop3A_428 = arith.xori %parallel_loop3A_425, %parallel_loop3A_427 : i1
        %parallel_loop3A_429 = arith.andi %parallel_loop3A_428, %parallel_loop3A_423 : i1
        %parallel_loop3A_430 = arith.addi %parallel_loop3A_421, %parallel_loop3A_420 : i32
        %parallel_loop3A_431 = arith.select %parallel_loop3A_429, %parallel_loop3A_430, %parallel_loop3A_421 : i32
        %parallel_loop3A_432 = arith.constant 4 : i32
        %parallel_loop3A_433 = arith.muli %parallel_loop3A_431, %parallel_loop3A_432 : i32
        %parallel_loop3A_434 = arith.constant 1 : i32
        %parallel_loop3A_435 = arith.addi %parallel_loop3A_433, %parallel_loop3A_434 : i32
        %parallel_loop3A_436 = arith.constant 16 : i32
        %parallel_loop3A_437 = arith.muli %select_n3A_100, %parallel_loop3A_436 : i32
        %parallel_loop3A_438 = arith.addi %parallel_loop3A_437, %parallel_loop3A_291 : i32
        %parallel_loop3A_439 = arith.constant 1024 : i32
        %parallel_loop3A_440 = arith.muli %parallel_loop3A_291, %parallel_loop3A_439 : i32
        %parallel_loop3A_441 = arith.constant 16 : i32
        %parallel_loop3A_442 = arith.muli %parallel_loop3A_435, %parallel_loop3A_441 : i32
        %parallel_loop3A_443 = arith.addi %parallel_loop3A_440, %parallel_loop3A_442 : i32
        %parallel_loop3A_444 = arith.constant 16 : i32
        %parallel_loop3A_445 = arith.muli %parallel_loop3A_435, %parallel_loop3A_444 : i32
        %parallel_loop3A_446 = arith.index_cast %parallel_loop3A_438 : i32 to index
        %parallel_loop3A_447 = arith.index_cast %parallel_loop3A_445 : i32 to index
        %parallel_loop3A_448 = tpu.vector_load %arg11[%parallel_loop3A_446, %parallel_loop3A_447] {strides = array<i32>} : memref<32x128xi32, #tpu.memory_space<vmem>>, vector<16xi32>,
        %parallel_loop3A_449 = arith.constant 16 : i32
        %parallel_loop3A_450 = arith.muli %parallel_loop3A_435, %parallel_loop3A_449 : i32
        %parallel_loop3A_451 = arith.index_cast %parallel_loop3A_438 : i32 to index
        %parallel_loop3A_452 = arith.index_cast %parallel_loop3A_450 : i32 to index
        %parallel_loop3A_453 = tpu.vector_load %arg12[%parallel_loop3A_451, %parallel_loop3A_452] {strides = array<i32>} : memref<32x128xf32, #tpu.memory_space<vmem>>, vector<16xf32>,
        %parallel_loop3A_454 = arith.constant 64 : i32
        %parallel_loop3A_455 = vector.broadcast %parallel_loop3A_454 : i32 to vector<16xi32>
        %parallel_loop3A_456 = arith.muli %parallel_loop3A_448, %parallel_loop3A_455 : vector<16xi32>
        %parallel_loop3A_457 = arith.addi %mul3A_9, %parallel_loop3A_456 : vector<16xi32>
        %parallel_loop3A_458 = vector.broadcast %mul3A_84 : i32 to vector<16xi32>
        %parallel_loop3A_459 = arith.addi %parallel_loop3A_457, %parallel_loop3A_458 : vector<16xi32>
        %parallel_loop3A_460 = arith.constant 0 : i32
        %parallel_loop3A_461 = vector.broadcast %parallel_loop3A_460 : i32 to vector<16xi32>
        %parallel_loop3A_462 = arith.addi %parallel_loop3A_459, %parallel_loop3A_461 : vector<16xi32>
        %parallel_loop3A_463 = tpu.vector_load_idx %arg8[%parallel_loop3A_462] : memref<54288xf32, #tpu.memory_space<vmem>>[vector<16xi32>], vector<16xf32>,
        %parallel_loop3A_464 = arith.constant 1 : i32
        %parallel_loop3A_465 = vector.broadcast %parallel_loop3A_464 : i32 to vector<16xi32>
        %parallel_loop3A_466 = arith.addi %parallel_loop3A_459, %parallel_loop3A_465 : vector<16xi32>
        %parallel_loop3A_467 = tpu.vector_load_idx %arg8[%parallel_loop3A_466] : memref<54288xf32, #tpu.memory_space<vmem>>[vector<16xi32>], vector<16xf32>,
        %parallel_loop3A_468 = arith.constant 2 : i32
        %parallel_loop3A_469 = vector.broadcast %parallel_loop3A_468 : i32 to vector<16xi32>
        %parallel_loop3A_470 = arith.addi %parallel_loop3A_459, %parallel_loop3A_469 : vector<16xi32>
        %parallel_loop3A_471 = tpu.vector_load_idx %arg8[%parallel_loop3A_470] : memref<54288xf32, #tpu.memory_space<vmem>>[vector<16xi32>], vector<16xf32>,
        %parallel_loop3A_472 = arith.constant 3 : i32
        %parallel_loop3A_473 = vector.broadcast %parallel_loop3A_472 : i32 to vector<16xi32>
        %parallel_loop3A_474 = arith.addi %parallel_loop3A_459, %parallel_loop3A_473 : vector<16xi32>
        %parallel_loop3A_475 = tpu.vector_load_idx %arg8[%parallel_loop3A_474] : memref<54288xf32, #tpu.memory_space<vmem>>[vector<16xi32>], vector<16xf32>,
        %parallel_loop3A_476 = arith.constant 4 : i32
        %parallel_loop3A_477 = vector.broadcast %parallel_loop3A_476 : i32 to vector<16xi32>
        %parallel_loop3A_478 = arith.addi %parallel_loop3A_459, %parallel_loop3A_477 : vector<16xi32>
        %parallel_loop3A_479 = tpu.vector_load_idx %arg8[%parallel_loop3A_478] : memref<54288xf32, #tpu.memory_space<vmem>>[vector<16xi32>], vector<16xf32>,
        %parallel_loop3A_480 = arith.constant 5 : i32
        %parallel_loop3A_481 = vector.broadcast %parallel_loop3A_480 : i32 to vector<16xi32>
        %parallel_loop3A_482 = arith.addi %parallel_loop3A_459, %parallel_loop3A_481 : vector<16xi32>
        %parallel_loop3A_483 = tpu.vector_load_idx %arg8[%parallel_loop3A_482] : memref<54288xf32, #tpu.memory_space<vmem>>[vector<16xi32>], vector<16xf32>,
        %parallel_loop3A_484 = arith.constant 6 : i32
        %parallel_loop3A_485 = vector.broadcast %parallel_loop3A_484 : i32 to vector<16xi32>
        %parallel_loop3A_486 = arith.addi %parallel_loop3A_459, %parallel_loop3A_485 : vector<16xi32>
        %parallel_loop3A_487 = tpu.vector_load_idx %arg8[%parallel_loop3A_486] : memref<54288xf32, #tpu.memory_space<vmem>>[vector<16xi32>], vector<16xf32>,
        %parallel_loop3A_488 = arith.constant 7 : i32
        %parallel_loop3A_489 = vector.broadcast %parallel_loop3A_488 : i32 to vector<16xi32>
        %parallel_loop3A_490 = arith.addi %parallel_loop3A_459, %parallel_loop3A_489 : vector<16xi32>
        %parallel_loop3A_491 = tpu.vector_load_idx %arg8[%parallel_loop3A_490] : memref<54288xf32, #tpu.memory_space<vmem>>[vector<16xi32>], vector<16xf32>,
        %parallel_loop3A_492 = arith.mulf %parallel_loop3A_453, %gather3A : vector<16xf32>
        %parallel_loop3A_493 = arith.addf %parallel_loop3A_463, %parallel_loop3A_492 : vector<16xf32>
        %parallel_loop3A_494 = arith.mulf %parallel_loop3A_453, %gather3A_106 : vector<16xf32>
        %parallel_loop3A_495 = arith.addf %parallel_loop3A_467, %parallel_loop3A_494 : vector<16xf32>
        %parallel_loop3A_496 = arith.mulf %parallel_loop3A_453, %gather3A_110 : vector<16xf32>
        %parallel_loop3A_497 = arith.addf %parallel_loop3A_471, %parallel_loop3A_496 : vector<16xf32>
        %parallel_loop3A_498 = arith.mulf %parallel_loop3A_453, %gather3A_114 : vector<16xf32>
        %parallel_loop3A_499 = arith.addf %parallel_loop3A_475, %parallel_loop3A_498 : vector<16xf32>
        %parallel_loop3A_500 = arith.mulf %parallel_loop3A_453, %gather3A_118 : vector<16xf32>
        %parallel_loop3A_501 = arith.addf %parallel_loop3A_479, %parallel_loop3A_500 : vector<16xf32>
        %parallel_loop3A_502 = arith.mulf %parallel_loop3A_453, %gather3A_122 : vector<16xf32>
        %parallel_loop3A_503 = arith.addf %parallel_loop3A_483, %parallel_loop3A_502 : vector<16xf32>
        %parallel_loop3A_504 = arith.mulf %parallel_loop3A_453, %gather3A_126 : vector<16xf32>
        %parallel_loop3A_505 = arith.addf %parallel_loop3A_487, %parallel_loop3A_504 : vector<16xf32>
        %parallel_loop3A_506 = arith.mulf %parallel_loop3A_453, %gather3A_130 : vector<16xf32>
        %parallel_loop3A_507 = arith.addf %parallel_loop3A_491, %parallel_loop3A_506 : vector<16xf32>
        %parallel_loop3A_508 = arith.constant 0 : i32
        %parallel_loop3A_509 = arith.addi %parallel_loop3A_443, %parallel_loop3A_508 : i32
        %parallel_loop3A_510 = arith.index_cast %parallel_loop3A_509 : i32 to index
        %parallel_loop3A_511 = tpu.vector_load %arg13[%parallel_loop3A_510] {strides = array<i32>} : memref<16384xf32, #tpu.memory_space<vmem>>, vector<16xf32>,
        tpu.vector_store %arg13[%parallel_loop3A_510], %parallel_loop3A_493 {strides = array<i32>} : memref<16384xf32, #tpu.memory_space<vmem>>, vector<16xf32>,
        %parallel_loop3A_512 = arith.constant 128 : i32
        %parallel_loop3A_513 = arith.addi %parallel_loop3A_443, %parallel_loop3A_512 : i32
        %parallel_loop3A_514 = arith.index_cast %parallel_loop3A_513 : i32 to index
        %parallel_loop3A_515 = tpu.vector_load %arg13[%parallel_loop3A_514] {strides = array<i32>} : memref<16384xf32, #tpu.memory_space<vmem>>, vector<16xf32>,
        tpu.vector_store %arg13[%parallel_loop3A_514], %parallel_loop3A_495 {strides = array<i32>} : memref<16384xf32, #tpu.memory_space<vmem>>, vector<16xf32>,
        %parallel_loop3A_516 = arith.constant 256 : i32
        %parallel_loop3A_517 = arith.addi %parallel_loop3A_443, %parallel_loop3A_516 : i32
        %parallel_loop3A_518 = arith.index_cast %parallel_loop3A_517 : i32 to index
        %parallel_loop3A_519 = tpu.vector_load %arg13[%parallel_loop3A_518] {strides = array<i32>} : memref<16384xf32, #tpu.memory_space<vmem>>, vector<16xf32>,
        tpu.vector_store %arg13[%parallel_loop3A_518], %parallel_loop3A_497 {strides = array<i32>} : memref<16384xf32, #tpu.memory_space<vmem>>, vector<16xf32>,
        %parallel_loop3A_520 = arith.constant 384 : i32
        %parallel_loop3A_521 = arith.addi %parallel_loop3A_443, %parallel_loop3A_520 : i32
        %parallel_loop3A_522 = arith.index_cast %parallel_loop3A_521 : i32 to index
        %parallel_loop3A_523 = tpu.vector_load %arg13[%parallel_loop3A_522] {strides = array<i32>} : memref<16384xf32, #tpu.memory_space<vmem>>, vector<16xf32>,
        tpu.vector_store %arg13[%parallel_loop3A_522], %parallel_loop3A_499 {strides = array<i32>} : memref<16384xf32, #tpu.memory_space<vmem>>, vector<16xf32>,
        %parallel_loop3A_524 = arith.constant 512 : i32
        %parallel_loop3A_525 = arith.addi %parallel_loop3A_443, %parallel_loop3A_524 : i32
        %parallel_loop3A_526 = arith.index_cast %parallel_loop3A_525 : i32 to index
        %parallel_loop3A_527 = tpu.vector_load %arg13[%parallel_loop3A_526] {strides = array<i32>} : memref<16384xf32, #tpu.memory_space<vmem>>, vector<16xf32>,
        tpu.vector_store %arg13[%parallel_loop3A_526], %parallel_loop3A_501 {strides = array<i32>} : memref<16384xf32, #tpu.memory_space<vmem>>, vector<16xf32>,
        %parallel_loop3A_528 = arith.constant 640 : i32
        %parallel_loop3A_529 = arith.addi %parallel_loop3A_443, %parallel_loop3A_528 : i32
        %parallel_loop3A_530 = arith.index_cast %parallel_loop3A_529 : i32 to index
        %parallel_loop3A_531 = tpu.vector_load %arg13[%parallel_loop3A_530] {strides = array<i32>} : memref<16384xf32, #tpu.memory_space<vmem>>, vector<16xf32>,
        tpu.vector_store %arg13[%parallel_loop3A_530], %parallel_loop3A_503 {strides = array<i32>} : memref<16384xf32, #tpu.memory_space<vmem>>, vector<16xf32>,
        %parallel_loop3A_532 = arith.constant 768 : i32
        %parallel_loop3A_533 = arith.addi %parallel_loop3A_443, %parallel_loop3A_532 : i32
        %parallel_loop3A_534 = arith.index_cast %parallel_loop3A_533 : i32 to index
        %parallel_loop3A_535 = tpu.vector_load %arg13[%parallel_loop3A_534] {strides = array<i32>} : memref<16384xf32, #tpu.memory_space<vmem>>, vector<16xf32>,
        tpu.vector_store %arg13[%parallel_loop3A_534], %parallel_loop3A_505 {strides = array<i32>} : memref<16384xf32, #tpu.memory_space<vmem>>, vector<16xf32>,
        %parallel_loop3A_536 = arith.constant 896 : i32
        %parallel_loop3A_537 = arith.addi %parallel_loop3A_443, %parallel_loop3A_536 : i32
        %parallel_loop3A_538 = arith.index_cast %parallel_loop3A_537 : i32 to index
        %parallel_loop3A_539 = tpu.vector_load %arg13[%parallel_loop3A_538] {strides = array<i32>} : memref<16384xf32, #tpu.memory_space<vmem>>, vector<16xf32>,
        tpu.vector_store %arg13[%parallel_loop3A_538], %parallel_loop3A_507 {strides = array<i32>} : memref<16384xf32, #tpu.memory_space<vmem>>, vector<16xf32>,
        %parallel_loop3A_540 = arith.constant 2 : i32
        %parallel_loop3A_541 = arith.constant 0 : i32
        %parallel_loop3A_542 = arith.cmpi eq, %parallel_loop3A_540, %parallel_loop3A_541 : i32
        %parallel_loop3A_543 = arith.constant 1 : i32
        %parallel_loop3A_544 = arith.select %parallel_loop3A_542, %parallel_loop3A_543, %parallel_loop3A_540 : i32
        %parallel_loop3A_545 = arith.remsi %parallel_loop3A_267, %parallel_loop3A_544 : i32
        %parallel_loop3A_546 = arith.constant 0 : i32
        %parallel_loop3A_547 = arith.cmpi ne, %parallel_loop3A_545, %parallel_loop3A_546 : i32
        %parallel_loop3A_548 = arith.constant 0 : i32
        %parallel_loop3A_549 = arith.cmpi slt, %parallel_loop3A_545, %parallel_loop3A_548 : i32
        %parallel_loop3A_550 = arith.constant 0 : i32
        %parallel_loop3A_551 = arith.cmpi slt, %parallel_loop3A_544, %parallel_loop3A_550 : i32
        %parallel_loop3A_552 = arith.xori %parallel_loop3A_549, %parallel_loop3A_551 : i1
        %parallel_loop3A_553 = arith.andi %parallel_loop3A_552, %parallel_loop3A_547 : i1
        %parallel_loop3A_554 = arith.addi %parallel_loop3A_545, %parallel_loop3A_544 : i32
        %parallel_loop3A_555 = arith.select %parallel_loop3A_553, %parallel_loop3A_554, %parallel_loop3A_545 : i32
        %parallel_loop3A_556 = arith.constant 4 : i32
        %parallel_loop3A_557 = arith.muli %parallel_loop3A_555, %parallel_loop3A_556 : i32
        %parallel_loop3A_558 = arith.constant 2 : i32
        %parallel_loop3A_559 = arith.addi %parallel_loop3A_557, %parallel_loop3A_558 : i32
        %parallel_loop3A_560 = arith.constant 16 : i32
        %parallel_loop3A_561 = arith.muli %select_n3A_100, %parallel_loop3A_560 : i32
        %parallel_loop3A_562 = arith.addi %parallel_loop3A_561, %parallel_loop3A_291 : i32
        %parallel_loop3A_563 = arith.constant 1024 : i32
        %parallel_loop3A_564 = arith.muli %parallel_loop3A_291, %parallel_loop3A_563 : i32
        %parallel_loop3A_565 = arith.constant 16 : i32
        %parallel_loop3A_566 = arith.muli %parallel_loop3A_559, %parallel_loop3A_565 : i32
        %parallel_loop3A_567 = arith.addi %parallel_loop3A_564, %parallel_loop3A_566 : i32
        %parallel_loop3A_568 = arith.constant 16 : i32
        %parallel_loop3A_569 = arith.muli %parallel_loop3A_559, %parallel_loop3A_568 : i32
        %parallel_loop3A_570 = arith.index_cast %parallel_loop3A_562 : i32 to index
        %parallel_loop3A_571 = arith.index_cast %parallel_loop3A_569 : i32 to index
        %parallel_loop3A_572 = tpu.vector_load %arg11[%parallel_loop3A_570, %parallel_loop3A_571] {strides = array<i32>} : memref<32x128xi32, #tpu.memory_space<vmem>>, vector<16xi32>,
        %parallel_loop3A_573 = arith.constant 16 : i32
        %parallel_loop3A_574 = arith.muli %parallel_loop3A_559, %parallel_loop3A_573 : i32
        %parallel_loop3A_575 = arith.index_cast %parallel_loop3A_562 : i32 to index
        %parallel_loop3A_576 = arith.index_cast %parallel_loop3A_574 : i32 to index
        %parallel_loop3A_577 = tpu.vector_load %arg12[%parallel_loop3A_575, %parallel_loop3A_576] {strides = array<i32>} : memref<32x128xf32, #tpu.memory_space<vmem>>, vector<16xf32>,
        %parallel_loop3A_578 = arith.constant 64 : i32
        %parallel_loop3A_579 = vector.broadcast %parallel_loop3A_578 : i32 to vector<16xi32>
        %parallel_loop3A_580 = arith.muli %parallel_loop3A_572, %parallel_loop3A_579 : vector<16xi32>
        %parallel_loop3A_581 = arith.addi %mul3A_9, %parallel_loop3A_580 : vector<16xi32>
        %parallel_loop3A_582 = vector.broadcast %mul3A_84 : i32 to vector<16xi32>
        %parallel_loop3A_583 = arith.addi %parallel_loop3A_581, %parallel_loop3A_582 : vector<16xi32>
        %parallel_loop3A_584 = arith.constant 0 : i32
        %parallel_loop3A_585 = vector.broadcast %parallel_loop3A_584 : i32 to vector<16xi32>
        %parallel_loop3A_586 = arith.addi %parallel_loop3A_583, %parallel_loop3A_585 : vector<16xi32>
        %parallel_loop3A_587 = tpu.vector_load_idx %arg8[%parallel_loop3A_586] : memref<54288xf32, #tpu.memory_space<vmem>>[vector<16xi32>], vector<16xf32>,
        %parallel_loop3A_588 = arith.constant 1 : i32
        %parallel_loop3A_589 = vector.broadcast %parallel_loop3A_588 : i32 to vector<16xi32>
        %parallel_loop3A_590 = arith.addi %parallel_loop3A_583, %parallel_loop3A_589 : vector<16xi32>
        %parallel_loop3A_591 = tpu.vector_load_idx %arg8[%parallel_loop3A_590] : memref<54288xf32, #tpu.memory_space<vmem>>[vector<16xi32>], vector<16xf32>,
        %parallel_loop3A_592 = arith.constant 2 : i32
        %parallel_loop3A_593 = vector.broadcast %parallel_loop3A_592 : i32 to vector<16xi32>
        %parallel_loop3A_594 = arith.addi %parallel_loop3A_583, %parallel_loop3A_593 : vector<16xi32>
        %parallel_loop3A_595 = tpu.vector_load_idx %arg8[%parallel_loop3A_594] : memref<54288xf32, #tpu.memory_space<vmem>>[vector<16xi32>], vector<16xf32>,
        %parallel_loop3A_596 = arith.constant 3 : i32
        %parallel_loop3A_597 = vector.broadcast %parallel_loop3A_596 : i32 to vector<16xi32>
        %parallel_loop3A_598 = arith.addi %parallel_loop3A_583, %parallel_loop3A_597 : vector<16xi32>
        %parallel_loop3A_599 = tpu.vector_load_idx %arg8[%parallel_loop3A_598] : memref<54288xf32, #tpu.memory_space<vmem>>[vector<16xi32>], vector<16xf32>,
        %parallel_loop3A_600 = arith.constant 4 : i32
        %parallel_loop3A_601 = vector.broadcast %parallel_loop3A_600 : i32 to vector<16xi32>
        %parallel_loop3A_602 = arith.addi %parallel_loop3A_583, %parallel_loop3A_601 : vector<16xi32>
        %parallel_loop3A_603 = tpu.vector_load_idx %arg8[%parallel_loop3A_602] : memref<54288xf32, #tpu.memory_space<vmem>>[vector<16xi32>], vector<16xf32>,
        %parallel_loop3A_604 = arith.constant 5 : i32
        %parallel_loop3A_605 = vector.broadcast %parallel_loop3A_604 : i32 to vector<16xi32>
        %parallel_loop3A_606 = arith.addi %parallel_loop3A_583, %parallel_loop3A_605 : vector<16xi32>
        %parallel_loop3A_607 = tpu.vector_load_idx %arg8[%parallel_loop3A_606] : memref<54288xf32, #tpu.memory_space<vmem>>[vector<16xi32>], vector<16xf32>,
        %parallel_loop3A_608 = arith.constant 6 : i32
        %parallel_loop3A_609 = vector.broadcast %parallel_loop3A_608 : i32 to vector<16xi32>
        %parallel_loop3A_610 = arith.addi %parallel_loop3A_583, %parallel_loop3A_609 : vector<16xi32>
        %parallel_loop3A_611 = tpu.vector_load_idx %arg8[%parallel_loop3A_610] : memref<54288xf32, #tpu.memory_space<vmem>>[vector<16xi32>], vector<16xf32>,
        %parallel_loop3A_612 = arith.constant 7 : i32
        %parallel_loop3A_613 = vector.broadcast %parallel_loop3A_612 : i32 to vector<16xi32>
        %parallel_loop3A_614 = arith.addi %parallel_loop3A_583, %parallel_loop3A_613 : vector<16xi32>
        %parallel_loop3A_615 = tpu.vector_load_idx %arg8[%parallel_loop3A_614] : memref<54288xf32, #tpu.memory_space<vmem>>[vector<16xi32>], vector<16xf32>,
        %parallel_loop3A_616 = arith.mulf %parallel_loop3A_577, %gather3A : vector<16xf32>
        %parallel_loop3A_617 = arith.addf %parallel_loop3A_587, %parallel_loop3A_616 : vector<16xf32>
        %parallel_loop3A_618 = arith.mulf %parallel_loop3A_577, %gather3A_106 : vector<16xf32>
        %parallel_loop3A_619 = arith.addf %parallel_loop3A_591, %parallel_loop3A_618 : vector<16xf32>
        %parallel_loop3A_620 = arith.mulf %parallel_loop3A_577, %gather3A_110 : vector<16xf32>
        %parallel_loop3A_621 = arith.addf %parallel_loop3A_595, %parallel_loop3A_620 : vector<16xf32>
        %parallel_loop3A_622 = arith.mulf %parallel_loop3A_577, %gather3A_114 : vector<16xf32>
        %parallel_loop3A_623 = arith.addf %parallel_loop3A_599, %parallel_loop3A_622 : vector<16xf32>
        %parallel_loop3A_624 = arith.mulf %parallel_loop3A_577, %gather3A_118 : vector<16xf32>
        %parallel_loop3A_625 = arith.addf %parallel_loop3A_603, %parallel_loop3A_624 : vector<16xf32>
        %parallel_loop3A_626 = arith.mulf %parallel_loop3A_577, %gather3A_122 : vector<16xf32>
        %parallel_loop3A_627 = arith.addf %parallel_loop3A_607, %parallel_loop3A_626 : vector<16xf32>
        %parallel_loop3A_628 = arith.mulf %parallel_loop3A_577, %gather3A_126 : vector<16xf32>
        %parallel_loop3A_629 = arith.addf %parallel_loop3A_611, %parallel_loop3A_628 : vector<16xf32>
        %parallel_loop3A_630 = arith.mulf %parallel_loop3A_577, %gather3A_130 : vector<16xf32>
        %parallel_loop3A_631 = arith.addf %parallel_loop3A_615, %parallel_loop3A_630 : vector<16xf32>
        %parallel_loop3A_632 = arith.constant 0 : i32
        %parallel_loop3A_633 = arith.addi %parallel_loop3A_567, %parallel_loop3A_632 : i32
        %parallel_loop3A_634 = arith.index_cast %parallel_loop3A_633 : i32 to index
        %parallel_loop3A_635 = tpu.vector_load %arg13[%parallel_loop3A_634] {strides = array<i32>} : memref<16384xf32, #tpu.memory_space<vmem>>, vector<16xf32>,
        tpu.vector_store %arg13[%parallel_loop3A_634], %parallel_loop3A_617 {strides = array<i32>} : memref<16384xf32, #tpu.memory_space<vmem>>, vector<16xf32>,
        %parallel_loop3A_636 = arith.constant 128 : i32
        %parallel_loop3A_637 = arith.addi %parallel_loop3A_567, %parallel_loop3A_636 : i32
        %parallel_loop3A_638 = arith.index_cast %parallel_loop3A_637 : i32 to index
        %parallel_loop3A_639 = tpu.vector_load %arg13[%parallel_loop3A_638] {strides = array<i32>} : memref<16384xf32, #tpu.memory_space<vmem>>, vector<16xf32>,
        tpu.vector_store %arg13[%parallel_loop3A_638], %parallel_loop3A_619 {strides = array<i32>} : memref<16384xf32, #tpu.memory_space<vmem>>, vector<16xf32>,
        %parallel_loop3A_640 = arith.constant 256 : i32
        %parallel_loop3A_641 = arith.addi %parallel_loop3A_567, %parallel_loop3A_640 : i32
        %parallel_loop3A_642 = arith.index_cast %parallel_loop3A_641 : i32 to index
        %parallel_loop3A_643 = tpu.vector_load %arg13[%parallel_loop3A_642] {strides = array<i32>} : memref<16384xf32, #tpu.memory_space<vmem>>, vector<16xf32>,
        tpu.vector_store %arg13[%parallel_loop3A_642], %parallel_loop3A_621 {strides = array<i32>} : memref<16384xf32, #tpu.memory_space<vmem>>, vector<16xf32>,
        %parallel_loop3A_644 = arith.constant 384 : i32
        %parallel_loop3A_645 = arith.addi %parallel_loop3A_567, %parallel_loop3A_644 : i32
        %parallel_loop3A_646 = arith.index_cast %parallel_loop3A_645 : i32 to index
        %parallel_loop3A_647 = tpu.vector_load %arg13[%parallel_loop3A_646] {strides = array<i32>} : memref<16384xf32, #tpu.memory_space<vmem>>, vector<16xf32>,
        tpu.vector_store %arg13[%parallel_loop3A_646], %parallel_loop3A_623 {strides = array<i32>} : memref<16384xf32, #tpu.memory_space<vmem>>, vector<16xf32>,
        %parallel_loop3A_648 = arith.constant 512 : i32
        %parallel_loop3A_649 = arith.addi %parallel_loop3A_567, %parallel_loop3A_648 : i32
        %parallel_loop3A_650 = arith.index_cast %parallel_loop3A_649 : i32 to index
        %parallel_loop3A_651 = tpu.vector_load %arg13[%parallel_loop3A_650] {strides = array<i32>} : memref<16384xf32, #tpu.memory_space<vmem>>, vector<16xf32>,
        tpu.vector_store %arg13[%parallel_loop3A_650], %parallel_loop3A_625 {strides = array<i32>} : memref<16384xf32, #tpu.memory_space<vmem>>, vector<16xf32>,
        %parallel_loop3A_652 = arith.constant 640 : i32
        %parallel_loop3A_653 = arith.addi %parallel_loop3A_567, %parallel_loop3A_652 : i32
        %parallel_loop3A_654 = arith.index_cast %parallel_loop3A_653 : i32 to index
        %parallel_loop3A_655 = tpu.vector_load %arg13[%parallel_loop3A_654] {strides = array<i32>} : memref<16384xf32, #tpu.memory_space<vmem>>, vector<16xf32>,
        tpu.vector_store %arg13[%parallel_loop3A_654], %parallel_loop3A_627 {strides = array<i32>} : memref<16384xf32, #tpu.memory_space<vmem>>, vector<16xf32>,
        %parallel_loop3A_656 = arith.constant 768 : i32
        %parallel_loop3A_657 = arith.addi %parallel_loop3A_567, %parallel_loop3A_656 : i32
        %parallel_loop3A_658 = arith.index_cast %parallel_loop3A_657 : i32 to index
        %parallel_loop3A_659 = tpu.vector_load %arg13[%parallel_loop3A_658] {strides = array<i32>} : memref<16384xf32, #tpu.memory_space<vmem>>, vector<16xf32>,
        tpu.vector_store %arg13[%parallel_loop3A_658], %parallel_loop3A_629 {strides = array<i32>} : memref<16384xf32, #tpu.memory_space<vmem>>, vector<16xf32>,
        %parallel_loop3A_660 = arith.constant 896 : i32
        %parallel_loop3A_661 = arith.addi %parallel_loop3A_567, %parallel_loop3A_660 : i32
        %parallel_loop3A_662 = arith.index_cast %parallel_loop3A_661 : i32 to index
        %parallel_loop3A_663 = tpu.vector_load %arg13[%parallel_loop3A_662] {strides = array<i32>} : memref<16384xf32, #tpu.memory_space<vmem>>, vector<16xf32>,
        tpu.vector_store %arg13[%parallel_loop3A_662], %parallel_loop3A_631 {strides = array<i32>} : memref<16384xf32, #tpu.memory_space<vmem>>, vector<16xf32>,
        %parallel_loop3A_664 = arith.constant 2 : i32
        %parallel_loop3A_665 = arith.constant 0 : i32
        %parallel_loop3A_666 = arith.cmpi eq, %parallel_loop3A_664, %parallel_loop3A_665 : i32
        %parallel_loop3A_667 = arith.constant 1 : i32
        %parallel_loop3A_668 = arith.select %parallel_loop3A_666, %parallel_loop3A_667, %parallel_loop3A_664 : i32
        %parallel_loop3A_669 = arith.remsi %parallel_loop3A_267, %parallel_loop3A_668 : i32
        %parallel_loop3A_670 = arith.constant 0 : i32
        %parallel_loop3A_671 = arith.cmpi ne, %parallel_loop3A_669, %parallel_loop3A_670 : i32
        %parallel_loop3A_672 = arith.constant 0 : i32
        %parallel_loop3A_673 = arith.cmpi slt, %parallel_loop3A_669, %parallel_loop3A_672 : i32
        %parallel_loop3A_674 = arith.constant 0 : i32
        %parallel_loop3A_675 = arith.cmpi slt, %parallel_loop3A_668, %parallel_loop3A_674 : i32
        %parallel_loop3A_676 = arith.xori %parallel_loop3A_673, %parallel_loop3A_675 : i1
        %parallel_loop3A_677 = arith.andi %parallel_loop3A_676, %parallel_loop3A_671 : i1
        %parallel_loop3A_678 = arith.addi %parallel_loop3A_669, %parallel_loop3A_668 : i32
        %parallel_loop3A_679 = arith.select %parallel_loop3A_677, %parallel_loop3A_678, %parallel_loop3A_669 : i32
        %parallel_loop3A_680 = arith.constant 4 : i32
        %parallel_loop3A_681 = arith.muli %parallel_loop3A_679, %parallel_loop3A_680 : i32
        %parallel_loop3A_682 = arith.constant 3 : i32
        %parallel_loop3A_683 = arith.addi %parallel_loop3A_681, %parallel_loop3A_682 : i32
        %parallel_loop3A_684 = arith.constant 16 : i32
        %parallel_loop3A_685 = arith.muli %select_n3A_100, %parallel_loop3A_684 : i32
        %parallel_loop3A_686 = arith.addi %parallel_loop3A_685, %parallel_loop3A_291 : i32
        %parallel_loop3A_687 = arith.constant 1024 : i32
        %parallel_loop3A_688 = arith.muli %parallel_loop3A_291, %parallel_loop3A_687 : i32
        %parallel_loop3A_689 = arith.constant 16 : i32
        %parallel_loop3A_690 = arith.muli %parallel_loop3A_683, %parallel_loop3A_689 : i32
        %parallel_loop3A_691 = arith.addi %parallel_loop3A_688, %parallel_loop3A_690 : i32
        %parallel_loop3A_692 = arith.constant 16 : i32
        %parallel_loop3A_693 = arith.muli %parallel_loop3A_683, %parallel_loop3A_692 : i32
        %parallel_loop3A_694 = arith.index_cast %parallel_loop3A_686 : i32 to index
        %parallel_loop3A_695 = arith.index_cast %parallel_loop3A_693 : i32 to index
        %parallel_loop3A_696 = tpu.vector_load %arg11[%parallel_loop3A_694, %parallel_loop3A_695] {strides = array<i32>} : memref<32x128xi32, #tpu.memory_space<vmem>>, vector<16xi32>,
        %parallel_loop3A_697 = arith.constant 16 : i32
        %parallel_loop3A_698 = arith.muli %parallel_loop3A_683, %parallel_loop3A_697 : i32
        %parallel_loop3A_699 = arith.index_cast %parallel_loop3A_686 : i32 to index
        %parallel_loop3A_700 = arith.index_cast %parallel_loop3A_698 : i32 to index
        %parallel_loop3A_701 = tpu.vector_load %arg12[%parallel_loop3A_699, %parallel_loop3A_700] {strides = array<i32>} : memref<32x128xf32, #tpu.memory_space<vmem>>, vector<16xf32>,
        %parallel_loop3A_702 = arith.constant 64 : i32
        %parallel_loop3A_703 = vector.broadcast %parallel_loop3A_702 : i32 to vector<16xi32>
        %parallel_loop3A_704 = arith.muli %parallel_loop3A_696, %parallel_loop3A_703 : vector<16xi32>
        %parallel_loop3A_705 = arith.addi %mul3A_9, %parallel_loop3A_704 : vector<16xi32>
        %parallel_loop3A_706 = vector.broadcast %mul3A_84 : i32 to vector<16xi32>
        %parallel_loop3A_707 = arith.addi %parallel_loop3A_705, %parallel_loop3A_706 : vector<16xi32>
        %parallel_loop3A_708 = arith.constant 0 : i32
        %parallel_loop3A_709 = vector.broadcast %parallel_loop3A_708 : i32 to vector<16xi32>
        %parallel_loop3A_710 = arith.addi %parallel_loop3A_707, %parallel_loop3A_709 : vector<16xi32>
        %parallel_loop3A_711 = tpu.vector_load_idx %arg8[%parallel_loop3A_710] : memref<54288xf32, #tpu.memory_space<vmem>>[vector<16xi32>], vector<16xf32>,
        %parallel_loop3A_712 = arith.constant 1 : i32
        %parallel_loop3A_713 = vector.broadcast %parallel_loop3A_712 : i32 to vector<16xi32>
        %parallel_loop3A_714 = arith.addi %parallel_loop3A_707, %parallel_loop3A_713 : vector<16xi32>
        %parallel_loop3A_715 = tpu.vector_load_idx %arg8[%parallel_loop3A_714] : memref<54288xf32, #tpu.memory_space<vmem>>[vector<16xi32>], vector<16xf32>,
        %parallel_loop3A_716 = arith.constant 2 : i32
        %parallel_loop3A_717 = vector.broadcast %parallel_loop3A_716 : i32 to vector<16xi32>
        %parallel_loop3A_718 = arith.addi %parallel_loop3A_707, %parallel_loop3A_717 : vector<16xi32>
        %parallel_loop3A_719 = tpu.vector_load_idx %arg8[%parallel_loop3A_718] : memref<54288xf32, #tpu.memory_space<vmem>>[vector<16xi32>], vector<16xf32>,
        %parallel_loop3A_720 = arith.constant 3 : i32
        %parallel_loop3A_721 = vector.broadcast %parallel_loop3A_720 : i32 to vector<16xi32>
        %parallel_loop3A_722 = arith.addi %parallel_loop3A_707, %parallel_loop3A_721 : vector<16xi32>
        %parallel_loop3A_723 = tpu.vector_load_idx %arg8[%parallel_loop3A_722] : memref<54288xf32, #tpu.memory_space<vmem>>[vector<16xi32>], vector<16xf32>,
        %parallel_loop3A_724 = arith.constant 4 : i32
        %parallel_loop3A_725 = vector.broadcast %parallel_loop3A_724 : i32 to vector<16xi32>
        %parallel_loop3A_726 = arith.addi %parallel_loop3A_707, %parallel_loop3A_725 : vector<16xi32>
        %parallel_loop3A_727 = tpu.vector_load_idx %arg8[%parallel_loop3A_726] : memref<54288xf32, #tpu.memory_space<vmem>>[vector<16xi32>], vector<16xf32>,
        %parallel_loop3A_728 = arith.constant 5 : i32
        %parallel_loop3A_729 = vector.broadcast %parallel_loop3A_728 : i32 to vector<16xi32>
        %parallel_loop3A_730 = arith.addi %parallel_loop3A_707, %parallel_loop3A_729 : vector<16xi32>
        %parallel_loop3A_731 = tpu.vector_load_idx %arg8[%parallel_loop3A_730] : memref<54288xf32, #tpu.memory_space<vmem>>[vector<16xi32>], vector<16xf32>,
        %parallel_loop3A_732 = arith.constant 6 : i32
        %parallel_loop3A_733 = vector.broadcast %parallel_loop3A_732 : i32 to vector<16xi32>
        %parallel_loop3A_734 = arith.addi %parallel_loop3A_707, %parallel_loop3A_733 : vector<16xi32>
        %parallel_loop3A_735 = tpu.vector_load_idx %arg8[%parallel_loop3A_734] : memref<54288xf32, #tpu.memory_space<vmem>>[vector<16xi32>], vector<16xf32>,
        %parallel_loop3A_736 = arith.constant 7 : i32
        %parallel_loop3A_737 = vector.broadcast %parallel_loop3A_736 : i32 to vector<16xi32>
        %parallel_loop3A_738 = arith.addi %parallel_loop3A_707, %parallel_loop3A_737 : vector<16xi32>
        %parallel_loop3A_739 = tpu.vector_load_idx %arg8[%parallel_loop3A_738] : memref<54288xf32, #tpu.memory_space<vmem>>[vector<16xi32>], vector<16xf32>,
        %parallel_loop3A_740 = arith.mulf %parallel_loop3A_701, %gather3A : vector<16xf32>
        %parallel_loop3A_741 = arith.addf %parallel_loop3A_711, %parallel_loop3A_740 : vector<16xf32>
        %parallel_loop3A_742 = arith.mulf %parallel_loop3A_701, %gather3A_106 : vector<16xf32>
        %parallel_loop3A_743 = arith.addf %parallel_loop3A_715, %parallel_loop3A_742 : vector<16xf32>
        %parallel_loop3A_744 = arith.mulf %parallel_loop3A_701, %gather3A_110 : vector<16xf32>
        %parallel_loop3A_745 = arith.addf %parallel_loop3A_719, %parallel_loop3A_744 : vector<16xf32>
        %parallel_loop3A_746 = arith.mulf %parallel_loop3A_701, %gather3A_114 : vector<16xf32>
        %parallel_loop3A_747 = arith.addf %parallel_loop3A_723, %parallel_loop3A_746 : vector<16xf32>
        %parallel_loop3A_748 = arith.mulf %parallel_loop3A_701, %gather3A_118 : vector<16xf32>
        %parallel_loop3A_749 = arith.addf %parallel_loop3A_727, %parallel_loop3A_748 : vector<16xf32>
        %parallel_loop3A_750 = arith.mulf %parallel_loop3A_701, %gather3A_122 : vector<16xf32>
        %parallel_loop3A_751 = arith.addf %parallel_loop3A_731, %parallel_loop3A_750 : vector<16xf32>
        %parallel_loop3A_752 = arith.mulf %parallel_loop3A_701, %gather3A_126 : vector<16xf32>
        %parallel_loop3A_753 = arith.addf %parallel_loop3A_735, %parallel_loop3A_752 : vector<16xf32>
        %parallel_loop3A_754 = arith.mulf %parallel_loop3A_701, %gather3A_130 : vector<16xf32>
        %parallel_loop3A_755 = arith.addf %parallel_loop3A_739, %parallel_loop3A_754 : vector<16xf32>
        %parallel_loop3A_756 = arith.constant 0 : i32
        %parallel_loop3A_757 = arith.addi %parallel_loop3A_691, %parallel_loop3A_756 : i32
        %parallel_loop3A_758 = arith.index_cast %parallel_loop3A_757 : i32 to index
        %parallel_loop3A_759 = tpu.vector_load %arg13[%parallel_loop3A_758] {strides = array<i32>} : memref<16384xf32, #tpu.memory_space<vmem>>, vector<16xf32>,
        tpu.vector_store %arg13[%parallel_loop3A_758], %parallel_loop3A_741 {strides = array<i32>} : memref<16384xf32, #tpu.memory_space<vmem>>, vector<16xf32>,
        %parallel_loop3A_760 = arith.constant 128 : i32
        %parallel_loop3A_761 = arith.addi %parallel_loop3A_691, %parallel_loop3A_760 : i32
        %parallel_loop3A_762 = arith.index_cast %parallel_loop3A_761 : i32 to index
        %parallel_loop3A_763 = tpu.vector_load %arg13[%parallel_loop3A_762] {strides = array<i32>} : memref<16384xf32, #tpu.memory_space<vmem>>, vector<16xf32>,
        tpu.vector_store %arg13[%parallel_loop3A_762], %parallel_loop3A_743 {strides = array<i32>} : memref<16384xf32, #tpu.memory_space<vmem>>, vector<16xf32>,
        %parallel_loop3A_764 = arith.constant 256 : i32
        %parallel_loop3A_765 = arith.addi %parallel_loop3A_691, %parallel_loop3A_764 : i32
        %parallel_loop3A_766 = arith.index_cast %parallel_loop3A_765 : i32 to index
        %parallel_loop3A_767 = tpu.vector_load %arg13[%parallel_loop3A_766] {strides = array<i32>} : memref<16384xf32, #tpu.memory_space<vmem>>, vector<16xf32>,
        tpu.vector_store %arg13[%parallel_loop3A_766], %parallel_loop3A_745 {strides = array<i32>} : memref<16384xf32, #tpu.memory_space<vmem>>, vector<16xf32>,
        %parallel_loop3A_768 = arith.constant 384 : i32
        %parallel_loop3A_769 = arith.addi %parallel_loop3A_691, %parallel_loop3A_768 : i32
        %parallel_loop3A_770 = arith.index_cast %parallel_loop3A_769 : i32 to index
        %parallel_loop3A_771 = tpu.vector_load %arg13[%parallel_loop3A_770] {strides = array<i32>} : memref<16384xf32, #tpu.memory_space<vmem>>, vector<16xf32>,
        tpu.vector_store %arg13[%parallel_loop3A_770], %parallel_loop3A_747 {strides = array<i32>} : memref<16384xf32, #tpu.memory_space<vmem>>, vector<16xf32>,
        %parallel_loop3A_772 = arith.constant 512 : i32
        %parallel_loop3A_773 = arith.addi %parallel_loop3A_691, %parallel_loop3A_772 : i32
        %parallel_loop3A_774 = arith.index_cast %parallel_loop3A_773 : i32 to index
        %parallel_loop3A_775 = tpu.vector_load %arg13[%parallel_loop3A_774] {strides = array<i32>} : memref<16384xf32, #tpu.memory_space<vmem>>, vector<16xf32>,
        tpu.vector_store %arg13[%parallel_loop3A_774], %parallel_loop3A_749 {strides = array<i32>} : memref<16384xf32, #tpu.memory_space<vmem>>, vector<16xf32>,
        %parallel_loop3A_776 = arith.constant 640 : i32
        %parallel_loop3A_777 = arith.addi %parallel_loop3A_691, %parallel_loop3A_776 : i32
        %parallel_loop3A_778 = arith.index_cast %parallel_loop3A_777 : i32 to index
        %parallel_loop3A_779 = tpu.vector_load %arg13[%parallel_loop3A_778] {strides = array<i32>} : memref<16384xf32, #tpu.memory_space<vmem>>, vector<16xf32>,
        tpu.vector_store %arg13[%parallel_loop3A_778], %parallel_loop3A_751 {strides = array<i32>} : memref<16384xf32, #tpu.memory_space<vmem>>, vector<16xf32>,
        %parallel_loop3A_780 = arith.constant 768 : i32
        %parallel_loop3A_781 = arith.addi %parallel_loop3A_691, %parallel_loop3A_780 : i32
        %parallel_loop3A_782 = arith.index_cast %parallel_loop3A_781 : i32 to index
        %parallel_loop3A_783 = tpu.vector_load %arg13[%parallel_loop3A_782] {strides = array<i32>} : memref<16384xf32, #tpu.memory_space<vmem>>, vector<16xf32>,
        tpu.vector_store %arg13[%parallel_loop3A_782], %parallel_loop3A_753 {strides = array<i32>} : memref<16384xf32, #tpu.memory_space<vmem>>, vector<16xf32>,
        %parallel_loop3A_784 = arith.constant 896 : i32
        %parallel_loop3A_785 = arith.addi %parallel_loop3A_691, %parallel_loop3A_784 : i32
        %parallel_loop3A_786 = arith.index_cast %parallel_loop3A_785 : i32 to index
        %parallel_loop3A_787 = tpu.vector_load %arg13[%parallel_loop3A_786] {strides = array<i32>} : memref<16384xf32, #tpu.memory_space<vmem>>, vector<16xf32>,
        tpu.vector_store %arg13[%parallel_loop3A_786], %parallel_loop3A_755 {strides = array<i32>} : memref<16384xf32, #tpu.memory_space<vmem>>, vector<16xf32>,
      } {sc.loop_unroll_factor = 2 : i64, sc.parallel_access}
      %mul3A_133 = arith.constant 16384 : i32
      %mul3A_134 = arith.muli %add3A_27, %mul3A_133 : i32
      %dma_start3A = tpu.memref_slice %arg7[%mul3A_134] : memref<52428800xf32, #tpu.memory_space<hbm>> -> memref<16384xf32, #tpu.memory_space<hbm>>
      %dma_start3A_135 = tpu.memref_slice %arg7[%mul3A_134] : memref<52428800xf32, #tpu.memory_space<hbm>> -> memref<16384xf32, #tpu.memory_space<hbm>>
      tpu.enqueue_dma source(%arg13 : memref<16384xf32, #tpu.memory_space<vmem>>) target(%dma_start3A_135 : memref<16384xf32, #tpu.memory_space<hbm>>) target_semaphore(%arg15 : memref<!tpu.dma_semaphore, #tpu.memory_space<semaphore_mem>>)
      %mul3A_136 = arith.constant 2 : i32
      %mul3A_137 = arith.muli %scan3A_22, %mul3A_136 : i32
      %add3A_138 = arith.constant 1 : i32
      %add3A_139 = arith.addi %mul3A_137, %add3A_138 : i32
      %add3A_140 = arith.addi %mul3A_2, %add3A_139 : i32
      %jit3A_141 = arith.constant 16 : i32
      %eq3A_142 = arith.constant 0 : i32
      %eq3A_143 = arith.cmpi eq, %jit3A_141, %eq3A_142 : i32
      %jit3A_144 = arith.constant 1 : i32
      %select_n3A_145 = arith.select %eq3A_143, %jit3A_144, %jit3A_141 : i32
      %rem3A_146 = arith.remsi %add3A_140, %select_n3A_145 : i32
      %ne3A_147 = arith.constant 0 : i32
      %ne3A_148 = arith.cmpi ne, %rem3A_146, %ne3A_147 : i32
      %lt3A_149 = arith.constant 0 : i32
      %lt3A_150 = arith.cmpi slt, %rem3A_146, %lt3A_149 : i32
      %lt3A_151 = arith.constant 0 : i32
      %lt3A_152 = arith.cmpi slt, %select_n3A_145, %lt3A_151 : i32
      %ne3A_153 = arith.xori %lt3A_150, %lt3A_152 : i1
      %and3A_154 = arith.andi %ne3A_153, %ne3A_148 : i1
      %add3A_155 = arith.addi %rem3A_146, %select_n3A_145 : i32
      %select_n3A_156 = arith.select %and3A_154, %add3A_155, %rem3A_146 : i32
      %eq3A_157 = arith.constant 0 : i32
      %eq3A_158 = arith.cmpi eq, %select_n3A_156, %eq3A_157 : i32
      %eq3A_159 = arith.constant 0 : i32
      %eq3A_160 = arith.cmpi eq, %add3A_139, %eq3A_159 : i32
      %or3A_161 = arith.ori %eq3A_158, %eq3A_160 : i1
      %convert_element_type3A_162 = arith.extui %or3A_161 : i1 to i32
      %cond3A_163 = arith.constant 0 : i32
      %cond3A_164 = arith.cmpi ne, %convert_element_type3A_162, %cond3A_163 : i32
      scf.if %cond3A_164 {
        %jit3A_267 = arith.constant 16 : i32
        %div3A_268 = arith.divsi %add3A_140, %jit3A_267 : i32
        %sign3A_269 = arith.constant 0 : i32
        %sign3A_270 = arith.cmpi sgt, %add3A_140, %sign3A_269 : i32
        %sign3A_271 = arith.extui %sign3A_270 : i1 to i32
        %sign3A_272 = arith.constant 0 : i32
        %sign3A_273 = arith.cmpi slt, %add3A_140, %sign3A_272 : i32
        %sign3A_274 = arith.extui %sign3A_273 : i1 to i32
        %sign3A_275 = arith.subi %sign3A_271, %sign3A_274 : i32
        %sign3A_276 = arith.constant 0 : i32
        %sign3A_277 = arith.cmpi sgt, %jit3A_267, %sign3A_276 : i32
        %sign3A_278 = arith.extui %sign3A_277 : i1 to i32
        %sign3A_279 = arith.constant 0 : i32
        %sign3A_280 = arith.cmpi slt, %jit3A_267, %sign3A_279 : i32
        %sign3A_281 = arith.extui %sign3A_280 : i1 to i32
        %sign3A_282 = arith.subi %sign3A_278, %sign3A_281 : i32
        %ne3A_283 = arith.cmpi ne, %sign3A_275, %sign3A_282 : i32
        %rem3A_284 = arith.remsi %add3A_140, %jit3A_267 : i32
        %ne3A_285 = arith.constant 0 : i32
        %ne3A_286 = arith.cmpi ne, %rem3A_284, %ne3A_285 : i32
        %and3A_287 = arith.andi %ne3A_283, %ne3A_286 : i1
        %sub3A_288 = arith.constant 1 : i32
        %sub3A_289 = arith.subi %div3A_268, %sub3A_288 : i32
        %select_n3A_290 = arith.select %and3A_287, %sub3A_289, %div3A_268 : i32
        %jit3A_291 = arith.constant 8 : i32
        %div3A_292 = arith.divsi %select_n3A_290, %jit3A_291 : i32
        %sign3A_293 = arith.constant 0 : i32
        %sign3A_294 = arith.cmpi sgt, %select_n3A_290, %sign3A_293 : i32
        %sign3A_295 = arith.extui %sign3A_294 : i1 to i32
        %sign3A_296 = arith.constant 0 : i32
        %sign3A_297 = arith.cmpi slt, %select_n3A_290, %sign3A_296 : i32
        %sign3A_298 = arith.extui %sign3A_297 : i1 to i32
        %sign3A_299 = arith.subi %sign3A_295, %sign3A_298 : i32
        %sign3A_300 = arith.constant 0 : i32
        %sign3A_301 = arith.cmpi sgt, %jit3A_291, %sign3A_300 : i32
        %sign3A_302 = arith.extui %sign3A_301 : i1 to i32
        %sign3A_303 = arith.constant 0 : i32
        %sign3A_304 = arith.cmpi slt, %jit3A_291, %sign3A_303 : i32
        %sign3A_305 = arith.extui %sign3A_304 : i1 to i32
        %sign3A_306 = arith.subi %sign3A_302, %sign3A_305 : i32
        %ne3A_307 = arith.cmpi ne, %sign3A_299, %sign3A_306 : i32
        %rem3A_308 = arith.remsi %select_n3A_290, %jit3A_291 : i32
        %ne3A_309 = arith.constant 0 : i32
        %ne3A_310 = arith.cmpi ne, %rem3A_308, %ne3A_309 : i32
        %and3A_311 = arith.andi %ne3A_307, %ne3A_310 : i1
        %sub3A_312 = arith.constant 1 : i32
        %sub3A_313 = arith.subi %div3A_292, %sub3A_312 : i32
        %select_n3A_314 = arith.select %and3A_311, %sub3A_313, %div3A_292 : i32
        %jit3A_315 = arith.constant 8 : i32
        %eq3A_316 = arith.constant 0 : i32
        %eq3A_317 = arith.cmpi eq, %jit3A_315, %eq3A_316 : i32
        %jit3A_318 = arith.constant 1 : i32
        %select_n3A_319 = arith.select %eq3A_317, %jit3A_318, %jit3A_315 : i32
        %rem3A_320 = arith.remsi %select_n3A_290, %select_n3A_319 : i32
        %ne3A_321 = arith.constant 0 : i32
        %ne3A_322 = arith.cmpi ne, %rem3A_320, %ne3A_321 : i32
        %lt3A_323 = arith.constant 0 : i32
        %lt3A_324 = arith.cmpi slt, %rem3A_320, %lt3A_323 : i32
        %lt3A_325 = arith.constant 0 : i32
        %lt3A_326 = arith.cmpi slt, %select_n3A_319, %lt3A_325 : i32
        %ne3A_327 = arith.xori %lt3A_324, %lt3A_326 : i1
        %and3A_328 = arith.andi %ne3A_327, %ne3A_322 : i1
        %add3A_329 = arith.addi %rem3A_320, %select_n3A_319 : i32
        %select_n3A_330 = arith.select %and3A_328, %add3A_329, %rem3A_320 : i32
        "tpu.region"() ({
          %run_scoped3A = tpu.sem_alloc : memref<!tpu.dma_semaphore, #tpu.memory_space<semaphore_mem>>
          %dma_start3A_371 = arith.constant 0 : i32
          %dma_start3A_372 = arith.constant 0 : i32
          %dma_start3A_373 = tpu.memref_slice %arg2[%select_n3A_314, %dma_start3A_371, %select_n3A_330, %dma_start3A_372] : memref<25x32x8x128xi32, #tpu.memory_space<hbm>> -> memref<1x32x1x128xi32, #tpu.memory_space<hbm>>
          %dma_start3A_374 = tpu.memref_squeeze %dma_start3A_373 : memref<1x32x1x128xi32, #tpu.memory_space<hbm>> -> memref<32x128xi32, #tpu.memory_space<hbm>>
          %dma_start3A_375 = arith.constant 0 : i32
          %dma_start3A_376 = arith.constant 0 : i32
          %dma_start3A_377 = tpu.memref_slice %arg2[%select_n3A_314, %dma_start3A_375, %select_n3A_330, %dma_start3A_376] : memref<25x32x8x128xi32, #tpu.memory_space<hbm>> -> memref<1x32x1x128xi32, #tpu.memory_space<hbm>>
          %dma_start3A_378 = tpu.memref_squeeze %dma_start3A_377 : memref<1x32x1x128xi32, #tpu.memory_space<hbm>> -> memref<32x128xi32, #tpu.memory_space<hbm>>
          tpu.enqueue_dma source(%dma_start3A_378 : memref<32x128xi32, #tpu.memory_space<hbm>>) target(%arg11 : memref<32x128xi32, #tpu.memory_space<vmem>>) target_semaphore(%run_scoped3A : memref<!tpu.dma_semaphore, #tpu.memory_space<semaphore_mem>>)
          %dma_wait3A_379 = arith.constant 0 : i32
          %dma_wait3A_380 = arith.constant 0 : i32
          %dma_wait3A_381 = tpu.memref_slice %arg2[%select_n3A_314, %dma_wait3A_379, %select_n3A_330, %dma_wait3A_380] : memref<25x32x8x128xi32, #tpu.memory_space<hbm>> -> memref<1x32x1x128xi32, #tpu.memory_space<hbm>>
          %dma_wait3A_382 = tpu.memref_squeeze %dma_wait3A_381 : memref<1x32x1x128xi32, #tpu.memory_space<hbm>> -> memref<32x128xi32, #tpu.memory_space<hbm>>
          %dma_wait3A_383 = arith.constant 0 : i32
          %dma_wait3A_384 = arith.constant 0 : i32
          %dma_wait3A_385 = tpu.memref_slice %arg2[%select_n3A_314, %dma_wait3A_383, %select_n3A_330, %dma_wait3A_384] : memref<25x32x8x128xi32, #tpu.memory_space<hbm>> -> memref<1x32x1x128xi32, #tpu.memory_space<hbm>>
          %dma_wait3A_386 = tpu.memref_squeeze %dma_wait3A_385 : memref<1x32x1x128xi32, #tpu.memory_space<hbm>> -> memref<32x128xi32, #tpu.memory_space<hbm>>
          tpu.wait_dma2 semaphore(%run_scoped3A : memref<!tpu.dma_semaphore, #tpu.memory_space<semaphore_mem>>) src(%dma_wait3A_386 : memref<32x128xi32, #tpu.memory_space<hbm>>) dst(%arg11 : memref<32x128xi32, #tpu.memory_space<vmem>>)
          tpu.yield
        }) : () -> ()
        %jit3A_331 = arith.constant 8 : i32
        %div3A_332 = arith.divsi %select_n3A_290, %jit3A_331 : i32
        %sign3A_333 = arith.constant 0 : i32
        %sign3A_334 = arith.cmpi sgt, %select_n3A_290, %sign3A_333 : i32
        %sign3A_335 = arith.extui %sign3A_334 : i1 to i32
        %sign3A_336 = arith.constant 0 : i32
        %sign3A_337 = arith.cmpi slt, %select_n3A_290, %sign3A_336 : i32
        %sign3A_338 = arith.extui %sign3A_337 : i1 to i32
        %sign3A_339 = arith.subi %sign3A_335, %sign3A_338 : i32
        %sign3A_340 = arith.constant 0 : i32
        %sign3A_341 = arith.cmpi sgt, %jit3A_331, %sign3A_340 : i32
        %sign3A_342 = arith.extui %sign3A_341 : i1 to i32
        %sign3A_343 = arith.constant 0 : i32
        %sign3A_344 = arith.cmpi slt, %jit3A_331, %sign3A_343 : i32
        %sign3A_345 = arith.extui %sign3A_344 : i1 to i32
        %sign3A_346 = arith.subi %sign3A_342, %sign3A_345 : i32
        %ne3A_347 = arith.cmpi ne, %sign3A_339, %sign3A_346 : i32
        %rem3A_348 = arith.remsi %select_n3A_290, %jit3A_331 : i32
        %ne3A_349 = arith.constant 0 : i32
        %ne3A_350 = arith.cmpi ne, %rem3A_348, %ne3A_349 : i32
        %and3A_351 = arith.andi %ne3A_347, %ne3A_350 : i1
        %sub3A_352 = arith.constant 1 : i32
        %sub3A_353 = arith.subi %div3A_332, %sub3A_352 : i32
        %select_n3A_354 = arith.select %and3A_351, %sub3A_353, %div3A_332 : i32
        %jit3A_355 = arith.constant 8 : i32
        %eq3A_356 = arith.constant 0 : i32
        %eq3A_357 = arith.cmpi eq, %jit3A_355, %eq3A_356 : i32
        %jit3A_358 = arith.constant 1 : i32
        %select_n3A_359 = arith.select %eq3A_357, %jit3A_358, %jit3A_355 : i32
        %rem3A_360 = arith.remsi %select_n3A_290, %select_n3A_359 : i32
        %ne3A_361 = arith.constant 0 : i32
        %ne3A_362 = arith.cmpi ne, %rem3A_360, %ne3A_361 : i32
        %lt3A_363 = arith.constant 0 : i32
        %lt3A_364 = arith.cmpi slt, %rem3A_360, %lt3A_363 : i32
        %lt3A_365 = arith.constant 0 : i32
        %lt3A_366 = arith.cmpi slt, %select_n3A_359, %lt3A_365 : i32
        %ne3A_367 = arith.xori %lt3A_364, %lt3A_366 : i1
        %and3A_368 = arith.andi %ne3A_367, %ne3A_362 : i1
        %add3A_369 = arith.addi %rem3A_360, %select_n3A_359 : i32
        %select_n3A_370 = arith.select %and3A_368, %add3A_369, %rem3A_360 : i32
        "tpu.region"() ({
          %run_scoped3A = tpu.sem_alloc : memref<!tpu.dma_semaphore, #tpu.memory_space<semaphore_mem>>
          %dma_start3A_371 = arith.constant 0 : i32
          %dma_start3A_372 = arith.constant 0 : i32
          %dma_start3A_373 = tpu.memref_slice %arg3[%select_n3A_354, %dma_start3A_371, %select_n3A_370, %dma_start3A_372] : memref<25x32x8x128xf32, #tpu.memory_space<hbm>> -> memref<1x32x1x128xf32, #tpu.memory_space<hbm>>
          %dma_start3A_374 = tpu.memref_squeeze %dma_start3A_373 : memref<1x32x1x128xf32, #tpu.memory_space<hbm>> -> memref<32x128xf32, #tpu.memory_space<hbm>>
          %dma_start3A_375 = arith.constant 0 : i32
          %dma_start3A_376 = arith.constant 0 : i32
          %dma_start3A_377 = tpu.memref_slice %arg3[%select_n3A_354, %dma_start3A_375, %select_n3A_370, %dma_start3A_376] : memref<25x32x8x128xf32, #tpu.memory_space<hbm>> -> memref<1x32x1x128xf32, #tpu.memory_space<hbm>>
          %dma_start3A_378 = tpu.memref_squeeze %dma_start3A_377 : memref<1x32x1x128xf32, #tpu.memory_space<hbm>> -> memref<32x128xf32, #tpu.memory_space<hbm>>
          tpu.enqueue_dma source(%dma_start3A_378 : memref<32x128xf32, #tpu.memory_space<hbm>>) target(%arg12 : memref<32x128xf32, #tpu.memory_space<vmem>>) target_semaphore(%run_scoped3A : memref<!tpu.dma_semaphore, #tpu.memory_space<semaphore_mem>>)
          %dma_wait3A_379 = arith.constant 0 : i32
          %dma_wait3A_380 = arith.constant 0 : i32
          %dma_wait3A_381 = tpu.memref_slice %arg3[%select_n3A_354, %dma_wait3A_379, %select_n3A_370, %dma_wait3A_380] : memref<25x32x8x128xf32, #tpu.memory_space<hbm>> -> memref<1x32x1x128xf32, #tpu.memory_space<hbm>>
          %dma_wait3A_382 = tpu.memref_squeeze %dma_wait3A_381 : memref<1x32x1x128xf32, #tpu.memory_space<hbm>> -> memref<32x128xf32, #tpu.memory_space<hbm>>
          %dma_wait3A_383 = arith.constant 0 : i32
          %dma_wait3A_384 = arith.constant 0 : i32
          %dma_wait3A_385 = tpu.memref_slice %arg3[%select_n3A_354, %dma_wait3A_383, %select_n3A_370, %dma_wait3A_384] : memref<25x32x8x128xf32, #tpu.memory_space<hbm>> -> memref<1x32x1x128xf32, #tpu.memory_space<hbm>>
          %dma_wait3A_386 = tpu.memref_squeeze %dma_wait3A_385 : memref<1x32x1x128xf32, #tpu.memory_space<hbm>> -> memref<32x128xf32, #tpu.memory_space<hbm>>
          tpu.wait_dma2 semaphore(%run_scoped3A : memref<!tpu.dma_semaphore, #tpu.memory_space<semaphore_mem>>) src(%dma_wait3A_386 : memref<32x128xf32, #tpu.memory_space<hbm>>) dst(%arg12 : memref<32x128xf32, #tpu.memory_space<vmem>>)
          tpu.yield
        }) : () -> ()
      } else {
      }
      %gt3A_165 = arith.constant 0 : i32
      %gt3A_166 = arith.cmpi sgt, %scan3A_22, %gt3A_165 : i32
      %convert_element_type3A_167 = arith.extui %gt3A_166 : i1 to i32
      %cond3A_168 = arith.constant 0 : i32
      %cond3A_169 = arith.cmpi ne, %convert_element_type3A_167, %cond3A_168 : i32
      scf.if %cond3A_169 {
        %mul3A_267 = arith.constant 16384 : i32
        %mul3A_268 = arith.muli %add3A_140, %mul3A_267 : i32
        %dma_wait3A_269 = tpu.memref_slice %arg7[%mul3A_268] : memref<52428800xf32, #tpu.memory_space<hbm>> -> memref<16384xf32, #tpu.memory_space<hbm>>
        %dma_wait3A_270 = tpu.memref_slice %arg7[%mul3A_268] : memref<52428800xf32, #tpu.memory_space<hbm>> -> memref<16384xf32, #tpu.memory_space<hbm>>
        tpu.wait_dma2 semaphore(%arg16 : memref<!tpu.dma_semaphore, #tpu.memory_space<semaphore_mem>>) src(%arg14 : memref<16384xf32, #tpu.memory_space<vmem>>) dst(%dma_wait3A_270 : memref<16384xf32, #tpu.memory_space<hbm>>)
      } else {
      }
      %jit3A_170 = arith.constant 2 : i32
      %div3A_171 = arith.divsi %add3A_140, %jit3A_170 : i32
      %sign3A_172 = arith.constant 0 : i32
      %sign3A_173 = arith.cmpi sgt, %add3A_140, %sign3A_172 : i32
      %sign3A_174 = arith.extui %sign3A_173 : i1 to i32
      %sign3A_175 = arith.constant 0 : i32
      %sign3A_176 = arith.cmpi slt, %add3A_140, %sign3A_175 : i32
      %sign3A_177 = arith.extui %sign3A_176 : i1 to i32
      %sign3A_178 = arith.subi %sign3A_174, %sign3A_177 : i32
      %sign3A_179 = arith.constant 0 : i32
      %sign3A_180 = arith.cmpi sgt, %jit3A_170, %sign3A_179 : i32
      %sign3A_181 = arith.extui %sign3A_180 : i1 to i32
      %sign3A_182 = arith.constant 0 : i32
      %sign3A_183 = arith.cmpi slt, %jit3A_170, %sign3A_182 : i32
      %sign3A_184 = arith.extui %sign3A_183 : i1 to i32
      %sign3A_185 = arith.subi %sign3A_181, %sign3A_184 : i32
      %ne3A_186 = arith.cmpi ne, %sign3A_178, %sign3A_185 : i32
      %rem3A_187 = arith.remsi %add3A_140, %jit3A_170 : i32
      %ne3A_188 = arith.constant 0 : i32
      %ne3A_189 = arith.cmpi ne, %rem3A_187, %ne3A_188 : i32
      %and3A_190 = arith.andi %ne3A_186, %ne3A_189 : i1
      %sub3A_191 = arith.constant 1 : i32
      %sub3A_192 = arith.subi %div3A_171, %sub3A_191 : i32
      %select_n3A_193 = arith.select %and3A_190, %sub3A_192, %div3A_171 : i32
      %jit3A_194 = arith.constant 8 : i32
      %eq3A_195 = arith.constant 0 : i32
      %eq3A_196 = arith.cmpi eq, %jit3A_194, %eq3A_195 : i32
      %jit3A_197 = arith.constant 1 : i32
      %select_n3A_198 = arith.select %eq3A_196, %jit3A_197, %jit3A_194 : i32
      %rem3A_199 = arith.remsi %select_n3A_193, %select_n3A_198 : i32
      %ne3A_200 = arith.constant 0 : i32
      %ne3A_201 = arith.cmpi ne, %rem3A_199, %ne3A_200 : i32
      %lt3A_202 = arith.constant 0 : i32
      %lt3A_203 = arith.cmpi slt, %rem3A_199, %lt3A_202 : i32
      %lt3A_204 = arith.constant 0 : i32
      %lt3A_205 = arith.cmpi slt, %select_n3A_198, %lt3A_204 : i32
      %ne3A_206 = arith.xori %lt3A_203, %lt3A_205 : i1
      %and3A_207 = arith.andi %ne3A_206, %ne3A_201 : i1
      %add3A_208 = arith.addi %rem3A_199, %select_n3A_198 : i32
      %select_n3A_209 = arith.select %and3A_207, %add3A_208, %rem3A_199 : i32
      %mul3A_210 = arith.constant 8 : i32
      %mul3A_211 = arith.muli %select_n3A_209, %mul3A_210 : i32
      %jit3A_212 = arith.constant 2 : i32
      %eq3A_213 = arith.constant 0 : i32
      %eq3A_214 = arith.cmpi eq, %jit3A_212, %eq3A_213 : i32
      %jit3A_215 = arith.constant 1 : i32
      %select_n3A_216 = arith.select %eq3A_214, %jit3A_215, %jit3A_212 : i32
      %rem3A_217 = arith.remsi %add3A_140, %select_n3A_216 : i32
      %ne3A_218 = arith.constant 0 : i32
      %ne3A_219 = arith.cmpi ne, %rem3A_217, %ne3A_218 : i32
      %lt3A_220 = arith.constant 0 : i32
      %lt3A_221 = arith.cmpi slt, %rem3A_217, %lt3A_220 : i32
      %lt3A_222 = arith.constant 0 : i32
      %lt3A_223 = arith.cmpi slt, %select_n3A_216, %lt3A_222 : i32
      %ne3A_224 = arith.xori %lt3A_221, %lt3A_223 : i1
      %and3A_225 = arith.andi %ne3A_224, %ne3A_219 : i1
      %add3A_226 = arith.addi %rem3A_217, %select_n3A_216 : i32
      %select_n3A_227 = arith.select %and3A_225, %add3A_226, %rem3A_217 : i32
      %add3A_228 = arith.constant 0 : i32
      %add3A_229 = arith.addi %mul3A_211, %add3A_228 : i32
      %broadcast_in_dim3A_230 = vector.broadcast %add3A_229 : i32 to vector<16xi32>
      %gather3A_231 = tpu.vector_load_idx %arg9[%broadcast_in_dim3A_230] : memref<64xf32, #tpu.memory_space<vmem>>[vector<16xi32>], vector<16xf32>,
      %add3A_232 = arith.constant 1 : i32
      %add3A_233 = arith.addi %mul3A_211, %add3A_232 : i32
      %broadcast_in_dim3A_234 = vector.broadcast %add3A_233 : i32 to vector<16xi32>
      %gather3A_235 = tpu.vector_load_idx %arg9[%broadcast_in_dim3A_234] : memref<64xf32, #tpu.memory_space<vmem>>[vector<16xi32>], vector<16xf32>,
      %add3A_236 = arith.constant 2 : i32
      %add3A_237 = arith.addi %mul3A_211, %add3A_236 : i32
      %broadcast_in_dim3A_238 = vector.broadcast %add3A_237 : i32 to vector<16xi32>
      %gather3A_239 = tpu.vector_load_idx %arg9[%broadcast_in_dim3A_238] : memref<64xf32, #tpu.memory_space<vmem>>[vector<16xi32>], vector<16xf32>,
      %add3A_240 = arith.constant 3 : i32
      %add3A_241 = arith.addi %mul3A_211, %add3A_240 : i32
      %broadcast_in_dim3A_242 = vector.broadcast %add3A_241 : i32 to vector<16xi32>
      %gather3A_243 = tpu.vector_load_idx %arg9[%broadcast_in_dim3A_242] : memref<64xf32, #tpu.memory_space<vmem>>[vector<16xi32>], vector<16xf32>,
      %add3A_244 = arith.constant 4 : i32
      %add3A_245 = arith.addi %mul3A_211, %add3A_244 : i32
      %broadcast_in_dim3A_246 = vector.broadcast %add3A_245 : i32 to vector<16xi32>
      %gather3A_247 = tpu.vector_load_idx %arg9[%broadcast_in_dim3A_246] : memref<64xf32, #tpu.memory_space<vmem>>[vector<16xi32>], vector<16xf32>,
      %add3A_248 = arith.constant 5 : i32
      %add3A_249 = arith.addi %mul3A_211, %add3A_248 : i32
      %broadcast_in_dim3A_250 = vector.broadcast %add3A_249 : i32 to vector<16xi32>
      %gather3A_251 = tpu.vector_load_idx %arg9[%broadcast_in_dim3A_250] : memref<64xf32, #tpu.memory_space<vmem>>[vector<16xi32>], vector<16xf32>,
      %add3A_252 = arith.constant 6 : i32
      %add3A_253 = arith.addi %mul3A_211, %add3A_252 : i32
      %broadcast_in_dim3A_254 = vector.broadcast %add3A_253 : i32 to vector<16xi32>
      %gather3A_255 = tpu.vector_load_idx %arg9[%broadcast_in_dim3A_254] : memref<64xf32, #tpu.memory_space<vmem>>[vector<16xi32>], vector<16xf32>,
      %add3A_256 = arith.constant 7 : i32
      %add3A_257 = arith.addi %mul3A_211, %add3A_256 : i32
      %broadcast_in_dim3A_258 = vector.broadcast %add3A_257 : i32 to vector<16xi32>
      %gather3A_259 = tpu.vector_load_idx %arg9[%broadcast_in_dim3A_258] : memref<64xf32, #tpu.memory_space<vmem>>[vector<16xi32>], vector<16xf32>,
      %parallel_loop3A_260 = arith.constant 0 : i32
      %parallel_loop3A_261 = arith.constant 32 : i32
      %parallel_loop3A_262 = arith.constant 1 : i32
      scf.for %parallel_loop3A_267 = %parallel_loop3A_260 to %parallel_loop3A_261 step %parallel_loop3A_262  : i32 {
        %parallel_loop3A_268 = arith.constant 2 : i32
        %parallel_loop3A_269 = arith.divsi %parallel_loop3A_267, %parallel_loop3A_268 : i32
        %parallel_loop3A_270 = arith.constant 0 : i32
        %parallel_loop3A_271 = arith.cmpi sgt, %parallel_loop3A_267, %parallel_loop3A_270 : i32
        %parallel_loop3A_272 = arith.extui %parallel_loop3A_271 : i1 to i32
        %parallel_loop3A_273 = arith.constant 0 : i32
        %parallel_loop3A_274 = arith.cmpi slt, %parallel_loop3A_267, %parallel_loop3A_273 : i32
        %parallel_loop3A_275 = arith.extui %parallel_loop3A_274 : i1 to i32
        %parallel_loop3A_276 = arith.subi %parallel_loop3A_272, %parallel_loop3A_275 : i32
        %parallel_loop3A_277 = arith.constant 0 : i32
        %parallel_loop3A_278 = arith.cmpi sgt, %parallel_loop3A_268, %parallel_loop3A_277 : i32
        %parallel_loop3A_279 = arith.extui %parallel_loop3A_278 : i1 to i32
        %parallel_loop3A_280 = arith.constant 0 : i32
        %parallel_loop3A_281 = arith.cmpi slt, %parallel_loop3A_268, %parallel_loop3A_280 : i32
        %parallel_loop3A_282 = arith.extui %parallel_loop3A_281 : i1 to i32
        %parallel_loop3A_283 = arith.subi %parallel_loop3A_279, %parallel_loop3A_282 : i32
        %parallel_loop3A_284 = arith.cmpi ne, %parallel_loop3A_276, %parallel_loop3A_283 : i32
        %parallel_loop3A_285 = arith.remsi %parallel_loop3A_267, %parallel_loop3A_268 : i32
        %parallel_loop3A_286 = arith.constant 0 : i32
        %parallel_loop3A_287 = arith.cmpi ne, %parallel_loop3A_285, %parallel_loop3A_286 : i32
        %parallel_loop3A_288 = arith.andi %parallel_loop3A_284, %parallel_loop3A_287 : i1
        %parallel_loop3A_289 = arith.constant 1 : i32
        %parallel_loop3A_290 = arith.subi %parallel_loop3A_269, %parallel_loop3A_289 : i32
        %parallel_loop3A_291 = arith.select %parallel_loop3A_288, %parallel_loop3A_290, %parallel_loop3A_269 : i32
        %parallel_loop3A_292 = arith.constant 2 : i32
        %parallel_loop3A_293 = arith.constant 0 : i32
        %parallel_loop3A_294 = arith.cmpi eq, %parallel_loop3A_292, %parallel_loop3A_293 : i32
        %parallel_loop3A_295 = arith.constant 1 : i32
        %parallel_loop3A_296 = arith.select %parallel_loop3A_294, %parallel_loop3A_295, %parallel_loop3A_292 : i32
        %parallel_loop3A_297 = arith.remsi %parallel_loop3A_267, %parallel_loop3A_296 : i32
        %parallel_loop3A_298 = arith.constant 0 : i32
        %parallel_loop3A_299 = arith.cmpi ne, %parallel_loop3A_297, %parallel_loop3A_298 : i32
        %parallel_loop3A_300 = arith.constant 0 : i32
        %parallel_loop3A_301 = arith.cmpi slt, %parallel_loop3A_297, %parallel_loop3A_300 : i32
        %parallel_loop3A_302 = arith.constant 0 : i32
        %parallel_loop3A_303 = arith.cmpi slt, %parallel_loop3A_296, %parallel_loop3A_302 : i32
        %parallel_loop3A_304 = arith.xori %parallel_loop3A_301, %parallel_loop3A_303 : i1
        %parallel_loop3A_305 = arith.andi %parallel_loop3A_304, %parallel_loop3A_299 : i1
        %parallel_loop3A_306 = arith.addi %parallel_loop3A_297, %parallel_loop3A_296 : i32
        %parallel_loop3A_307 = arith.select %parallel_loop3A_305, %parallel_loop3A_306, %parallel_loop3A_297 : i32
        %parallel_loop3A_308 = arith.constant 4 : i32
        %parallel_loop3A_309 = arith.muli %parallel_loop3A_307, %parallel_loop3A_308 : i32
        %parallel_loop3A_310 = arith.constant 0 : i32
        %parallel_loop3A_311 = arith.addi %parallel_loop3A_309, %parallel_loop3A_310 : i32
        %parallel_loop3A_312 = arith.constant 16 : i32
        %parallel_loop3A_313 = arith.muli %select_n3A_227, %parallel_loop3A_312 : i32
        %parallel_loop3A_314 = arith.addi %parallel_loop3A_313, %parallel_loop3A_291 : i32
        %parallel_loop3A_315 = arith.constant 1024 : i32
        %parallel_loop3A_316 = arith.muli %parallel_loop3A_291, %parallel_loop3A_315 : i32
        %parallel_loop3A_317 = arith.constant 16 : i32
        %parallel_loop3A_318 = arith.muli %parallel_loop3A_311, %parallel_loop3A_317 : i32
        %parallel_loop3A_319 = arith.addi %parallel_loop3A_316, %parallel_loop3A_318 : i32
        %parallel_loop3A_320 = arith.constant 16 : i32
        %parallel_loop3A_321 = arith.muli %parallel_loop3A_311, %parallel_loop3A_320 : i32
        %parallel_loop3A_322 = arith.index_cast %parallel_loop3A_314 : i32 to index
        %parallel_loop3A_323 = arith.index_cast %parallel_loop3A_321 : i32 to index
        %parallel_loop3A_324 = tpu.vector_load %arg11[%parallel_loop3A_322, %parallel_loop3A_323] {strides = array<i32>} : memref<32x128xi32, #tpu.memory_space<vmem>>, vector<16xi32>,
        %parallel_loop3A_325 = arith.constant 16 : i32
        %parallel_loop3A_326 = arith.muli %parallel_loop3A_311, %parallel_loop3A_325 : i32
        %parallel_loop3A_327 = arith.index_cast %parallel_loop3A_314 : i32 to index
        %parallel_loop3A_328 = arith.index_cast %parallel_loop3A_326 : i32 to index
        %parallel_loop3A_329 = tpu.vector_load %arg12[%parallel_loop3A_327, %parallel_loop3A_328] {strides = array<i32>} : memref<32x128xf32, #tpu.memory_space<vmem>>, vector<16xf32>,
        %parallel_loop3A_330 = arith.constant 64 : i32
        %parallel_loop3A_331 = vector.broadcast %parallel_loop3A_330 : i32 to vector<16xi32>
        %parallel_loop3A_332 = arith.muli %parallel_loop3A_324, %parallel_loop3A_331 : vector<16xi32>
        %parallel_loop3A_333 = arith.addi %mul3A_9, %parallel_loop3A_332 : vector<16xi32>
        %parallel_loop3A_334 = vector.broadcast %mul3A_211 : i32 to vector<16xi32>
        %parallel_loop3A_335 = arith.addi %parallel_loop3A_333, %parallel_loop3A_334 : vector<16xi32>
        %parallel_loop3A_336 = arith.constant 0 : i32
        %parallel_loop3A_337 = vector.broadcast %parallel_loop3A_336 : i32 to vector<16xi32>
        %parallel_loop3A_338 = arith.addi %parallel_loop3A_335, %parallel_loop3A_337 : vector<16xi32>
        %parallel_loop3A_339 = tpu.vector_load_idx %arg8[%parallel_loop3A_338] : memref<54288xf32, #tpu.memory_space<vmem>>[vector<16xi32>], vector<16xf32>,
        %parallel_loop3A_340 = arith.constant 1 : i32
        %parallel_loop3A_341 = vector.broadcast %parallel_loop3A_340 : i32 to vector<16xi32>
        %parallel_loop3A_342 = arith.addi %parallel_loop3A_335, %parallel_loop3A_341 : vector<16xi32>
        %parallel_loop3A_343 = tpu.vector_load_idx %arg8[%parallel_loop3A_342] : memref<54288xf32, #tpu.memory_space<vmem>>[vector<16xi32>], vector<16xf32>,
        %parallel_loop3A_344 = arith.constant 2 : i32
        %parallel_loop3A_345 = vector.broadcast %parallel_loop3A_344 : i32 to vector<16xi32>
        %parallel_loop3A_346 = arith.addi %parallel_loop3A_335, %parallel_loop3A_345 : vector<16xi32>
        %parallel_loop3A_347 = tpu.vector_load_idx %arg8[%parallel_loop3A_346] : memref<54288xf32, #tpu.memory_space<vmem>>[vector<16xi32>], vector<16xf32>,
        %parallel_loop3A_348 = arith.constant 3 : i32
        %parallel_loop3A_349 = vector.broadcast %parallel_loop3A_348 : i32 to vector<16xi32>
        %parallel_loop3A_350 = arith.addi %parallel_loop3A_335, %parallel_loop3A_349 : vector<16xi32>
        %parallel_loop3A_351 = tpu.vector_load_idx %arg8[%parallel_loop3A_350] : memref<54288xf32, #tpu.memory_space<vmem>>[vector<16xi32>], vector<16xf32>,
        %parallel_loop3A_352 = arith.constant 4 : i32
        %parallel_loop3A_353 = vector.broadcast %parallel_loop3A_352 : i32 to vector<16xi32>
        %parallel_loop3A_354 = arith.addi %parallel_loop3A_335, %parallel_loop3A_353 : vector<16xi32>
        %parallel_loop3A_355 = tpu.vector_load_idx %arg8[%parallel_loop3A_354] : memref<54288xf32, #tpu.memory_space<vmem>>[vector<16xi32>], vector<16xf32>,
        %parallel_loop3A_356 = arith.constant 5 : i32
        %parallel_loop3A_357 = vector.broadcast %parallel_loop3A_356 : i32 to vector<16xi32>
        %parallel_loop3A_358 = arith.addi %parallel_loop3A_335, %parallel_loop3A_357 : vector<16xi32>
        %parallel_loop3A_359 = tpu.vector_load_idx %arg8[%parallel_loop3A_358] : memref<54288xf32, #tpu.memory_space<vmem>>[vector<16xi32>], vector<16xf32>,
        %parallel_loop3A_360 = arith.constant 6 : i32
        %parallel_loop3A_361 = vector.broadcast %parallel_loop3A_360 : i32 to vector<16xi32>
        %parallel_loop3A_362 = arith.addi %parallel_loop3A_335, %parallel_loop3A_361 : vector<16xi32>
        %parallel_loop3A_363 = tpu.vector_load_idx %arg8[%parallel_loop3A_362] : memref<54288xf32, #tpu.memory_space<vmem>>[vector<16xi32>], vector<16xf32>,
        %parallel_loop3A_364 = arith.constant 7 : i32
        %parallel_loop3A_365 = vector.broadcast %parallel_loop3A_364 : i32 to vector<16xi32>
        %parallel_loop3A_366 = arith.addi %parallel_loop3A_335, %parallel_loop3A_365 : vector<16xi32>
        %parallel_loop3A_367 = tpu.vector_load_idx %arg8[%parallel_loop3A_366] : memref<54288xf32, #tpu.memory_space<vmem>>[vector<16xi32>], vector<16xf32>,
        %parallel_loop3A_368 = arith.mulf %parallel_loop3A_329, %gather3A_231 : vector<16xf32>
        %parallel_loop3A_369 = arith.addf %parallel_loop3A_339, %parallel_loop3A_368 : vector<16xf32>
        %parallel_loop3A_370 = arith.mulf %parallel_loop3A_329, %gather3A_235 : vector<16xf32>
        %parallel_loop3A_371 = arith.addf %parallel_loop3A_343, %parallel_loop3A_370 : vector<16xf32>
        %parallel_loop3A_372 = arith.mulf %parallel_loop3A_329, %gather3A_239 : vector<16xf32>
        %parallel_loop3A_373 = arith.addf %parallel_loop3A_347, %parallel_loop3A_372 : vector<16xf32>
        %parallel_loop3A_374 = arith.mulf %parallel_loop3A_329, %gather3A_243 : vector<16xf32>
        %parallel_loop3A_375 = arith.addf %parallel_loop3A_351, %parallel_loop3A_374 : vector<16xf32>
        %parallel_loop3A_376 = arith.mulf %parallel_loop3A_329, %gather3A_247 : vector<16xf32>
        %parallel_loop3A_377 = arith.addf %parallel_loop3A_355, %parallel_loop3A_376 : vector<16xf32>
        %parallel_loop3A_378 = arith.mulf %parallel_loop3A_329, %gather3A_251 : vector<16xf32>
        %parallel_loop3A_379 = arith.addf %parallel_loop3A_359, %parallel_loop3A_378 : vector<16xf32>
        %parallel_loop3A_380 = arith.mulf %parallel_loop3A_329, %gather3A_255 : vector<16xf32>
        %parallel_loop3A_381 = arith.addf %parallel_loop3A_363, %parallel_loop3A_380 : vector<16xf32>
        %parallel_loop3A_382 = arith.mulf %parallel_loop3A_329, %gather3A_259 : vector<16xf32>
        %parallel_loop3A_383 = arith.addf %parallel_loop3A_367, %parallel_loop3A_382 : vector<16xf32>
        %parallel_loop3A_384 = arith.constant 0 : i32
        %parallel_loop3A_385 = arith.addi %parallel_loop3A_319, %parallel_loop3A_384 : i32
        %parallel_loop3A_386 = arith.index_cast %parallel_loop3A_385 : i32 to index
        %parallel_loop3A_387 = tpu.vector_load %arg14[%parallel_loop3A_386] {strides = array<i32>} : memref<16384xf32, #tpu.memory_space<vmem>>, vector<16xf32>,
        tpu.vector_store %arg14[%parallel_loop3A_386], %parallel_loop3A_369 {strides = array<i32>} : memref<16384xf32, #tpu.memory_space<vmem>>, vector<16xf32>,
        %parallel_loop3A_388 = arith.constant 128 : i32
        %parallel_loop3A_389 = arith.addi %parallel_loop3A_319, %parallel_loop3A_388 : i32
        %parallel_loop3A_390 = arith.index_cast %parallel_loop3A_389 : i32 to index
        %parallel_loop3A_391 = tpu.vector_load %arg14[%parallel_loop3A_390] {strides = array<i32>} : memref<16384xf32, #tpu.memory_space<vmem>>, vector<16xf32>,
        tpu.vector_store %arg14[%parallel_loop3A_390], %parallel_loop3A_371 {strides = array<i32>} : memref<16384xf32, #tpu.memory_space<vmem>>, vector<16xf32>,
        %parallel_loop3A_392 = arith.constant 256 : i32
        %parallel_loop3A_393 = arith.addi %parallel_loop3A_319, %parallel_loop3A_392 : i32
        %parallel_loop3A_394 = arith.index_cast %parallel_loop3A_393 : i32 to index
        %parallel_loop3A_395 = tpu.vector_load %arg14[%parallel_loop3A_394] {strides = array<i32>} : memref<16384xf32, #tpu.memory_space<vmem>>, vector<16xf32>,
        tpu.vector_store %arg14[%parallel_loop3A_394], %parallel_loop3A_373 {strides = array<i32>} : memref<16384xf32, #tpu.memory_space<vmem>>, vector<16xf32>,
        %parallel_loop3A_396 = arith.constant 384 : i32
        %parallel_loop3A_397 = arith.addi %parallel_loop3A_319, %parallel_loop3A_396 : i32
        %parallel_loop3A_398 = arith.index_cast %parallel_loop3A_397 : i32 to index
        %parallel_loop3A_399 = tpu.vector_load %arg14[%parallel_loop3A_398] {strides = array<i32>} : memref<16384xf32, #tpu.memory_space<vmem>>, vector<16xf32>,
        tpu.vector_store %arg14[%parallel_loop3A_398], %parallel_loop3A_375 {strides = array<i32>} : memref<16384xf32, #tpu.memory_space<vmem>>, vector<16xf32>,
        %parallel_loop3A_400 = arith.constant 512 : i32
        %parallel_loop3A_401 = arith.addi %parallel_loop3A_319, %parallel_loop3A_400 : i32
        %parallel_loop3A_402 = arith.index_cast %parallel_loop3A_401 : i32 to index
        %parallel_loop3A_403 = tpu.vector_load %arg14[%parallel_loop3A_402] {strides = array<i32>} : memref<16384xf32, #tpu.memory_space<vmem>>, vector<16xf32>,
        tpu.vector_store %arg14[%parallel_loop3A_402], %parallel_loop3A_377 {strides = array<i32>} : memref<16384xf32, #tpu.memory_space<vmem>>, vector<16xf32>,
        %parallel_loop3A_404 = arith.constant 640 : i32
        %parallel_loop3A_405 = arith.addi %parallel_loop3A_319, %parallel_loop3A_404 : i32
        %parallel_loop3A_406 = arith.index_cast %parallel_loop3A_405 : i32 to index
        %parallel_loop3A_407 = tpu.vector_load %arg14[%parallel_loop3A_406] {strides = array<i32>} : memref<16384xf32, #tpu.memory_space<vmem>>, vector<16xf32>,
        tpu.vector_store %arg14[%parallel_loop3A_406], %parallel_loop3A_379 {strides = array<i32>} : memref<16384xf32, #tpu.memory_space<vmem>>, vector<16xf32>,
        %parallel_loop3A_408 = arith.constant 768 : i32
        %parallel_loop3A_409 = arith.addi %parallel_loop3A_319, %parallel_loop3A_408 : i32
        %parallel_loop3A_410 = arith.index_cast %parallel_loop3A_409 : i32 to index
        %parallel_loop3A_411 = tpu.vector_load %arg14[%parallel_loop3A_410] {strides = array<i32>} : memref<16384xf32, #tpu.memory_space<vmem>>, vector<16xf32>,
        tpu.vector_store %arg14[%parallel_loop3A_410], %parallel_loop3A_381 {strides = array<i32>} : memref<16384xf32, #tpu.memory_space<vmem>>, vector<16xf32>,
        %parallel_loop3A_412 = arith.constant 896 : i32
        %parallel_loop3A_413 = arith.addi %parallel_loop3A_319, %parallel_loop3A_412 : i32
        %parallel_loop3A_414 = arith.index_cast %parallel_loop3A_413 : i32 to index
        %parallel_loop3A_415 = tpu.vector_load %arg14[%parallel_loop3A_414] {strides = array<i32>} : memref<16384xf32, #tpu.memory_space<vmem>>, vector<16xf32>,
        tpu.vector_store %arg14[%parallel_loop3A_414], %parallel_loop3A_383 {strides = array<i32>} : memref<16384xf32, #tpu.memory_space<vmem>>, vector<16xf32>,
        %parallel_loop3A_416 = arith.constant 2 : i32
        %parallel_loop3A_417 = arith.constant 0 : i32
        %parallel_loop3A_418 = arith.cmpi eq, %parallel_loop3A_416, %parallel_loop3A_417 : i32
        %parallel_loop3A_419 = arith.constant 1 : i32
        %parallel_loop3A_420 = arith.select %parallel_loop3A_418, %parallel_loop3A_419, %parallel_loop3A_416 : i32
        %parallel_loop3A_421 = arith.remsi %parallel_loop3A_267, %parallel_loop3A_420 : i32
        %parallel_loop3A_422 = arith.constant 0 : i32
        %parallel_loop3A_423 = arith.cmpi ne, %parallel_loop3A_421, %parallel_loop3A_422 : i32
        %parallel_loop3A_424 = arith.constant 0 : i32
        %parallel_loop3A_425 = arith.cmpi slt, %parallel_loop3A_421, %parallel_loop3A_424 : i32
        %parallel_loop3A_426 = arith.constant 0 : i32
        %parallel_loop3A_427 = arith.cmpi slt, %parallel_loop3A_420, %parallel_loop3A_426 : i32
        %parallel_loop3A_428 = arith.xori %parallel_loop3A_425, %parallel_loop3A_427 : i1
        %parallel_loop3A_429 = arith.andi %parallel_loop3A_428, %parallel_loop3A_423 : i1
        %parallel_loop3A_430 = arith.addi %parallel_loop3A_421, %parallel_loop3A_420 : i32
        %parallel_loop3A_431 = arith.select %parallel_loop3A_429, %parallel_loop3A_430, %parallel_loop3A_421 : i32
        %parallel_loop3A_432 = arith.constant 4 : i32
        %parallel_loop3A_433 = arith.muli %parallel_loop3A_431, %parallel_loop3A_432 : i32
        %parallel_loop3A_434 = arith.constant 1 : i32
        %parallel_loop3A_435 = arith.addi %parallel_loop3A_433, %parallel_loop3A_434 : i32
        %parallel_loop3A_436 = arith.constant 16 : i32
        %parallel_loop3A_437 = arith.muli %select_n3A_227, %parallel_loop3A_436 : i32
        %parallel_loop3A_438 = arith.addi %parallel_loop3A_437, %parallel_loop3A_291 : i32
        %parallel_loop3A_439 = arith.constant 1024 : i32
        %parallel_loop3A_440 = arith.muli %parallel_loop3A_291, %parallel_loop3A_439 : i32
        %parallel_loop3A_441 = arith.constant 16 : i32
        %parallel_loop3A_442 = arith.muli %parallel_loop3A_435, %parallel_loop3A_441 : i32
        %parallel_loop3A_443 = arith.addi %parallel_loop3A_440, %parallel_loop3A_442 : i32
        %parallel_loop3A_444 = arith.constant 16 : i32
        %parallel_loop3A_445 = arith.muli %parallel_loop3A_435, %parallel_loop3A_444 : i32
        %parallel_loop3A_446 = arith.index_cast %parallel_loop3A_438 : i32 to index
        %parallel_loop3A_447 = arith.index_cast %parallel_loop3A_445 : i32 to index
        %parallel_loop3A_448 = tpu.vector_load %arg11[%parallel_loop3A_446, %parallel_loop3A_447] {strides = array<i32>} : memref<32x128xi32, #tpu.memory_space<vmem>>, vector<16xi32>,
        %parallel_loop3A_449 = arith.constant 16 : i32
        %parallel_loop3A_450 = arith.muli %parallel_loop3A_435, %parallel_loop3A_449 : i32
        %parallel_loop3A_451 = arith.index_cast %parallel_loop3A_438 : i32 to index
        %parallel_loop3A_452 = arith.index_cast %parallel_loop3A_450 : i32 to index
        %parallel_loop3A_453 = tpu.vector_load %arg12[%parallel_loop3A_451, %parallel_loop3A_452] {strides = array<i32>} : memref<32x128xf32, #tpu.memory_space<vmem>>, vector<16xf32>,
        %parallel_loop3A_454 = arith.constant 64 : i32
        %parallel_loop3A_455 = vector.broadcast %parallel_loop3A_454 : i32 to vector<16xi32>
        %parallel_loop3A_456 = arith.muli %parallel_loop3A_448, %parallel_loop3A_455 : vector<16xi32>
        %parallel_loop3A_457 = arith.addi %mul3A_9, %parallel_loop3A_456 : vector<16xi32>
        %parallel_loop3A_458 = vector.broadcast %mul3A_211 : i32 to vector<16xi32>
        %parallel_loop3A_459 = arith.addi %parallel_loop3A_457, %parallel_loop3A_458 : vector<16xi32>
        %parallel_loop3A_460 = arith.constant 0 : i32
        %parallel_loop3A_461 = vector.broadcast %parallel_loop3A_460 : i32 to vector<16xi32>
        %parallel_loop3A_462 = arith.addi %parallel_loop3A_459, %parallel_loop3A_461 : vector<16xi32>
        %parallel_loop3A_463 = tpu.vector_load_idx %arg8[%parallel_loop3A_462] : memref<54288xf32, #tpu.memory_space<vmem>>[vector<16xi32>], vector<16xf32>,
        %parallel_loop3A_464 = arith.constant 1 : i32
        %parallel_loop3A_465 = vector.broadcast %parallel_loop3A_464 : i32 to vector<16xi32>
        %parallel_loop3A_466 = arith.addi %parallel_loop3A_459, %parallel_loop3A_465 : vector<16xi32>
        %parallel_loop3A_467 = tpu.vector_load_idx %arg8[%parallel_loop3A_466] : memref<54288xf32, #tpu.memory_space<vmem>>[vector<16xi32>], vector<16xf32>,
        %parallel_loop3A_468 = arith.constant 2 : i32
        %parallel_loop3A_469 = vector.broadcast %parallel_loop3A_468 : i32 to vector<16xi32>
        %parallel_loop3A_470 = arith.addi %parallel_loop3A_459, %parallel_loop3A_469 : vector<16xi32>
        %parallel_loop3A_471 = tpu.vector_load_idx %arg8[%parallel_loop3A_470] : memref<54288xf32, #tpu.memory_space<vmem>>[vector<16xi32>], vector<16xf32>,
        %parallel_loop3A_472 = arith.constant 3 : i32
        %parallel_loop3A_473 = vector.broadcast %parallel_loop3A_472 : i32 to vector<16xi32>
        %parallel_loop3A_474 = arith.addi %parallel_loop3A_459, %parallel_loop3A_473 : vector<16xi32>
        %parallel_loop3A_475 = tpu.vector_load_idx %arg8[%parallel_loop3A_474] : memref<54288xf32, #tpu.memory_space<vmem>>[vector<16xi32>], vector<16xf32>,
        %parallel_loop3A_476 = arith.constant 4 : i32
        %parallel_loop3A_477 = vector.broadcast %parallel_loop3A_476 : i32 to vector<16xi32>
        %parallel_loop3A_478 = arith.addi %parallel_loop3A_459, %parallel_loop3A_477 : vector<16xi32>
        %parallel_loop3A_479 = tpu.vector_load_idx %arg8[%parallel_loop3A_478] : memref<54288xf32, #tpu.memory_space<vmem>>[vector<16xi32>], vector<16xf32>,
        %parallel_loop3A_480 = arith.constant 5 : i32
        %parallel_loop3A_481 = vector.broadcast %parallel_loop3A_480 : i32 to vector<16xi32>
        %parallel_loop3A_482 = arith.addi %parallel_loop3A_459, %parallel_loop3A_481 : vector<16xi32>
        %parallel_loop3A_483 = tpu.vector_load_idx %arg8[%parallel_loop3A_482] : memref<54288xf32, #tpu.memory_space<vmem>>[vector<16xi32>], vector<16xf32>,
        %parallel_loop3A_484 = arith.constant 6 : i32
        %parallel_loop3A_485 = vector.broadcast %parallel_loop3A_484 : i32 to vector<16xi32>
        %parallel_loop3A_486 = arith.addi %parallel_loop3A_459, %parallel_loop3A_485 : vector<16xi32>
        %parallel_loop3A_487 = tpu.vector_load_idx %arg8[%parallel_loop3A_486] : memref<54288xf32, #tpu.memory_space<vmem>>[vector<16xi32>], vector<16xf32>,
        %parallel_loop3A_488 = arith.constant 7 : i32
        %parallel_loop3A_489 = vector.broadcast %parallel_loop3A_488 : i32 to vector<16xi32>
        %parallel_loop3A_490 = arith.addi %parallel_loop3A_459, %parallel_loop3A_489 : vector<16xi32>
        %parallel_loop3A_491 = tpu.vector_load_idx %arg8[%parallel_loop3A_490] : memref<54288xf32, #tpu.memory_space<vmem>>[vector<16xi32>], vector<16xf32>,
        %parallel_loop3A_492 = arith.mulf %parallel_loop3A_453, %gather3A_231 : vector<16xf32>
        %parallel_loop3A_493 = arith.addf %parallel_loop3A_463, %parallel_loop3A_492 : vector<16xf32>
        %parallel_loop3A_494 = arith.mulf %parallel_loop3A_453, %gather3A_235 : vector<16xf32>
        %parallel_loop3A_495 = arith.addf %parallel_loop3A_467, %parallel_loop3A_494 : vector<16xf32>
        %parallel_loop3A_496 = arith.mulf %parallel_loop3A_453, %gather3A_239 : vector<16xf32>
        %parallel_loop3A_497 = arith.addf %parallel_loop3A_471, %parallel_loop3A_496 : vector<16xf32>
        %parallel_loop3A_498 = arith.mulf %parallel_loop3A_453, %gather3A_243 : vector<16xf32>
        %parallel_loop3A_499 = arith.addf %parallel_loop3A_475, %parallel_loop3A_498 : vector<16xf32>
        %parallel_loop3A_500 = arith.mulf %parallel_loop3A_453, %gather3A_247 : vector<16xf32>
        %parallel_loop3A_501 = arith.addf %parallel_loop3A_479, %parallel_loop3A_500 : vector<16xf32>
        %parallel_loop3A_502 = arith.mulf %parallel_loop3A_453, %gather3A_251 : vector<16xf32>
        %parallel_loop3A_503 = arith.addf %parallel_loop3A_483, %parallel_loop3A_502 : vector<16xf32>
        %parallel_loop3A_504 = arith.mulf %parallel_loop3A_453, %gather3A_255 : vector<16xf32>
        %parallel_loop3A_505 = arith.addf %parallel_loop3A_487, %parallel_loop3A_504 : vector<16xf32>
        %parallel_loop3A_506 = arith.mulf %parallel_loop3A_453, %gather3A_259 : vector<16xf32>
        %parallel_loop3A_507 = arith.addf %parallel_loop3A_491, %parallel_loop3A_506 : vector<16xf32>
        %parallel_loop3A_508 = arith.constant 0 : i32
        %parallel_loop3A_509 = arith.addi %parallel_loop3A_443, %parallel_loop3A_508 : i32
        %parallel_loop3A_510 = arith.index_cast %parallel_loop3A_509 : i32 to index
        %parallel_loop3A_511 = tpu.vector_load %arg14[%parallel_loop3A_510] {strides = array<i32>} : memref<16384xf32, #tpu.memory_space<vmem>>, vector<16xf32>,
        tpu.vector_store %arg14[%parallel_loop3A_510], %parallel_loop3A_493 {strides = array<i32>} : memref<16384xf32, #tpu.memory_space<vmem>>, vector<16xf32>,
        %parallel_loop3A_512 = arith.constant 128 : i32
        %parallel_loop3A_513 = arith.addi %parallel_loop3A_443, %parallel_loop3A_512 : i32
        %parallel_loop3A_514 = arith.index_cast %parallel_loop3A_513 : i32 to index
        %parallel_loop3A_515 = tpu.vector_load %arg14[%parallel_loop3A_514] {strides = array<i32>} : memref<16384xf32, #tpu.memory_space<vmem>>, vector<16xf32>,
        tpu.vector_store %arg14[%parallel_loop3A_514], %parallel_loop3A_495 {strides = array<i32>} : memref<16384xf32, #tpu.memory_space<vmem>>, vector<16xf32>,
        %parallel_loop3A_516 = arith.constant 256 : i32
        %parallel_loop3A_517 = arith.addi %parallel_loop3A_443, %parallel_loop3A_516 : i32
        %parallel_loop3A_518 = arith.index_cast %parallel_loop3A_517 : i32 to index
        %parallel_loop3A_519 = tpu.vector_load %arg14[%parallel_loop3A_518] {strides = array<i32>} : memref<16384xf32, #tpu.memory_space<vmem>>, vector<16xf32>,
        tpu.vector_store %arg14[%parallel_loop3A_518], %parallel_loop3A_497 {strides = array<i32>} : memref<16384xf32, #tpu.memory_space<vmem>>, vector<16xf32>,
        %parallel_loop3A_520 = arith.constant 384 : i32
        %parallel_loop3A_521 = arith.addi %parallel_loop3A_443, %parallel_loop3A_520 : i32
        %parallel_loop3A_522 = arith.index_cast %parallel_loop3A_521 : i32 to index
        %parallel_loop3A_523 = tpu.vector_load %arg14[%parallel_loop3A_522] {strides = array<i32>} : memref<16384xf32, #tpu.memory_space<vmem>>, vector<16xf32>,
        tpu.vector_store %arg14[%parallel_loop3A_522], %parallel_loop3A_499 {strides = array<i32>} : memref<16384xf32, #tpu.memory_space<vmem>>, vector<16xf32>,
        %parallel_loop3A_524 = arith.constant 512 : i32
        %parallel_loop3A_525 = arith.addi %parallel_loop3A_443, %parallel_loop3A_524 : i32
        %parallel_loop3A_526 = arith.index_cast %parallel_loop3A_525 : i32 to index
        %parallel_loop3A_527 = tpu.vector_load %arg14[%parallel_loop3A_526] {strides = array<i32>} : memref<16384xf32, #tpu.memory_space<vmem>>, vector<16xf32>,
        tpu.vector_store %arg14[%parallel_loop3A_526], %parallel_loop3A_501 {strides = array<i32>} : memref<16384xf32, #tpu.memory_space<vmem>>, vector<16xf32>,
        %parallel_loop3A_528 = arith.constant 640 : i32
        %parallel_loop3A_529 = arith.addi %parallel_loop3A_443, %parallel_loop3A_528 : i32
        %parallel_loop3A_530 = arith.index_cast %parallel_loop3A_529 : i32 to index
        %parallel_loop3A_531 = tpu.vector_load %arg14[%parallel_loop3A_530] {strides = array<i32>} : memref<16384xf32, #tpu.memory_space<vmem>>, vector<16xf32>,
        tpu.vector_store %arg14[%parallel_loop3A_530], %parallel_loop3A_503 {strides = array<i32>} : memref<16384xf32, #tpu.memory_space<vmem>>, vector<16xf32>,
        %parallel_loop3A_532 = arith.constant 768 : i32
        %parallel_loop3A_533 = arith.addi %parallel_loop3A_443, %parallel_loop3A_532 : i32
        %parallel_loop3A_534 = arith.index_cast %parallel_loop3A_533 : i32 to index
        %parallel_loop3A_535 = tpu.vector_load %arg14[%parallel_loop3A_534] {strides = array<i32>} : memref<16384xf32, #tpu.memory_space<vmem>>, vector<16xf32>,
        tpu.vector_store %arg14[%parallel_loop3A_534], %parallel_loop3A_505 {strides = array<i32>} : memref<16384xf32, #tpu.memory_space<vmem>>, vector<16xf32>,
        %parallel_loop3A_536 = arith.constant 896 : i32
        %parallel_loop3A_537 = arith.addi %parallel_loop3A_443, %parallel_loop3A_536 : i32
        %parallel_loop3A_538 = arith.index_cast %parallel_loop3A_537 : i32 to index
        %parallel_loop3A_539 = tpu.vector_load %arg14[%parallel_loop3A_538] {strides = array<i32>} : memref<16384xf32, #tpu.memory_space<vmem>>, vector<16xf32>,
        tpu.vector_store %arg14[%parallel_loop3A_538], %parallel_loop3A_507 {strides = array<i32>} : memref<16384xf32, #tpu.memory_space<vmem>>, vector<16xf32>,
        %parallel_loop3A_540 = arith.constant 2 : i32
        %parallel_loop3A_541 = arith.constant 0 : i32
        %parallel_loop3A_542 = arith.cmpi eq, %parallel_loop3A_540, %parallel_loop3A_541 : i32
        %parallel_loop3A_543 = arith.constant 1 : i32
        %parallel_loop3A_544 = arith.select %parallel_loop3A_542, %parallel_loop3A_543, %parallel_loop3A_540 : i32
        %parallel_loop3A_545 = arith.remsi %parallel_loop3A_267, %parallel_loop3A_544 : i32
        %parallel_loop3A_546 = arith.constant 0 : i32
        %parallel_loop3A_547 = arith.cmpi ne, %parallel_loop3A_545, %parallel_loop3A_546 : i32
        %parallel_loop3A_548 = arith.constant 0 : i32
        %parallel_loop3A_549 = arith.cmpi slt, %parallel_loop3A_545, %parallel_loop3A_548 : i32
        %parallel_loop3A_550 = arith.constant 0 : i32
        %parallel_loop3A_551 = arith.cmpi slt, %parallel_loop3A_544, %parallel_loop3A_550 : i32
        %parallel_loop3A_552 = arith.xori %parallel_loop3A_549, %parallel_loop3A_551 : i1
        %parallel_loop3A_553 = arith.andi %parallel_loop3A_552, %parallel_loop3A_547 : i1
        %parallel_loop3A_554 = arith.addi %parallel_loop3A_545, %parallel_loop3A_544 : i32
        %parallel_loop3A_555 = arith.select %parallel_loop3A_553, %parallel_loop3A_554, %parallel_loop3A_545 : i32
        %parallel_loop3A_556 = arith.constant 4 : i32
        %parallel_loop3A_557 = arith.muli %parallel_loop3A_555, %parallel_loop3A_556 : i32
        %parallel_loop3A_558 = arith.constant 2 : i32
        %parallel_loop3A_559 = arith.addi %parallel_loop3A_557, %parallel_loop3A_558 : i32
        %parallel_loop3A_560 = arith.constant 16 : i32
        %parallel_loop3A_561 = arith.muli %select_n3A_227, %parallel_loop3A_560 : i32
        %parallel_loop3A_562 = arith.addi %parallel_loop3A_561, %parallel_loop3A_291 : i32
        %parallel_loop3A_563 = arith.constant 1024 : i32
        %parallel_loop3A_564 = arith.muli %parallel_loop3A_291, %parallel_loop3A_563 : i32
        %parallel_loop3A_565 = arith.constant 16 : i32
        %parallel_loop3A_566 = arith.muli %parallel_loop3A_559, %parallel_loop3A_565 : i32
        %parallel_loop3A_567 = arith.addi %parallel_loop3A_564, %parallel_loop3A_566 : i32
        %parallel_loop3A_568 = arith.constant 16 : i32
        %parallel_loop3A_569 = arith.muli %parallel_loop3A_559, %parallel_loop3A_568 : i32
        %parallel_loop3A_570 = arith.index_cast %parallel_loop3A_562 : i32 to index
        %parallel_loop3A_571 = arith.index_cast %parallel_loop3A_569 : i32 to index
        %parallel_loop3A_572 = tpu.vector_load %arg11[%parallel_loop3A_570, %parallel_loop3A_571] {strides = array<i32>} : memref<32x128xi32, #tpu.memory_space<vmem>>, vector<16xi32>,
        %parallel_loop3A_573 = arith.constant 16 : i32
        %parallel_loop3A_574 = arith.muli %parallel_loop3A_559, %parallel_loop3A_573 : i32
        %parallel_loop3A_575 = arith.index_cast %parallel_loop3A_562 : i32 to index
        %parallel_loop3A_576 = arith.index_cast %parallel_loop3A_574 : i32 to index
        %parallel_loop3A_577 = tpu.vector_load %arg12[%parallel_loop3A_575, %parallel_loop3A_576] {strides = array<i32>} : memref<32x128xf32, #tpu.memory_space<vmem>>, vector<16xf32>,
        %parallel_loop3A_578 = arith.constant 64 : i32
        %parallel_loop3A_579 = vector.broadcast %parallel_loop3A_578 : i32 to vector<16xi32>
        %parallel_loop3A_580 = arith.muli %parallel_loop3A_572, %parallel_loop3A_579 : vector<16xi32>
        %parallel_loop3A_581 = arith.addi %mul3A_9, %parallel_loop3A_580 : vector<16xi32>
        %parallel_loop3A_582 = vector.broadcast %mul3A_211 : i32 to vector<16xi32>
        %parallel_loop3A_583 = arith.addi %parallel_loop3A_581, %parallel_loop3A_582 : vector<16xi32>
        %parallel_loop3A_584 = arith.constant 0 : i32
        %parallel_loop3A_585 = vector.broadcast %parallel_loop3A_584 : i32 to vector<16xi32>
        %parallel_loop3A_586 = arith.addi %parallel_loop3A_583, %parallel_loop3A_585 : vector<16xi32>
        %parallel_loop3A_587 = tpu.vector_load_idx %arg8[%parallel_loop3A_586] : memref<54288xf32, #tpu.memory_space<vmem>>[vector<16xi32>], vector<16xf32>,
        %parallel_loop3A_588 = arith.constant 1 : i32
        %parallel_loop3A_589 = vector.broadcast %parallel_loop3A_588 : i32 to vector<16xi32>
        %parallel_loop3A_590 = arith.addi %parallel_loop3A_583, %parallel_loop3A_589 : vector<16xi32>
        %parallel_loop3A_591 = tpu.vector_load_idx %arg8[%parallel_loop3A_590] : memref<54288xf32, #tpu.memory_space<vmem>>[vector<16xi32>], vector<16xf32>,
        %parallel_loop3A_592 = arith.constant 2 : i32
        %parallel_loop3A_593 = vector.broadcast %parallel_loop3A_592 : i32 to vector<16xi32>
        %parallel_loop3A_594 = arith.addi %parallel_loop3A_583, %parallel_loop3A_593 : vector<16xi32>
        %parallel_loop3A_595 = tpu.vector_load_idx %arg8[%parallel_loop3A_594] : memref<54288xf32, #tpu.memory_space<vmem>>[vector<16xi32>], vector<16xf32>,
        %parallel_loop3A_596 = arith.constant 3 : i32
        %parallel_loop3A_597 = vector.broadcast %parallel_loop3A_596 : i32 to vector<16xi32>
        %parallel_loop3A_598 = arith.addi %parallel_loop3A_583, %parallel_loop3A_597 : vector<16xi32>
        %parallel_loop3A_599 = tpu.vector_load_idx %arg8[%parallel_loop3A_598] : memref<54288xf32, #tpu.memory_space<vmem>>[vector<16xi32>], vector<16xf32>,
        %parallel_loop3A_600 = arith.constant 4 : i32
        %parallel_loop3A_601 = vector.broadcast %parallel_loop3A_600 : i32 to vector<16xi32>
        %parallel_loop3A_602 = arith.addi %parallel_loop3A_583, %parallel_loop3A_601 : vector<16xi32>
        %parallel_loop3A_603 = tpu.vector_load_idx %arg8[%parallel_loop3A_602] : memref<54288xf32, #tpu.memory_space<vmem>>[vector<16xi32>], vector<16xf32>,
        %parallel_loop3A_604 = arith.constant 5 : i32
        %parallel_loop3A_605 = vector.broadcast %parallel_loop3A_604 : i32 to vector<16xi32>
        %parallel_loop3A_606 = arith.addi %parallel_loop3A_583, %parallel_loop3A_605 : vector<16xi32>
        %parallel_loop3A_607 = tpu.vector_load_idx %arg8[%parallel_loop3A_606] : memref<54288xf32, #tpu.memory_space<vmem>>[vector<16xi32>], vector<16xf32>,
        %parallel_loop3A_608 = arith.constant 6 : i32
        %parallel_loop3A_609 = vector.broadcast %parallel_loop3A_608 : i32 to vector<16xi32>
        %parallel_loop3A_610 = arith.addi %parallel_loop3A_583, %parallel_loop3A_609 : vector<16xi32>
        %parallel_loop3A_611 = tpu.vector_load_idx %arg8[%parallel_loop3A_610] : memref<54288xf32, #tpu.memory_space<vmem>>[vector<16xi32>], vector<16xf32>,
        %parallel_loop3A_612 = arith.constant 7 : i32
        %parallel_loop3A_613 = vector.broadcast %parallel_loop3A_612 : i32 to vector<16xi32>
        %parallel_loop3A_614 = arith.addi %parallel_loop3A_583, %parallel_loop3A_613 : vector<16xi32>
        %parallel_loop3A_615 = tpu.vector_load_idx %arg8[%parallel_loop3A_614] : memref<54288xf32, #tpu.memory_space<vmem>>[vector<16xi32>], vector<16xf32>,
        %parallel_loop3A_616 = arith.mulf %parallel_loop3A_577, %gather3A_231 : vector<16xf32>
        %parallel_loop3A_617 = arith.addf %parallel_loop3A_587, %parallel_loop3A_616 : vector<16xf32>
        %parallel_loop3A_618 = arith.mulf %parallel_loop3A_577, %gather3A_235 : vector<16xf32>
        %parallel_loop3A_619 = arith.addf %parallel_loop3A_591, %parallel_loop3A_618 : vector<16xf32>
        %parallel_loop3A_620 = arith.mulf %parallel_loop3A_577, %gather3A_239 : vector<16xf32>
        %parallel_loop3A_621 = arith.addf %parallel_loop3A_595, %parallel_loop3A_620 : vector<16xf32>
        %parallel_loop3A_622 = arith.mulf %parallel_loop3A_577, %gather3A_243 : vector<16xf32>
        %parallel_loop3A_623 = arith.addf %parallel_loop3A_599, %parallel_loop3A_622 : vector<16xf32>
        %parallel_loop3A_624 = arith.mulf %parallel_loop3A_577, %gather3A_247 : vector<16xf32>
        %parallel_loop3A_625 = arith.addf %parallel_loop3A_603, %parallel_loop3A_624 : vector<16xf32>
        %parallel_loop3A_626 = arith.mulf %parallel_loop3A_577, %gather3A_251 : vector<16xf32>
        %parallel_loop3A_627 = arith.addf %parallel_loop3A_607, %parallel_loop3A_626 : vector<16xf32>
        %parallel_loop3A_628 = arith.mulf %parallel_loop3A_577, %gather3A_255 : vector<16xf32>
        %parallel_loop3A_629 = arith.addf %parallel_loop3A_611, %parallel_loop3A_628 : vector<16xf32>
        %parallel_loop3A_630 = arith.mulf %parallel_loop3A_577, %gather3A_259 : vector<16xf32>
        %parallel_loop3A_631 = arith.addf %parallel_loop3A_615, %parallel_loop3A_630 : vector<16xf32>
        %parallel_loop3A_632 = arith.constant 0 : i32
        %parallel_loop3A_633 = arith.addi %parallel_loop3A_567, %parallel_loop3A_632 : i32
        %parallel_loop3A_634 = arith.index_cast %parallel_loop3A_633 : i32 to index
        %parallel_loop3A_635 = tpu.vector_load %arg14[%parallel_loop3A_634] {strides = array<i32>} : memref<16384xf32, #tpu.memory_space<vmem>>, vector<16xf32>,
        tpu.vector_store %arg14[%parallel_loop3A_634], %parallel_loop3A_617 {strides = array<i32>} : memref<16384xf32, #tpu.memory_space<vmem>>, vector<16xf32>,
        %parallel_loop3A_636 = arith.constant 128 : i32
        %parallel_loop3A_637 = arith.addi %parallel_loop3A_567, %parallel_loop3A_636 : i32
        %parallel_loop3A_638 = arith.index_cast %parallel_loop3A_637 : i32 to index
        %parallel_loop3A_639 = tpu.vector_load %arg14[%parallel_loop3A_638] {strides = array<i32>} : memref<16384xf32, #tpu.memory_space<vmem>>, vector<16xf32>,
        tpu.vector_store %arg14[%parallel_loop3A_638], %parallel_loop3A_619 {strides = array<i32>} : memref<16384xf32, #tpu.memory_space<vmem>>, vector<16xf32>,
        %parallel_loop3A_640 = arith.constant 256 : i32
        %parallel_loop3A_641 = arith.addi %parallel_loop3A_567, %parallel_loop3A_640 : i32
        %parallel_loop3A_642 = arith.index_cast %parallel_loop3A_641 : i32 to index
        %parallel_loop3A_643 = tpu.vector_load %arg14[%parallel_loop3A_642] {strides = array<i32>} : memref<16384xf32, #tpu.memory_space<vmem>>, vector<16xf32>,
        tpu.vector_store %arg14[%parallel_loop3A_642], %parallel_loop3A_621 {strides = array<i32>} : memref<16384xf32, #tpu.memory_space<vmem>>, vector<16xf32>,
        %parallel_loop3A_644 = arith.constant 384 : i32
        %parallel_loop3A_645 = arith.addi %parallel_loop3A_567, %parallel_loop3A_644 : i32
        %parallel_loop3A_646 = arith.index_cast %parallel_loop3A_645 : i32 to index
        %parallel_loop3A_647 = tpu.vector_load %arg14[%parallel_loop3A_646] {strides = array<i32>} : memref<16384xf32, #tpu.memory_space<vmem>>, vector<16xf32>,
        tpu.vector_store %arg14[%parallel_loop3A_646], %parallel_loop3A_623 {strides = array<i32>} : memref<16384xf32, #tpu.memory_space<vmem>>, vector<16xf32>,
        %parallel_loop3A_648 = arith.constant 512 : i32
        %parallel_loop3A_649 = arith.addi %parallel_loop3A_567, %parallel_loop3A_648 : i32
        %parallel_loop3A_650 = arith.index_cast %parallel_loop3A_649 : i32 to index
        %parallel_loop3A_651 = tpu.vector_load %arg14[%parallel_loop3A_650] {strides = array<i32>} : memref<16384xf32, #tpu.memory_space<vmem>>, vector<16xf32>,
        tpu.vector_store %arg14[%parallel_loop3A_650], %parallel_loop3A_625 {strides = array<i32>} : memref<16384xf32, #tpu.memory_space<vmem>>, vector<16xf32>,
        %parallel_loop3A_652 = arith.constant 640 : i32
        %parallel_loop3A_653 = arith.addi %parallel_loop3A_567, %parallel_loop3A_652 : i32
        %parallel_loop3A_654 = arith.index_cast %parallel_loop3A_653 : i32 to index
        %parallel_loop3A_655 = tpu.vector_load %arg14[%parallel_loop3A_654] {strides = array<i32>} : memref<16384xf32, #tpu.memory_space<vmem>>, vector<16xf32>,
        tpu.vector_store %arg14[%parallel_loop3A_654], %parallel_loop3A_627 {strides = array<i32>} : memref<16384xf32, #tpu.memory_space<vmem>>, vector<16xf32>,
        %parallel_loop3A_656 = arith.constant 768 : i32
        %parallel_loop3A_657 = arith.addi %parallel_loop3A_567, %parallel_loop3A_656 : i32
        %parallel_loop3A_658 = arith.index_cast %parallel_loop3A_657 : i32 to index
        %parallel_loop3A_659 = tpu.vector_load %arg14[%parallel_loop3A_658] {strides = array<i32>} : memref<16384xf32, #tpu.memory_space<vmem>>, vector<16xf32>,
        tpu.vector_store %arg14[%parallel_loop3A_658], %parallel_loop3A_629 {strides = array<i32>} : memref<16384xf32, #tpu.memory_space<vmem>>, vector<16xf32>,
        %parallel_loop3A_660 = arith.constant 896 : i32
        %parallel_loop3A_661 = arith.addi %parallel_loop3A_567, %parallel_loop3A_660 : i32
        %parallel_loop3A_662 = arith.index_cast %parallel_loop3A_661 : i32 to index
        %parallel_loop3A_663 = tpu.vector_load %arg14[%parallel_loop3A_662] {strides = array<i32>} : memref<16384xf32, #tpu.memory_space<vmem>>, vector<16xf32>,
        tpu.vector_store %arg14[%parallel_loop3A_662], %parallel_loop3A_631 {strides = array<i32>} : memref<16384xf32, #tpu.memory_space<vmem>>, vector<16xf32>,
        %parallel_loop3A_664 = arith.constant 2 : i32
        %parallel_loop3A_665 = arith.constant 0 : i32
        %parallel_loop3A_666 = arith.cmpi eq, %parallel_loop3A_664, %parallel_loop3A_665 : i32
        %parallel_loop3A_667 = arith.constant 1 : i32
        %parallel_loop3A_668 = arith.select %parallel_loop3A_666, %parallel_loop3A_667, %parallel_loop3A_664 : i32
        %parallel_loop3A_669 = arith.remsi %parallel_loop3A_267, %parallel_loop3A_668 : i32
        %parallel_loop3A_670 = arith.constant 0 : i32
        %parallel_loop3A_671 = arith.cmpi ne, %parallel_loop3A_669, %parallel_loop3A_670 : i32
        %parallel_loop3A_672 = arith.constant 0 : i32
        %parallel_loop3A_673 = arith.cmpi slt, %parallel_loop3A_669, %parallel_loop3A_672 : i32
        %parallel_loop3A_674 = arith.constant 0 : i32
        %parallel_loop3A_675 = arith.cmpi slt, %parallel_loop3A_668, %parallel_loop3A_674 : i32
        %parallel_loop3A_676 = arith.xori %parallel_loop3A_673, %parallel_loop3A_675 : i1
        %parallel_loop3A_677 = arith.andi %parallel_loop3A_676, %parallel_loop3A_671 : i1
        %parallel_loop3A_678 = arith.addi %parallel_loop3A_669, %parallel_loop3A_668 : i32
        %parallel_loop3A_679 = arith.select %parallel_loop3A_677, %parallel_loop3A_678, %parallel_loop3A_669 : i32
        %parallel_loop3A_680 = arith.constant 4 : i32
        %parallel_loop3A_681 = arith.muli %parallel_loop3A_679, %parallel_loop3A_680 : i32
        %parallel_loop3A_682 = arith.constant 3 : i32
        %parallel_loop3A_683 = arith.addi %parallel_loop3A_681, %parallel_loop3A_682 : i32
        %parallel_loop3A_684 = arith.constant 16 : i32
        %parallel_loop3A_685 = arith.muli %select_n3A_227, %parallel_loop3A_684 : i32
        %parallel_loop3A_686 = arith.addi %parallel_loop3A_685, %parallel_loop3A_291 : i32
        %parallel_loop3A_687 = arith.constant 1024 : i32
        %parallel_loop3A_688 = arith.muli %parallel_loop3A_291, %parallel_loop3A_687 : i32
        %parallel_loop3A_689 = arith.constant 16 : i32
        %parallel_loop3A_690 = arith.muli %parallel_loop3A_683, %parallel_loop3A_689 : i32
        %parallel_loop3A_691 = arith.addi %parallel_loop3A_688, %parallel_loop3A_690 : i32
        %parallel_loop3A_692 = arith.constant 16 : i32
        %parallel_loop3A_693 = arith.muli %parallel_loop3A_683, %parallel_loop3A_692 : i32
        %parallel_loop3A_694 = arith.index_cast %parallel_loop3A_686 : i32 to index
        %parallel_loop3A_695 = arith.index_cast %parallel_loop3A_693 : i32 to index
        %parallel_loop3A_696 = tpu.vector_load %arg11[%parallel_loop3A_694, %parallel_loop3A_695] {strides = array<i32>} : memref<32x128xi32, #tpu.memory_space<vmem>>, vector<16xi32>,
        %parallel_loop3A_697 = arith.constant 16 : i32
        %parallel_loop3A_698 = arith.muli %parallel_loop3A_683, %parallel_loop3A_697 : i32
        %parallel_loop3A_699 = arith.index_cast %parallel_loop3A_686 : i32 to index
        %parallel_loop3A_700 = arith.index_cast %parallel_loop3A_698 : i32 to index
        %parallel_loop3A_701 = tpu.vector_load %arg12[%parallel_loop3A_699, %parallel_loop3A_700] {strides = array<i32>} : memref<32x128xf32, #tpu.memory_space<vmem>>, vector<16xf32>,
        %parallel_loop3A_702 = arith.constant 64 : i32
        %parallel_loop3A_703 = vector.broadcast %parallel_loop3A_702 : i32 to vector<16xi32>
        %parallel_loop3A_704 = arith.muli %parallel_loop3A_696, %parallel_loop3A_703 : vector<16xi32>
        %parallel_loop3A_705 = arith.addi %mul3A_9, %parallel_loop3A_704 : vector<16xi32>
        %parallel_loop3A_706 = vector.broadcast %mul3A_211 : i32 to vector<16xi32>
        %parallel_loop3A_707 = arith.addi %parallel_loop3A_705, %parallel_loop3A_706 : vector<16xi32>
        %parallel_loop3A_708 = arith.constant 0 : i32
        %parallel_loop3A_709 = vector.broadcast %parallel_loop3A_708 : i32 to vector<16xi32>
        %parallel_loop3A_710 = arith.addi %parallel_loop3A_707, %parallel_loop3A_709 : vector<16xi32>
        %parallel_loop3A_711 = tpu.vector_load_idx %arg8[%parallel_loop3A_710] : memref<54288xf32, #tpu.memory_space<vmem>>[vector<16xi32>], vector<16xf32>,
        %parallel_loop3A_712 = arith.constant 1 : i32
        %parallel_loop3A_713 = vector.broadcast %parallel_loop3A_712 : i32 to vector<16xi32>
        %parallel_loop3A_714 = arith.addi %parallel_loop3A_707, %parallel_loop3A_713 : vector<16xi32>
        %parallel_loop3A_715 = tpu.vector_load_idx %arg8[%parallel_loop3A_714] : memref<54288xf32, #tpu.memory_space<vmem>>[vector<16xi32>], vector<16xf32>,
        %parallel_loop3A_716 = arith.constant 2 : i32
        %parallel_loop3A_717 = vector.broadcast %parallel_loop3A_716 : i32 to vector<16xi32>
        %parallel_loop3A_718 = arith.addi %parallel_loop3A_707, %parallel_loop3A_717 : vector<16xi32>
        %parallel_loop3A_719 = tpu.vector_load_idx %arg8[%parallel_loop3A_718] : memref<54288xf32, #tpu.memory_space<vmem>>[vector<16xi32>], vector<16xf32>,
        %parallel_loop3A_720 = arith.constant 3 : i32
        %parallel_loop3A_721 = vector.broadcast %parallel_loop3A_720 : i32 to vector<16xi32>
        %parallel_loop3A_722 = arith.addi %parallel_loop3A_707, %parallel_loop3A_721 : vector<16xi32>
        %parallel_loop3A_723 = tpu.vector_load_idx %arg8[%parallel_loop3A_722] : memref<54288xf32, #tpu.memory_space<vmem>>[vector<16xi32>], vector<16xf32>,
        %parallel_loop3A_724 = arith.constant 4 : i32
        %parallel_loop3A_725 = vector.broadcast %parallel_loop3A_724 : i32 to vector<16xi32>
        %parallel_loop3A_726 = arith.addi %parallel_loop3A_707, %parallel_loop3A_725 : vector<16xi32>
        %parallel_loop3A_727 = tpu.vector_load_idx %arg8[%parallel_loop3A_726] : memref<54288xf32, #tpu.memory_space<vmem>>[vector<16xi32>], vector<16xf32>,
        %parallel_loop3A_728 = arith.constant 5 : i32
        %parallel_loop3A_729 = vector.broadcast %parallel_loop3A_728 : i32 to vector<16xi32>
        %parallel_loop3A_730 = arith.addi %parallel_loop3A_707, %parallel_loop3A_729 : vector<16xi32>
        %parallel_loop3A_731 = tpu.vector_load_idx %arg8[%parallel_loop3A_730] : memref<54288xf32, #tpu.memory_space<vmem>>[vector<16xi32>], vector<16xf32>,
        %parallel_loop3A_732 = arith.constant 6 : i32
        %parallel_loop3A_733 = vector.broadcast %parallel_loop3A_732 : i32 to vector<16xi32>
        %parallel_loop3A_734 = arith.addi %parallel_loop3A_707, %parallel_loop3A_733 : vector<16xi32>
        %parallel_loop3A_735 = tpu.vector_load_idx %arg8[%parallel_loop3A_734] : memref<54288xf32, #tpu.memory_space<vmem>>[vector<16xi32>], vector<16xf32>,
        %parallel_loop3A_736 = arith.constant 7 : i32
        %parallel_loop3A_737 = vector.broadcast %parallel_loop3A_736 : i32 to vector<16xi32>
        %parallel_loop3A_738 = arith.addi %parallel_loop3A_707, %parallel_loop3A_737 : vector<16xi32>
        %parallel_loop3A_739 = tpu.vector_load_idx %arg8[%parallel_loop3A_738] : memref<54288xf32, #tpu.memory_space<vmem>>[vector<16xi32>], vector<16xf32>,
        %parallel_loop3A_740 = arith.mulf %parallel_loop3A_701, %gather3A_231 : vector<16xf32>
        %parallel_loop3A_741 = arith.addf %parallel_loop3A_711, %parallel_loop3A_740 : vector<16xf32>
        %parallel_loop3A_742 = arith.mulf %parallel_loop3A_701, %gather3A_235 : vector<16xf32>
        %parallel_loop3A_743 = arith.addf %parallel_loop3A_715, %parallel_loop3A_742 : vector<16xf32>
        %parallel_loop3A_744 = arith.mulf %parallel_loop3A_701, %gather3A_239 : vector<16xf32>
        %parallel_loop3A_745 = arith.addf %parallel_loop3A_719, %parallel_loop3A_744 : vector<16xf32>
        %parallel_loop3A_746 = arith.mulf %parallel_loop3A_701, %gather3A_243 : vector<16xf32>
        %parallel_loop3A_747 = arith.addf %parallel_loop3A_723, %parallel_loop3A_746 : vector<16xf32>
        %parallel_loop3A_748 = arith.mulf %parallel_loop3A_701, %gather3A_247 : vector<16xf32>
        %parallel_loop3A_749 = arith.addf %parallel_loop3A_727, %parallel_loop3A_748 : vector<16xf32>
        %parallel_loop3A_750 = arith.mulf %parallel_loop3A_701, %gather3A_251 : vector<16xf32>
        %parallel_loop3A_751 = arith.addf %parallel_loop3A_731, %parallel_loop3A_750 : vector<16xf32>
        %parallel_loop3A_752 = arith.mulf %parallel_loop3A_701, %gather3A_255 : vector<16xf32>
        %parallel_loop3A_753 = arith.addf %parallel_loop3A_735, %parallel_loop3A_752 : vector<16xf32>
        %parallel_loop3A_754 = arith.mulf %parallel_loop3A_701, %gather3A_259 : vector<16xf32>
        %parallel_loop3A_755 = arith.addf %parallel_loop3A_739, %parallel_loop3A_754 : vector<16xf32>
        %parallel_loop3A_756 = arith.constant 0 : i32
        %parallel_loop3A_757 = arith.addi %parallel_loop3A_691, %parallel_loop3A_756 : i32
        %parallel_loop3A_758 = arith.index_cast %parallel_loop3A_757 : i32 to index
        %parallel_loop3A_759 = tpu.vector_load %arg14[%parallel_loop3A_758] {strides = array<i32>} : memref<16384xf32, #tpu.memory_space<vmem>>, vector<16xf32>,
        tpu.vector_store %arg14[%parallel_loop3A_758], %parallel_loop3A_741 {strides = array<i32>} : memref<16384xf32, #tpu.memory_space<vmem>>, vector<16xf32>,
        %parallel_loop3A_760 = arith.constant 128 : i32
        %parallel_loop3A_761 = arith.addi %parallel_loop3A_691, %parallel_loop3A_760 : i32
        %parallel_loop3A_762 = arith.index_cast %parallel_loop3A_761 : i32 to index
        %parallel_loop3A_763 = tpu.vector_load %arg14[%parallel_loop3A_762] {strides = array<i32>} : memref<16384xf32, #tpu.memory_space<vmem>>, vector<16xf32>,
        tpu.vector_store %arg14[%parallel_loop3A_762], %parallel_loop3A_743 {strides = array<i32>} : memref<16384xf32, #tpu.memory_space<vmem>>, vector<16xf32>,
        %parallel_loop3A_764 = arith.constant 256 : i32
        %parallel_loop3A_765 = arith.addi %parallel_loop3A_691, %parallel_loop3A_764 : i32
        %parallel_loop3A_766 = arith.index_cast %parallel_loop3A_765 : i32 to index
        %parallel_loop3A_767 = tpu.vector_load %arg14[%parallel_loop3A_766] {strides = array<i32>} : memref<16384xf32, #tpu.memory_space<vmem>>, vector<16xf32>,
        tpu.vector_store %arg14[%parallel_loop3A_766], %parallel_loop3A_745 {strides = array<i32>} : memref<16384xf32, #tpu.memory_space<vmem>>, vector<16xf32>,
        %parallel_loop3A_768 = arith.constant 384 : i32
        %parallel_loop3A_769 = arith.addi %parallel_loop3A_691, %parallel_loop3A_768 : i32
        %parallel_loop3A_770 = arith.index_cast %parallel_loop3A_769 : i32 to index
        %parallel_loop3A_771 = tpu.vector_load %arg14[%parallel_loop3A_770] {strides = array<i32>} : memref<16384xf32, #tpu.memory_space<vmem>>, vector<16xf32>,
        tpu.vector_store %arg14[%parallel_loop3A_770], %parallel_loop3A_747 {strides = array<i32>} : memref<16384xf32, #tpu.memory_space<vmem>>, vector<16xf32>,
        %parallel_loop3A_772 = arith.constant 512 : i32
        %parallel_loop3A_773 = arith.addi %parallel_loop3A_691, %parallel_loop3A_772 : i32
        %parallel_loop3A_774 = arith.index_cast %parallel_loop3A_773 : i32 to index
        %parallel_loop3A_775 = tpu.vector_load %arg14[%parallel_loop3A_774] {strides = array<i32>} : memref<16384xf32, #tpu.memory_space<vmem>>, vector<16xf32>,
        tpu.vector_store %arg14[%parallel_loop3A_774], %parallel_loop3A_749 {strides = array<i32>} : memref<16384xf32, #tpu.memory_space<vmem>>, vector<16xf32>,
        %parallel_loop3A_776 = arith.constant 640 : i32
        %parallel_loop3A_777 = arith.addi %parallel_loop3A_691, %parallel_loop3A_776 : i32
        %parallel_loop3A_778 = arith.index_cast %parallel_loop3A_777 : i32 to index
        %parallel_loop3A_779 = tpu.vector_load %arg14[%parallel_loop3A_778] {strides = array<i32>} : memref<16384xf32, #tpu.memory_space<vmem>>, vector<16xf32>,
        tpu.vector_store %arg14[%parallel_loop3A_778], %parallel_loop3A_751 {strides = array<i32>} : memref<16384xf32, #tpu.memory_space<vmem>>, vector<16xf32>,
        %parallel_loop3A_780 = arith.constant 768 : i32
        %parallel_loop3A_781 = arith.addi %parallel_loop3A_691, %parallel_loop3A_780 : i32
        %parallel_loop3A_782 = arith.index_cast %parallel_loop3A_781 : i32 to index
        %parallel_loop3A_783 = tpu.vector_load %arg14[%parallel_loop3A_782] {strides = array<i32>} : memref<16384xf32, #tpu.memory_space<vmem>>, vector<16xf32>,
        tpu.vector_store %arg14[%parallel_loop3A_782], %parallel_loop3A_753 {strides = array<i32>} : memref<16384xf32, #tpu.memory_space<vmem>>, vector<16xf32>,
        %parallel_loop3A_784 = arith.constant 896 : i32
        %parallel_loop3A_785 = arith.addi %parallel_loop3A_691, %parallel_loop3A_784 : i32
        %parallel_loop3A_786 = arith.index_cast %parallel_loop3A_785 : i32 to index
        %parallel_loop3A_787 = tpu.vector_load %arg14[%parallel_loop3A_786] {strides = array<i32>} : memref<16384xf32, #tpu.memory_space<vmem>>, vector<16xf32>,
        tpu.vector_store %arg14[%parallel_loop3A_786], %parallel_loop3A_755 {strides = array<i32>} : memref<16384xf32, #tpu.memory_space<vmem>>, vector<16xf32>,
      } {sc.loop_unroll_factor = 2 : i64, sc.parallel_access}
      %mul3A_263 = arith.constant 16384 : i32
      %mul3A_264 = arith.muli %add3A_140, %mul3A_263 : i32
      %dma_start3A_265 = tpu.memref_slice %arg7[%mul3A_264] : memref<52428800xf32, #tpu.memory_space<hbm>> -> memref<16384xf32, #tpu.memory_space<hbm>>
      %dma_start3A_266 = tpu.memref_slice %arg7[%mul3A_264] : memref<52428800xf32, #tpu.memory_space<hbm>> -> memref<16384xf32, #tpu.memory_space<hbm>>
      tpu.enqueue_dma source(%arg14 : memref<16384xf32, #tpu.memory_space<vmem>>) target(%dma_start3A_266 : memref<16384xf32, #tpu.memory_space<hbm>>) target_semaphore(%arg16 : memref<!tpu.dma_semaphore, #tpu.memory_space<semaphore_mem>>)
    }
    %scan3A_14 = arith.constant 50 : i32
    %dma_wait3A = arith.constant 0 : i32
    %dma_wait3A_15 = tpu.memref_slice %arg7[%dma_wait3A] : memref<52428800xf32, #tpu.memory_space<hbm>> -> memref<16384xf32, #tpu.memory_space<hbm>>
    %dma_wait3A_16 = arith.constant 0 : i32
    %dma_wait3A_17 = tpu.memref_slice %arg7[%dma_wait3A_16] : memref<52428800xf32, #tpu.memory_space<hbm>> -> memref<16384xf32, #tpu.memory_space<hbm>>
    tpu.wait_dma2 semaphore(%arg15 : memref<!tpu.dma_semaphore, #tpu.memory_space<semaphore_mem>>) src(%arg13 : memref<16384xf32, #tpu.memory_space<vmem>>) dst(%dma_wait3A_17 : memref<16384xf32, #tpu.memory_space<hbm>>)
    %dma_wait3A_18 = arith.constant 0 : i32
    %dma_wait3A_19 = tpu.memref_slice %arg7[%dma_wait3A_18] : memref<52428800xf32, #tpu.memory_space<hbm>> -> memref<16384xf32, #tpu.memory_space<hbm>>
    %dma_wait3A_20 = arith.constant 0 : i32
    %dma_wait3A_21 = tpu.memref_slice %arg7[%dma_wait3A_20] : memref<52428800xf32, #tpu.memory_space<hbm>> -> memref<16384xf32, #tpu.memory_space<hbm>>
    tpu.wait_dma2 semaphore(%arg16 : memref<!tpu.dma_semaphore, #tpu.memory_space<semaphore_mem>>) src(%arg14 : memref<16384xf32, #tpu.memory_space<vmem>>) dst(%dma_wait3A_21 : memref<16384xf32, #tpu.memory_space<hbm>>)
    return
  }
}

</mosaic_0001>

<sc_bundles>
// kernel: kernel.3.cloned.1.call-start
scs
__scs_entry_jumppad:
0x0: {  	(pc) =	sbr.rel $0x88, $3  }
0x1: {  	(tag) =	ssettag $0x0;
	lr =	simm.s32 $0x1  }
0x2: {  	[smem:$0x3F9C] =	sst lr;
	_ =	strace $0xD0000000  }
0x3: {  	_ = 	snop  }
0x4: {  	_ = 	snop  }
0x5: {  	_ = 	snop  }
0x6: {  	_ = 	snop  }
0x7: {  	_ = 	snop  }
__scs_overlays_trampoline_lowered:
0x8: {  	[smem:$0x3FAB] =	sst s0  }
0x9: {  	[smem:$0x3FAC] =	sst s1  }
0xa: {  	[smem:$0x3FAD] =	sst s2  }
0xb: {  	[smem:$0x3FAE] =	sst s3  }
0xc: {  	[smem:$0x3FAF] =	sst s4  }
0xd: {  	[smem:$0x3FB0] =	sst s5  }
0xe: {  	[smem:$0x3FB1] =	sst s6  }
0xf: {  	[smem:$0x3FB2] =	sst s7  }
0x10: {  	[smem:$0x3FB3] =	sst s8  }
0x11: {  	[smem:$0x3FB4] =	sst s9;
	s0 =	simm.s32 @!p0 $0x0  }
0x12: {  	s1 =	sld [smem:$0x3F9A];
	s0 =	simm.s32 @p0 $0x1  }
0x13: {  	[smem:$0x3FB5] =	sst s0;
	s0 =	simm.s32 @!p1 $0x0  }
0x14: {  	s2 =	sld [smem:$0x3F99];
	s0 =	simm.s32 @p1 $0x1  }
0x15: {  	[smem:$0x3FB6] =	sst s0;
	s0 =	simm.s32 @!p2 $0x0  }
0x16: {  	s3 =	sld [smem:$0x3FDB];
	s0 =	simm.s32 @p2 $0x1  }
0x17: {  	s4 =	simm.s32 $0x1BF5;
	[smem:$0x3FB8] =	sst s0  }
0x18: {  	s0 =	sld [smem:$0x3F9B];
	_ =	swait.ge [sflag:s4], $0x0  }
0x19: {  	s7 =	sld [smem:$0x3F9C]  }
0x1a: {  	s8 =	sadd.s32 $0xFFFFE003, lr  }
0x1b: {  	s9 =	sadd.s32 $0xFFFFFEF7, lr;
	s5 =	simm.s32 $0xFFFFFFFF;
	p2 =	slt.u32 s8, $0xFFFFF086  }
0x1c: {  	p1 =	slt.u32 s9, $0xF7A;
	s5 =	simm.s32 @!p2 $0x0  }
0x1d: {  	s5 =	simm.s32 @p1 $0x1;
	p0 =	seq.s32 s7, s2  }
0x1e: {  	s7 =	smul.u32 @!p0 $0xF7A, s2;
	p2 =	seq.s32 @!p0 s5, $0x0  }
0x1f: {  	s9 =	smul.u32 $0xF7A, s1;
	s8 =	simm.s32 @!p0 $0x1BF5;
	p2 =	por !p2, p0  }
0x20: {  	[sflag:s8] =	ssyncset.s32 @!p0 $0xFFFFF086;
	s6 =	sadd.s32 @!p0 s3, s7;
	s7 =	simm.s32 @!p0 $0x108  }
0x21: {  	s3 =	sadd.s32 s3, s9;
	s6 =	sadd.s32 @!p0 $0x88, s6;
	s7 =	simm.s32 @p2 $0x1082  }
0x22: {  	[simem:s7], [sflag:s8] =	dma.local @!p0 [hbm:s6], $0xF7A  }
0x23: {  	s9 =	sor.u32 $0xD0000000, s2;
	s6 =	simm.s32 $0x108;
	_ =	swait.ge @!p0 [sflag:s8], $0x0  }
0x24: {  	s3 =	sadd.s32 $0x88, s3;
	s6 =	simm.s32 @!p1 $0x1082;
	[sflag:s4] =	ssyncset.s32 $0xFFFFF086  }
0x25: {  	[simem:s6], [sflag:s4] =	dma.local [hbm:s3], $0xF7A  }
0x26: {  	[smem:$0x3F9C] =	sst s1;
	(tag) =	ssettag s2;
	_ =	strace s9  }
0x27: {  	s1 =	sld [smem:$0x3FAC]  }
0x28: {  	s2 =	sld [smem:$0x3FAD]  }
0x29: {  	s4 =	sld [smem:$0x3FAF]  }
0x2a: {  	p0 =	seq.s32 s5, $0x0;
	s5 =	sld [smem:$0x3FB0]  }
0x2b: {  	s6 =	sld [smem:$0x3FB1]  }
0x2c: {  	s7 =	sld [smem:$0x3FB2]  }
0x2d: {  	s3 =	simm.s32 $0x108;
	s8 =	sld [smem:$0x3FB3]  }
0x2e: {  	s3 =	simm.s32 @!p0 $0x1082;
	s9 =	sld [smem:$0x3FB4]  }
0x2f: {  	lr =	sadd.s32 s0, s3;
	s0 =	sld [smem:$0x3FAB]  }
0x30: {  	s3 =	sld [smem:$0x3FAE]  }
0x31: {  	[smem:$0x3FB7] =	sst s10  }
0x32: {  	s10 =	sld [smem:$0x3FB5];
	_ =	sdelay $0x3  }
0x33: {  	p0 =	seq.s32 s10, $0x1;
	s10 =	sld [smem:$0x3FB7];
	_ =	sdelay $0x3  }
0x34: {  	[smem:$0x3FB7] =	sst s10  }
0x35: {  	s10 =	sld [smem:$0x3FB6];
	_ =	sdelay $0x3  }
0x36: {  	p1 =	seq.s32 s10, $0x1;
	s10 =	sld [smem:$0x3FB7];
	_ =	sdelay $0x3  }
0x37: {  	[smem:$0x3FB7] =	sst s10  }
0x38: {  	s10 =	sld [smem:$0x3FB8]  }
0x39: {  	_ = 	snop;
	(pc) =	sbr.ind lr, $3  }
0x3a: {  	_ = 	snop  }
0x3b: {  	_ = 	snop  }
0x3c: {  	p2 =	seq.s32 s10, $0x1;
	s10 =	sld [smem:$0x3FB7]  }
0x3d: {  	_ =	shalt  }
0x3e: {  	_ =	shalt  }
0x3f: {  	_ =	shalt  }
0x40: {  	_ =	shalt  }
0x41: {  	_ =	shalt  }
0x42: {  	_ =	shalt  }
0x43: {  	_ =	shalt  }
0x44: {  	_ =	shalt  }
0x45: {  	_ =	shalt  }
0x46: {  	_ =	shalt  }
0x47: {  	_ =	shalt  }
0x48: {  	_ =	shalt  }
0x49: {  	_ =	shalt  }
0x4a: {  	_ =	shalt  }
0x4b: {  	_ =	shalt  }
0x4c: {  	_ =	shalt  }
0x4d: {  	_ =	shalt  }
0x4e: {  	_ =	shalt  }
0x4f: {  	_ =	shalt  }
0x50: {  	_ =	shalt  }
0x51: {  	_ =	shalt  }
0x52: {  	_ =	shalt  }
0x53: {  	_ =	shalt  }
0x54: {  	_ =	shalt  }
0x55: {  	_ =	shalt  }
0x56: {  	_ =	shalt  }
0x57: {  	_ =	shalt  }
0x58: {  	_ =	shalt  }
0x59: {  	_ =	shalt  }
0x5a: {  	_ =	shalt  }
0x5b: {  	_ =	shalt  }
0x5c: {  	_ =	shalt  }
0x5d: {  	_ =	shalt  }
0x5e: {  	_ =	shalt  }
0x5f: {  	_ =	shalt  }
0x60: {  	_ =	shalt  }
0x61: {  	_ =	shalt  }
0x62: {  	_ =	shalt  }
0x63: {  	_ =	shalt  }
0x64: {  	_ =	shalt  }
0x65: {  	_ =	shalt  }
0x66: {  	_ =	shalt  }
0x67: {  	_ =	shalt  }
0x68: {  	_ =	shalt  }
0x69: {  	_ =	shalt  }
0x6a: {  	_ =	shalt  }
0x6b: {  	_ =	shalt  }
0x6c: {  	_ =	shalt  }
0x6d: {  	_ =	shalt  }
0x6e: {  	_ =	shalt  }
0x6f: {  	_ =	shalt  }
0x70: {  	_ =	shalt  }
0x71: {  	_ =	shalt  }
0x72: {  	_ =	shalt  }
0x73: {  	_ =	shalt  }
0x74: {  	_ =	shalt  }
0x75: {  	_ =	shalt  }
0x76: {  	_ =	shalt  }
0x77: {  	_ =	shalt  }
0x78: {  	_ =	shalt  }
0x79: {  	_ =	shalt  }
0x7a: {  	_ =	shalt  }
0x7b: {  	_ =	shalt  }
0x7c: {  	_ =	shalt  }
0x7d: {  	_ =	shalt  }
0x7e: {  	_ =	shalt  }
0x7f: {  	_ =	shalt  }
0x80: {  	_ =	shalt  }
0x81: {  	_ =	shalt  }
0x82: {  	_ =	shalt  }
0x83: {  	_ =	shalt  }
0x84: {  	_ =	shalt  }
0x85: {  	_ =	shalt  }
0x86: {  	_ =	shalt  }
0x87: {  	_ =	shalt  }
.Lfunc_end0:
.L_simem_size_0:
called_computation_lowered:
.L_overlay_start_0:
0x88: {  	s2 =	sld [smem:$0x3FD9]  }
0x89: {  	s3 =	sld [smem:$0x3FFE];
	_ =	sdelay $0x1  }
0x8a: {  	s1 =	srdreg.scid  }
0x8b: {  	s0 =	sand.u32 $0x1, s1  }
0x8c: {  	s17 =	sshll.u32 s0, $0xA;
	s2 =	sadd.s32 s3, s2  }
0x8d: {  	s2 =	sadd.s32 s2, s17  }
0x8e: {  	[smem:$0x3FC3] =	sst s2  }
0x8f: {  	_ = 	snop  }
0x90: {  	s2 =	sld [smem:$0x3FC9]  }
0x91: {  	s18 =	sld [smem:$0x3FC8]  }
0x92: {  	s4 =	sld [smem:$0x3FC6]  }
0x93: {  	s5 =	sld [smem:$0x3FC5]  }
0x94: {  	s6 =	sld [smem:$0x3FD0];
	(tm) =	ssettm $0x1  }
0x95: {  	s7 =	sld [smem:$0x3FFB];
	_ =	sdelay $0x3  }
0x96: {  	_ =	strace s7  }
0x97: {  	s7 =	sld [smem:$0x3FFC];
	_ =	sdelay $0x3  }
0x98: {  	_ =	strace s7  }
0x99: {  	s7 =	sld [smem:$0x3FFD];
	_ =	sdelay $0x3  }
0x9a: {  	_ =	strace s7  }
0x9b: {  	_ =	strace $0x8FFFFFFF  }
0x9c: {  	s19 =	sld [smem:$0x3FDB];
	_ =	sdelay $0x1  }
0x9d: {  	s8 =	simm.s32 $_scs_section_size  }
0x9e: {  	s9 =	simm.s32 $_size__tile_overlayer_lowered;
	s10 =	simm.s32 $_tile_overlayer_lowered  }
0x9f: {  	s22 =	simm.s32 $0x1BFF;
	s21 =	sshll.u32 s10, $0x1;
	s7 =	sadd.s32 s8, s19  }
0xa0: {  	s11 =	simm.s32 $0x0;
	s20 =	sshll.u32 s9, $0x1;
	s9 =	sadd.s32 s21, s7  }
0xa1: {  	[timem:s11], [sflag:s22] =	dma.local [hbm:s9], s20  }
0xa2: {  	_ =	swait.ge [sflag:s22], s20  }
0xa3: {  	s8 =	ssub.s32 $0x0, s20;
	[sflag:s22] =	ssyncset.done $0x0  }
0xa4: {  	[sflag:s22] =	ssyncadd.s32 s8;
	_ =	sdelay $0x1  }
0xa5: {  	s23 =	simm.s32 $0x1B8B  }
0xa6: {  	_ =	swait.ge [sflag:s23], $0x1  }
0xa7: {  	[sflag:s23] =	ssyncset.done $0x0  }
0xa8: {  	s25 =	simm.s32 $0x1B8E;
	s24 =	sld [smem:$0x3FFE];
	[sflag:s23] =	ssyncadd.s32 $0xFFFFFFFF  }
0xa9: {  	s26 =	simm.s32 $execute0_lowered;
	[smem:$0x3FD2] =	sst s25  }
0xaa: {  	s9 =	sshll.u32 s26, $0x1;
	_ =	strace $0x80000046;
	[dreg:$0x1] =	wrdreg $0xFFFFFFFF  }
0xab: {  	s28 =	simm.s32 $_size_execute0_lowered;
	s7 =	sadd.s32 s7, s9;
	[dreg:$0x0] =	wrdreg $0x0  }
0xac: {  	s9 =	sshll.u32 s28, $0x1;
	[dreg:$0x2] =	wrdreg s7  }
0xad: {  	[dreg:$0x3] =	wrdreg s9  }
0xae: {  	[dreg:$0x4] =	wrdreg $0xC0  }
0xaf: {  	_ =	task [dreg:s11], $0x5FFFF  }
0xb0: {  	[dreg:$0x1] =	wrdreg $0xFFFFFFFF  }
0xb1: {  	[dreg:$0x0] =	wrdreg $0x60  }
0xb2: {  	[dreg:$0x2] =	wrdreg s2  }
0xb3: {  	[dreg:$0x3] =	wrdreg s18  }
0xb4: {  	[dreg:$0x4] =	wrdreg s24  }
0xb5: {  	[dreg:$0x5] =	wrdreg s4  }
0xb6: {  	[dreg:$0x6] =	wrdreg s5  }
0xb7: {  	[dreg:$0x7] =	wrdreg s6  }
0xb8: {  	[dreg:$0x8] =	wrdreg $0x9  }
0xb9: {  	_ =	task.clear_ibuf [dreg:s11], $0x9FFFF;
	_ =	strace $0x90000046  }
0xba: {  	s29 =	simm.s32 $0x9;
	_ =	strace $0x80000048  }
0xbb: {  	_ =	swait.ge [sflag:s29], $0x1  }
0xbc: {  	[sflag:s29] =	ssyncadd.s32 $0xFFFFFFFF  }
0xbd: {  	_ =	strace $0x90000048  }
0xbe: {  	_ =	sfence  }
0xbf: {  	s30 =	sld [smem:$0x0];
	_ =	sdelay $0x2  }
0xc0: {  	s31 =	sshll.u32 s1, $0xD;
	s1 =	sshrl.u32 s1, $0x2  }
0xc1: {  	s3 =	sand.u32 $0x4000, s31;
	s1 =	sadd.s32 s1, s30  }
0xc2: {  	s0 =	sor.u32 s3, s0;
	s1 =	sshll.u32 s1, $0x11  }
0xc3: {  	s0 =	sor.u32 s1, s0  }
0xc4: {  	s0 =	sadd.s32 $0x8F2B, s0  }
0xc5: {  	[sflag:s0] =	ssyncadd.remote.s32 $0x1  }
0xc6: {  	_ =	sfence.sel $0xFFFF  }
0xc7: {  	[dreg:$0x0] =	wrdreg $0xFFFFFFFF;
	(pc) =	sbr.abs _section_cstart, $3  }
0xc8: {  	[dreg:$0x1] =	wrdreg $0xFFFFFFFF  }
0xc9: {  	_ =	task.clear_ibuf [dreg:s11], $0x2FFFF;
	_ =	strace $0x9FFFFFFF  }
0xca: {  	(tm) =	ssettm $0x7FFFFFFF  }
0xcb: {  	_ =	shalt  }
tec
execute0_lowered:
.L_overlay_start_1:
0x0: {  	(tag) =	ssettag $0x1  }
0x1: {  	s1 =	rddreg [dreg:$0x0]  }
0x2: {  	s2 =	rddreg [dreg:$0x1]  }
0x3: {  	s0 =	rddreg [dreg:$0x2]  }
0x4: {  	s3 =	rddreg [dreg:$0x3]  }
0x5: {  	s4 =	rddreg [dreg:$0x4]  }
0x6: {  	s6 =	rddreg [dreg:$0x5];
	s5 =	srdreg.scid  }
0x7: {  	s7 =	simm.s32 $0x0;
	s8 =	stileid.u32;
	s11 =	simm.s32 $0xD480  }
0x8: {  	s12 =	simm.s32 $0x3;
	s13 =	simm.s32 $0xD500;
	s14 =	simm.s32 $0xF580  }
0x9: {  	s15 =	simm.s32 $0x13580;
	s16 =	simm.s32 $0x1;
	s5 =	sand.u32 $0x1, s5  }
0xa: {  	v0 =	vlaneseq.u32;
	s17 =	simm.s32 $0x2;
	s18 =	simm.s32 $0x0;
	s9 =	ssub.s32 $0x2, s5  }
0xb: {  	[smem:$0x7FF] =	sst s7;
	s8 =	sshll.u32 s8, $0x1;
	v1 =	vmul.u32 $0xD41, v0;
	s10 =	sshrl.u32 s9, $0x1  }
0xc: {  	_ =	strace $0x80000047;
	s5 =	sor.u32 s5, s8;
	s31 =	ssub.s32 s9, s10  }
0xd: {  	s8 =	sadd.s32 $0x400, s0;
	[tilespmem:$0x1FFF0] =	vst v1;
	s9 =	smul.u32 $0x64, s5;
	s10 =	smax.u32 s31, $0x1  }
.LBB2_1:
0xe: {  	[tilespmem:s11], [sflag:$0x3] =	stream.linear.gather [hbm4b:s3+s7], $0x80, $0x38;
	[tilespmem:$0x17580] =	vst v63  }
0xf: {  	_ =	swait.ge [sflag:s12], $0x80  }
0x10: {  	[sflag:s12] =	ssyncset.done $0x0  }
0x11: {  	[sflag:s12] =	ssyncadd.s32 $0xFFFFFF80  }
0x12: {  	[tilespmem:s13], [sflag:$0x3] =	stream.linear.gather [hbm4b:s4+s7], $0x80, $0x38;
	[tilespmem:$0x17580] =	vst v63  }
0x13: {  	_ =	swait.ge [sflag:s12], $0x80  }
0x14: {  	[sflag:s12] =	ssyncset.done $0x0  }
0x15: {  	[sflag:s12] =	ssyncadd.s32 $0xFFFFFF80  }
0x16: {  	[tilespmem:s14], [sflag:$0x3] =	stream.linear.gather [hbm4b:s8+s7], $0xD40, $0x38;
	[tilespmem:$0x17580] =	vst v63  }
0x17: {  	_ =	swait.ge [sflag:s12], $0xD40  }
0x18: {  	[sflag:s12] =	ssyncset.done $0x0  }
0x19: {  	[sflag:s12] =	ssyncadd.s32 $0xFFFFF2C0  }
0x1a: {  	s0 =	sand.u32 $0x30, s7;
	v2 =	vld [tilespmem:s14+$0x0]  }
0x1b: {  	v3 =	vld [tilespmem:s0+$0xD500];
	_ =	sdelay $0x1  }
0x1c: {  	v4 =	vor.u32 s7, v0;
	s31 =	simm.s32 $0xD41  }
0x1d: {  	s5 =	simm.s32 $0x1A82;
	v5 =	vadd.s32 s31, v0  }
0x1e: {  	s19 =	simm.s32 $0x27C3;
	v6 =	vadd.s32 s5, v0  }
0x1f: {  	s20 =	simm.s32 $0x3504;
	v2 =	vadd.f32 v3, v2;
	v3 =	vadd.s32 s19, v0  }
0x20: {  	s21 =	simm.s32 $0x4245;
	v7 =	vadd.s32 s20, v0  }
0x21: {  	s22 =	simm.s32 $0x4F86;
	[tilespmem:v4+s7+$0x0] =	vst.idx.msk $0xffff, v2;
	v4 =	vadd.s32 s21, v0  }
0x22: {  	s23 =	simm.s32 $0x5CC7;
	[tilespmem:v5+s7+$0x0] =	vst.idx.msk $0xffff, v2;
	v5 =	vadd.s32 s22, v0  }
0x23: {  	s24 =	simm.s32 $0x6A08;
	v60 =	vadd.s32 s23, v0;
	[tilespmem:v6+s7+$0x0] =	vst.idx.msk $0xffff, v2  }
0x24: {  	s25 =	simm.s32 $0x7749;
	[tilespmem:v3+s7+$0x0] =	vst.idx.msk $0xffff, v2;
	v3 =	vadd.s32 s24, v0  }
0x25: {  	s26 =	simm.s32 $0x848A;
	v61 =	vadd.s32 s25, v0;
	[tilespmem:v7+s7+$0x0] =	vst.idx.msk $0xffff, v2  }
0x26: {  	s28 =	simm.s32 $0x91CB;
	[tilespmem:v4+s7+$0x0] =	vst.idx.msk $0xffff, v2;
	v4 =	vadd.s32 s26, v0  }
0x27: {  	s29 =	simm.s32 $0x9F0C;
	[tilespmem:v5+s7+$0x0] =	vst.idx.msk $0xffff, v2;
	v5 =	vadd.s32 s28, v0  }
0x28: {  	s30 =	simm.s32 $0xAC4D;
	v62 =	vadd.s32 s29, v0;
	[tilespmem:v60+s7+$0x0] =	vst.idx.msk $0xffff, v2  }
0x29: {  	[tilespmem:v3+s7+$0x0] =	vst.idx.msk $0xffff, v2;
	v3 =	vadd.s32 s30, v0  }
0x2a: {  	[tilespmem:v61+s7+$0x0] =	vst.idx.msk $0xffff, v2  }
0x2b: {  	s31 =	simm.s32 $0xB98E;
	[tilespmem:v4+s7+$0x0] =	vst.idx.msk $0xffff, v2  }
0x2c: {  	v63 =	vadd.s32 s31, v0;
	[tilespmem:v5+s7+$0x0] =	vst.idx.msk $0xffff, v2  }
0x2d: {  	s5 =	simm.s32 $0xC6CF;
	[tilespmem:v62+s7+$0x0] =	vst.idx.msk $0xffff, v2  }
0x2e: {  	[tilespmem:v3+s7+$0x0] =	vst.idx.msk $0xffff, v2;
	v3 =	vadd.s32 s5, v0;
	_ =	sdelay $0x2  }
0x2f: {  	s0 =	simm.s32 $0x10;
	s19 =	simm.s32 $0x0;
	s5 =	simm.s32 $0xF580;
	[tilespmem:v63+s7+$0x0] =	vst.idx.msk $0xffff, v2  }
.LBB2_2:
0x30: {  	p0 =	sne.s32 s0, $0xD30  }
0x31: {  	[tilespmem:v3+s19+$0x0] =	vst.idx.msk $0xffff, v2;
	s5 =	sadd.s32 $0x10, s5;
	s20 =	smov.u32 s0;
	s0 =	sadd.s32 $0x10, s0  }
0x32: {  	v2 =	vld [tilespmem:s5+$0x0];
	s19 =	sand.u32 $0x30, s20  }
0x33: {  	v3 =	vld [tilespmem:s19+$0xD500];
	_ =	sdelay $0x1  }
0x34: {  	v4 =	vor.u32 s20, v0;
	s19 =	sadd.s32 $0xD41, s20  }
0x35: {  	v5 =	vadd.s32 s19, v0;
	s19 =	sadd.s32 $0x1A82, s20  }
0x36: {  	v6 =	vadd.s32 s19, v0;
	s19 =	sadd.s32 $0x27C3, s20  }
0x37: {  	s21 =	sadd.s32 $0x3504, s20;
	v2 =	vadd.f32 v3, v2;
	v3 =	vadd.s32 s19, v0  }
0x38: {  	v7 =	vadd.s32 s21, v0;
	s21 =	sadd.s32 $0x4245, s20;
	s19 =	simm.s32 $0x0  }
0x39: {  	[tilespmem:v4+s19+$0x0] =	vst.idx.msk $0xffff, v2;
	v4 =	vadd.s32 s21, v0;
	s21 =	sadd.s32 $0x4F86, s20  }
0x3a: {  	[tilespmem:v5+s19+$0x0] =	vst.idx.msk $0xffff, v2;
	v5 =	vadd.s32 s21, v0;
	s21 =	sadd.s32 $0x5CC7, s20  }
0x3b: {  	[tilespmem:v6+s19+$0x0] =	vst.idx.msk $0xffff, v2;
	v6 =	vadd.s32 s21, v0;
	s21 =	sadd.s32 $0x6A08, s20  }
0x3c: {  	[tilespmem:v3+s19+$0x0] =	vst.idx.msk $0xffff, v2;
	v3 =	vadd.s32 s21, v0;
	s21 =	sadd.s32 $0x7749, s20  }
0x3d: {  	[tilespmem:v7+s19+$0x0] =	vst.idx.msk $0xffff, v2;
	v7 =	vadd.s32 s21, v0;
	s21 =	sadd.s32 $0x848A, s20  }
0x3e: {  	[tilespmem:v4+s19+$0x0] =	vst.idx.msk $0xffff, v2;
	v4 =	vadd.s32 s21, v0;
	s21 =	sadd.s32 $0x91CB, s20  }
0x3f: {  	[tilespmem:v5+s19+$0x0] =	vst.idx.msk $0xffff, v2;
	v5 =	vadd.s32 s21, v0;
	s21 =	sadd.s32 $0x9F0C, s20  }
0x40: {  	[tilespmem:v6+s19+$0x0] =	vst.idx.msk $0xffff, v2;
	v6 =	vadd.s32 s21, v0;
	s21 =	sadd.s32 $0xAC4D, s20  }
0x41: {  	[tilespmem:v3+s19+$0x0] =	vst.idx.msk $0xffff, v2;
	v8 =	vadd.s32 s21, v0;
	s21 =	sadd.s32 $0xB98E, s20  }
0x42: {  	s20 =	sadd.s32 $0xC6CF, s20;
	[tilespmem:v7+s19+$0x0] =	vst.idx.msk $0xffff, v2;
	v7 =	vadd.s32 s21, v0  }
.Ltmp0:
0x43: {  	v3 =	vadd.s32 s20, v0;
	[tilespmem:v4+s19+$0x0] =	vst.idx.msk $0xffff, v2;
	(pc) =	sbr.rel @p0 .LBB2_2-.Ltmp0, $4  }
0x44: {  	[tilespmem:v5+s19+$0x0] =	vst.idx.msk $0xffff, v2  }
0x45: {  	[tilespmem:v6+s19+$0x0] =	vst.idx.msk $0xffff, v2  }
0x46: {  	[tilespmem:v8+s19+$0x0] =	vst.idx.msk $0xffff, v2  }
0x47: {  	[tilespmem:v7+s19+$0x0] =	vst.idx.msk $0xffff, v2  }
0x48: {  	_ =	sdelay $0x3  }
0x49: {  	[tilespmem:v3+s19+$0x0] =	vst.idx.msk $0xffff, v2  }
.LBB2_4:
0x4a: {  	s20 =	sshll.u32 s19, $0x1  }
0x4b: {  	s21 =	sadd.s32 s9, s20  }
0x4c: {  	p0 =	seq.s32 s19, $0x0;
	s0 =	sand.u32 $0xE, s21  }
0x4d: {  	p1 =	sne.s32 @!p0 s0, $0x0  }
0x4e: {  	p1 =	por p0, !p1  }
0x4f: {  	s0 =	sshll.u32 @p1 s21, $0x5  }
0x50: {  	s5 =	sand.u32 @p1 $0x70, s21;
	s0 =	sand.u32 @p1 $0xFFFF000, s0  }
0x51: {  	s22 =	simm.s32 @p1 $0x80;
	s0 =	sor.u32 @p1 s5, s0  }
0x52: {  	s23 =	simm.s32 @p1 $0x400;
	s24 =	simm.s32 @p1 $0xD580;
	s5 =	sadd.s32 @p1 s1, s0  }
0x53: {  	[tilespmem:s24], [sflag:$0x3] =	stream.strided.gather @p1 [hbm4b:s5+s22], $0x1000, s23, s22, $0x38;
	[tilespmem:$0x17580] =	vst v63  }
0x54: {  	s5 =	simm.s32 @p1 $0x3  }
0x55: {  	_ =	swait.ge @p1 [sflag:s5], $0x1000  }
0x56: {  	[sflag:s5] =	ssyncset.done @p1 $0x0  }
0x57: {  	s0 =	sadd.s32 @p1 s2, s0;
	s24 =	simm.s32 @p1 $0xE580;
	[sflag:s5] =	ssyncadd.s32 @p1 $0xFFFFF000  }
0x58: {  	[tilespmem:s24], [sflag:$0x3] =	stream.strided.gather @p1 [hbm4b:s0+s22], $0x1000, s23, s22, $0x38;
	[tilespmem:$0x17580] =	vst v63  }
0x59: {  	s24 =	sshll.u32 s21, $0x2;
	_ =	swait.ge @p1 [sflag:s5], $0x1000  }
0x5a: {  	p2 =	seq.s32 @p1 s19, $0x0;
	s0 =	sand.u32 $0x38, s24;
	[sflag:s5] =	ssyncset.done @p1 $0x0  }
0x5b: {  	p2 =	por !p1, !p2;
	v2 =	vmov s0;
	[sflag:s5] =	ssyncadd.s32 @p1 $0xFFFFF000  }
0x5c: {  	s25 =	sor.u32 $0x1, s0;
	_ =	swait.ge @p2 [sflag:s16], $0x4000  }
0x5d: {  	s26 =	sor.u32 $0x2, s0;
	v3 =	vmov s25;
	[sflag:s16] =	ssyncset.done @p2 $0x0  }
0x5e: {  	s31 =	simm.s32 $0xD5C0;
	s22 =	sor.u32 $0x3, s0;
	v4 =	vmov s26;
	v0 =	vld [tilespmem:$0x1FFF0];
	[sflag:s16] =	ssyncadd.s32 @p2 $0xFFFFC000  }
0x5f: {  	s23 =	sor.u32 $0x4, s0;
	v5 =	vmov s22;
	v6 =	vld [tilespmem:s31+$0x0]  }
0x60: {  	s30 =	simm.s32 $0xE5C0;
	s24 =	sor.u32 $0x5, s0;
	v11 =	vmov s23;
	v2 =	vld.idx.msk [tilespmem:v2+s11+$0x0], $0xffff  }
0x61: {  	v12 =	vmov s24;
	s25 =	sor.u32 $0x6, s0;
	v15 =	vld [tilespmem:s30+$0x0]  }
0x62: {  	s26 =	sor.u32 $0x7, s0;
	v9 =	vld.idx.msk [tilespmem:v3+s11+$0x0], $0xffff;
	v3 =	vmov s25  }
0x63: {  	v13 =	vmov s26;
	v8 =	vld.idx.msk [tilespmem:v4+s11+$0x0], $0xffff  }
0x64: {  	v7 =	vld.idx.msk [tilespmem:v5+s11+$0x0], $0xffff;
	v10 =	vadd.s32 s0, v0;
	v4 =	vshll.u32 v6, $0x6  }
0x65: {  	v6 =	vld.idx.msk [tilespmem:v11+s11+$0x0], $0xffff;
	v11 =	vadd.s32 v4, v10  }
0x66: {  	v5 =	vld.idx.msk [tilespmem:v12+s11+$0x0], $0xffff;
	v12 =	vadd.s32 $0x1, v11  }
0x67: {  	v4 =	vld.idx.msk [tilespmem:v3+s11+$0x0], $0xffff;
	v14 =	vadd.s32 $0x2, v11  }
0x68: {  	v3 =	vld.idx.msk [tilespmem:v13+s11+$0x0], $0xffff;
	v13 =	vadd.s32 $0x3, v11  }
0x69: {  	v16 =	vadd.s32 $0x4, v11  }
0x6a: {  	v18 =	vadd.s32 $0x5, v11;
	v17 =	vld.idx.msk [tilespmem:v11+s7+$0x0], $0xffff  }
0x6b: {  	v19 =	vadd.s32 $0x6, v11;
	v12 =	vld.idx.msk [tilespmem:v12+s7+$0x0], $0xffff  }
0x6c: {  	v11 =	vadd.s32 $0x7, v11;
	v14 =	vld.idx.msk [tilespmem:v14+s7+$0x0], $0xffff  }
0x6d: {  	v20 =	vmul.f32 v15, v2;
	v13 =	vld.idx.msk [tilespmem:v13+s7+$0x0], $0xffff  }
0x6e: {  	v21 =	vmul.f32 v15, v9;
	v16 =	vld.idx.msk [tilespmem:v16+s7+$0x0], $0xffff  }
0x6f: {  	v18 =	vld.idx.msk [tilespmem:v18+s7+$0x0], $0xffff;
	v17 =	vadd.f32 v20, v17;
	v20 =	vmul.f32 v15, v8  }
0x70: {  	s22 =	simm.s32 $0xF780;
	v19 =	vld.idx.msk [tilespmem:v19+s7+$0x0], $0xffff;
	v12 =	vadd.f32 v12, v21;
	v21 =	vmul.f32 v15, v7  }
0x71: {  	v11 =	vld.idx.msk [tilespmem:v11+s7+$0x0], $0xffff;
	[tilespmem:s22+$0xFFFFFE40] =	vst v17;
	v14 =	vadd.f32 v14, v20;
	v17 =	vmul.f32 v15, v6  }
0x72: {  	[tilespmem:s22+$0xFFFFFEC0] =	vst v12;
	v12 =	vadd.f32 v13, v21;
	v13 =	vmul.f32 v15, v5  }
0x73: {  	v16 =	vadd.f32 v16, v17;
	v17 =	vmul.f32 v15, v4;
	[tilespmem:s22+$0xFFFFFF40] =	vst v14  }
0x74: {  	v14 =	vmul.f32 v15, v3;
	v13 =	vadd.f32 v18, v13;
	[tilespmem:s22+$0xFFFFFFC0] =	vst v12  }
0x75: {  	v12 =	vadd.f32 v19, v17;
	[tilespmem:s22+$0x40] =	vst v16  }
0x76: {  	v11 =	vadd.f32 v11, v14;
	[tilespmem:s22+$0xC0] =	vst v13  }
0x77: {  	[tilespmem:s22+$0x140] =	vst v12  }
0x78: {  	[tilespmem:s22+$0x1C0] =	vst v11  }
0x79: {  	v11 =	vld [tilespmem:s31+$0x10];
	_ =	sdelay $0x4  }
0x7a: {  	v11 =	vshll.u32 v11, $0x6  }
0x7b: {  	v11 =	vadd.s32 v11, v10  }
0x7c: {  	v12 =	vld [tilespmem:s31+$0xFFFFFFC0];
	v13 =	vadd.s32 $0x1, v11  }
0x7d: {  	v14 =	vadd.s32 $0x2, v11  }
0x7e: {  	v17 =	vld [tilespmem:s30+$0x10];
	v16 =	vadd.s32 $0x3, v11  }
0x7f: {  	v15 =	vld [tilespmem:s30+$0xFFFFFFC0];
	v18 =	vadd.s32 $0x4, v11  }
0x80: {  	v20 =	vadd.s32 $0x5, v11;
	v19 =	vld.idx.msk [tilespmem:v11+s7+$0x0], $0xffff  }
0x81: {  	v12 =	vshll.u32 v12, $0x6;
	v21 =	vadd.s32 $0x6, v11;
	v13 =	vld.idx.msk [tilespmem:v13+s7+$0x0], $0xffff  }
0x82: {  	v12 =	vadd.s32 v12, v10;
	v11 =	vadd.s32 $0x7, v11;
	v14 =	vld.idx.msk [tilespmem:v14+s7+$0x0], $0xffff  }
0x83: {  	v24 =	vmul.f32 v17, v2;
	v22 =	vadd.s32 $0x1, v12;
	v16 =	vld.idx.msk [tilespmem:v16+s7+$0x0], $0xffff  }
0x84: {  	v26 =	vmul.f32 v17, v9;
	v23 =	vadd.s32 $0x2, v12;
	v18 =	vld.idx.msk [tilespmem:v18+s7+$0x0], $0xffff  }
0x85: {  	v25 =	vadd.s32 $0x3, v12;
	v20 =	vld.idx.msk [tilespmem:v20+s7+$0x0], $0xffff;
	v19 =	vadd.f32 v24, v19;
	v24 =	vmul.f32 v17, v8  }
0x86: {  	v27 =	vadd.s32 $0x4, v12;
	v21 =	vld.idx.msk [tilespmem:v21+s7+$0x0], $0xffff;
	v13 =	vadd.f32 v13, v26;
	v26 =	vmul.f32 v17, v7  }
0x87: {  	v28 =	vadd.s32 $0x5, v12;
	v11 =	vld.idx.msk [tilespmem:v11+s7+$0x0], $0xffff;
	v14 =	vadd.f32 v14, v24;
	v24 =	vmul.f32 v17, v6;
	[tilespmem:s22+$0xFFFFFE50] =	vst v19  }
0x88: {  	v29 =	vadd.s32 $0x6, v12;
	v22 =	vld.idx.msk [tilespmem:v22+s7+$0x0], $0xffff;
	v16 =	vadd.f32 v16, v26;
	v26 =	vmul.f32 v17, v5;
	[tilespmem:s22+$0xFFFFFED0] =	vst v13  }
0x89: {  	v23 =	vld.idx.msk [tilespmem:v23+s7+$0x0], $0xffff;
	v19 =	vadd.s32 $0x7, v12;
	v18 =	vadd.f32 v18, v24;
	v24 =	vmul.f32 v17, v4;
	[tilespmem:s22+$0xFFFFFF50] =	vst v14  }
0x8a: {  	v13 =	vld.idx.msk [tilespmem:v25+s7+$0x0], $0xffff;
	v17 =	vmul.f32 v17, v3;
	v20 =	vadd.f32 v20, v26;
	[tilespmem:s22+$0xFFFFFFD0] =	vst v16  }
0x8b: {  	v14 =	vld.idx.msk [tilespmem:v27+s7+$0x0], $0xffff;
	v21 =	vadd.f32 v21, v24;
	[tilespmem:s22+$0x50] =	vst v18  }
0x8c: {  	v16 =	vld.idx.msk [tilespmem:v28+s7+$0x0], $0xffff;
	v18 =	vmul.f32 v15, v9;
	v11 =	vadd.f32 v11, v17;
	[tilespmem:s22+$0xD0] =	vst v20  }
0x8d: {  	v24 =	vld.idx.msk [tilespmem:v29+s7+$0x0], $0xffff;
	v17 =	vmul.f32 v15, v8;
	[tilespmem:s22+$0x150] =	vst v21  }
0x8e: {  	v19 =	vld.idx.msk [tilespmem:v19+s7+$0x0], $0xffff;
	v20 =	vmul.f32 v15, v7;
	v18 =	vadd.f32 v22, v18;
	[tilespmem:s22+$0x1D0] =	vst v11  }
0x8f: {  	v11 =	vmul.f32 v15, v6;
	v17 =	vadd.f32 v23, v17;
	v21 =	vld [tilespmem:s31+$0x20]  }
0x90: {  	v12 =	vld.idx.msk [tilespmem:v12+s7+$0x0], $0xffff;
	v22 =	vmul.f32 v15, v5;
	v13 =	vadd.f32 v13, v20;
	[tilespmem:s22+$0xFFFFFE80] =	vst v18  }
0x91: {  	v18 =	vmul.f32 v15, v4;
	v11 =	vadd.f32 v14, v11;
	[tilespmem:s22+$0xFFFFFF00] =	vst v17  }
0x92: {  	v14 =	vmul.f32 v15, v3;
	v16 =	vadd.f32 v16, v22;
	[tilespmem:s22+$0xFFFFFF80] =	vst v13  }
0x93: {  	v13 =	vmul.f32 v15, v2;
	[tilespmem:s22+$0x0] =	vst v11;
	v11 =	vadd.f32 v24, v18  }
0x94: {  	[tilespmem:s22+$0x80] =	vst v16;
	v14 =	vadd.f32 v19, v14;
	v15 =	vshll.u32 v21, $0x6  }
0x95: {  	v12 =	vadd.f32 v13, v12;
	[tilespmem:s22+$0x100] =	vst v11;
	v11 =	vadd.s32 v15, v10  }
0x96: {  	[tilespmem:s22+$0x180] =	vst v14;
	v13 =	vadd.s32 $0x1, v11  }
0x97: {  	v16 =	vld [tilespmem:s30+$0x20];
	[tilespmem:s22+$0xFFFFFE00] =	vst v12;
	v12 =	vadd.s32 $0x2, v11  }
0x98: {  	v14 =	vld [tilespmem:s31+$0xFFFFFFD0];
	v15 =	vadd.s32 $0x3, v11  }
0x99: {  	v17 =	vadd.s32 $0x4, v11  }
0x9a: {  	v19 =	vadd.s32 $0x5, v11;
	v18 =	vld.idx.msk [tilespmem:v11+s7+$0x0], $0xffff  }
0x9b: {  	v13 =	vld.idx.msk [tilespmem:v13+s7+$0x0], $0xffff  }
0x9c: {  	v20 =	vadd.s32 $0x6, v11;
	v11 =	vadd.s32 $0x7, v11;
	v12 =	vld.idx.msk [tilespmem:v12+s7+$0x0], $0xffff  }
0x9d: {  	v21 =	vmul.f32 v16, v2;
	v15 =	vld.idx.msk [tilespmem:v15+s7+$0x0], $0xffff;
	v14 =	vshll.u32 v14, $0x6  }
0x9e: {  	v22 =	vmul.f32 v16, v9;
	v17 =	vld.idx.msk [tilespmem:v17+s7+$0x0], $0xffff;
	v14 =	vadd.s32 v14, v10  }
0x9f: {  	s25 =	simm.s32 $0xD640;
	v19 =	vld.idx.msk [tilespmem:v19+s7+$0x0], $0xffff;
	v23 =	vadd.s32 $0x1, v14;
	v18 =	vadd.f32 v21, v18;
	v21 =	vmul.f32 v16, v8  }
0xa0: {  	v25 =	vld [tilespmem:s25+$0x0];
	v13 =	vadd.f32 v13, v22;
	v22 =	vmul.f32 v16, v7  }
0xa1: {  	v24 =	vadd.s32 $0x2, v14;
	v11 =	vld.idx.msk [tilespmem:v11+s7+$0x0], $0xffff;
	v12 =	vadd.f32 v12, v21;
	v21 =	vmul.f32 v16, v6  }
0xa2: {  	v20 =	vld.idx.msk [tilespmem:v20+s7+$0x0], $0xffff;
	v26 =	vadd.s32 $0x3, v14;
	v15 =	vadd.f32 v15, v22;
	v22 =	vmul.f32 v16, v5;
	[tilespmem:s22+$0xFFFFFEE0] =	vst v13  }
0xa3: {  	v27 =	vadd.s32 $0x4, v14;
	v28 =	vld.idx.msk [tilespmem:v14+s7+$0x0], $0xffff;
	v13 =	vadd.f32 v17, v21;
	v17 =	vmul.f32 v16, v4;
	[tilespmem:s22+$0xFFFFFF60] =	vst v12  }
0xa4: {  	s24 =	simm.s32 $0xE640;
	v21 =	vld.idx.msk [tilespmem:v23+s7+$0x0], $0xffff;
	v16 =	vmul.f32 v16, v3;
	v12 =	vadd.f32 v19, v22;
	[tilespmem:s22+$0xFFFFFFE0] =	vst v15  }
0xa5: {  	v23 =	vld [tilespmem:s24+$0x0];
	[tilespmem:s22+$0x60] =	vst v13;
	v13 =	vshll.u32 v25, $0x6  }
0xa6: {  	v15 =	vld.idx.msk [tilespmem:v24+s7+$0x0], $0xffff;
	v11 =	vadd.f32 v11, v16;
	[tilespmem:s22+$0xE0] =	vst v12;
	v12 =	vadd.s32 v13, v10  }
0xa7: {  	[tilespmem:s22+$0xFFFFFE60] =	vst v18;
	v19 =	vld.idx.msk [tilespmem:v26+s7+$0x0], $0xffff;
	v17 =	vadd.f32 v20, v17;
	v13 =	vadd.s32 $0x1, v12  }
0xa8: {  	v16 =	vld.idx.msk [tilespmem:v27+s7+$0x0], $0xffff;
	[tilespmem:s22+$0x1E0] =	vst v11;
	v11 =	vadd.s32 $0x2, v12  }
0xa9: {  	[tilespmem:s22+$0x160] =	vst v17;
	v17 =	vld [tilespmem:s25+$0xFFFFFFC0];
	v22 =	vadd.s32 $0x3, v12  }
0xaa: {  	v24 =	vadd.s32 $0x4, v12;
	v20 =	vld [tilespmem:s31+$0x30]  }
0xab: {  	v26 =	vadd.s32 $0x5, v12;
	v25 =	vld.idx.msk [tilespmem:v12+s7+$0x0], $0xffff  }
0xac: {  	v27 =	vadd.s32 $0x6, v12;
	v13 =	vld.idx.msk [tilespmem:v13+s7+$0x0], $0xffff  }
0xad: {  	v12 =	vadd.s32 $0x7, v12;
	v11 =	vld.idx.msk [tilespmem:v11+s7+$0x0], $0xffff  }
0xae: {  	v22 =	vld.idx.msk [tilespmem:v22+s7+$0x0], $0xffff  }
0xaf: {  	v31 =	vmul.f32 v23, v2;
	v24 =	vld.idx.msk [tilespmem:v24+s7+$0x0], $0xffff  }
0xb0: {  	v29 =	vadd.s32 $0x5, v14;
	v32 =	vmul.f32 v23, v9;
	v26 =	vld.idx.msk [tilespmem:v26+s7+$0x0], $0xffff  }
0xb1: {  	v30 =	vadd.s32 $0x6, v14;
	v27 =	vld.idx.msk [tilespmem:v27+s7+$0x0], $0xffff;
	v25 =	vadd.f32 v31, v25;
	v31 =	vmul.f32 v23, v8  }
0xb2: {  	s23 =	simm.s32 $0xFB80;
	v14 =	vadd.s32 $0x7, v14;
	v33 =	vld.idx.msk [tilespmem:v12+s7+$0x0], $0xffff;
	v12 =	vadd.f32 v13, v32;
	v13 =	vmul.f32 v23, v7  }
0xb3: {  	v51 =	vld [tilespmem:s24+$0xFFFFFFC0];
	v20 =	vshll.u32 v20, $0x6;
	[tilespmem:s23+$0xFFFFFE40] =	vst v25;
	v11 =	vadd.f32 v11, v31;
	v25 =	vmul.f32 v23, v6  }
0xb4: {  	s26 =	simm.s32 $0xD6C0;
	v18 =	vld [tilespmem:s30+$0xFFFFFFD0];
	v20 =	vadd.s32 v20, v10;
	[tilespmem:s23+$0xFFFFFEC0] =	vst v12;
	v12 =	vadd.f32 v22, v13;
	v13 =	vmul.f32 v23, v5  }
0xb5: {  	v48 =	vld [tilespmem:s26+$0x0];
	v50 =	vadd.s32 $0x7, v20;
	v22 =	vadd.f32 v24, v25;
	v24 =	vmul.f32 v23, v4;
	[tilespmem:s23+$0xFFFFFF40] =	vst v11  }
0xb6: {  	v29 =	vld.idx.msk [tilespmem:v29+s7+$0x0], $0xffff;
	v17 =	vshll.u32 v17, $0x6;
	v23 =	vmul.f32 v23, v3;
	v11 =	vadd.f32 v26, v13;
	[tilespmem:s23+$0xFFFFFFC0] =	vst v12  }
0xb7: {  	v30 =	vld.idx.msk [tilespmem:v30+s7+$0x0], $0xffff;
	v17 =	vadd.s32 v17, v10;
	v24 =	vadd.f32 v27, v24;
	[tilespmem:s23+$0x40] =	vst v22  }
0xb8: {  	v14 =	vld.idx.msk [tilespmem:v14+s7+$0x0], $0xffff;
	v25 =	vadd.s32 $0x1, v17;
	v23 =	vadd.f32 v33, v23;
	[tilespmem:s23+$0xC0] =	vst v11  }
0xb9: {  	v12 =	vld [tilespmem:s30+$0x30];
	v26 =	vadd.s32 $0x2, v17;
	v22 =	vmul.f32 v18, v9;
	[tilespmem:s23+$0x140] =	vst v24  }
0xba: {  	v34 =	vmul.f32 v18, v5;
	v13 =	vld.idx.msk [tilespmem:v50+s7+$0x0], $0xffff;
	v27 =	vmul.f32 v18, v8;
	[tilespmem:s23+$0x1C0] =	vst v23  }
0xbb: {  	v31 =	vadd.s32 $0x3, v17;
	v24 =	vmul.f32 v18, v7;
	v21 =	vadd.f32 v21, v22;
	v52 =	vld [tilespmem:s25+$0x10]  }
0xbc: {  	v11 =	vld.idx.msk [tilespmem:v20+s7+$0x0], $0xffff;
	v22 =	vadd.s32 $0x4, v17;
	v23 =	vmul.f32 v18, v6;
	v15 =	vadd.f32 v15, v27  }
0xbd: {  	v27 =	vadd.s32 $0x5, v17;
	v19 =	vadd.f32 v19, v24;
	[tilespmem:s22+$0xFFFFFE90] =	vst v21;
	v24 =	vld.idx.msk [tilespmem:v25+s7+$0x0], $0xffff;
	v25 =	vmul.f32 v18, v4  }
0xbe: {  	v21 =	vadd.s32 $0x6, v17;
	v16 =	vadd.f32 v16, v23;
	[tilespmem:s22+$0xFFFFFF10] =	vst v15;
	v23 =	vld.idx.msk [tilespmem:v26+s7+$0x0], $0xffff;
	v26 =	vmul.f32 v18, v3  }
0xbf: {  	v15 =	vadd.s32 $0x7, v17;
	v18 =	vmul.f32 v18, v2;
	v17 =	vld.idx.msk [tilespmem:v17+s7+$0x0], $0xffff;
	[tilespmem:s22+$0xFFFFFF90] =	vst v19;
	v25 =	vadd.f32 v30, v25  }
0xc0: {  	v19 =	vld.idx.msk [tilespmem:v31+s7+$0x0], $0xffff;
	[tilespmem:s22+$0x10] =	vst v16;
	v14 =	vadd.f32 v14, v26;
	v26 =	vshll.u32 v52, $0x6  }
0xc1: {  	v18 =	vadd.f32 v18, v28;
	v16 =	vld.idx.msk [tilespmem:v22+s7+$0x0], $0xffff;
	[tilespmem:s22+$0x110] =	vst v25;
	v25 =	vadd.s32 v26, v10  }
0xc2: {  	v29 =	vadd.f32 v29, v34;
	v22 =	vld.idx.msk [tilespmem:v27+s7+$0x0], $0xffff;
	[tilespmem:s22+$0x190] =	vst v14;
	v14 =	vmul.f32 v51, v9;
	v26 =	vadd.s32 $0x1, v25  }
0xc3: {  	[tilespmem:s22+$0xFFFFFE10] =	vst v18;
	v18 =	vmul.f32 v51, v8;
	v21 =	vld.idx.msk [tilespmem:v21+s7+$0x0], $0xffff;
	v27 =	vadd.s32 $0x2, v25  }
0xc4: {  	[tilespmem:s22+$0x90] =	vst v29;
	v28 =	vmul.f32 v51, v7;
	v15 =	vld.idx.msk [tilespmem:v15+s7+$0x0], $0xffff;
	v14 =	vadd.f32 v24, v14;
	v29 =	vadd.s32 $0x3, v25  }
0xc5: {  	v30 =	vmul.f32 v51, v6;
	v18 =	vadd.f32 v23, v18;
	v23 =	vld [tilespmem:s24+$0x10];
	v31 =	vadd.s32 $0x4, v25  }
0xc6: {  	v53 =	vmul.f32 v51, v5;
	v19 =	vadd.f32 v19, v28;
	v28 =	vadd.s32 $0x5, v25;
	[tilespmem:s23+$0xFFFFFE80] =	vst v14;
	v14 =	vld.idx.msk [tilespmem:v25+s7+$0x0], $0xffff  }
0xc7: {  	v54 =	vmul.f32 v51, v4;
	v16 =	vadd.f32 v16, v30;
	[tilespmem:s23+$0xFFFFFF00] =	vst v18;
	v18 =	vld.idx.msk [tilespmem:v26+s7+$0x0], $0xffff;
	v26 =	vadd.s32 $0x6, v25  }
0xc8: {  	v30 =	vmul.f32 v51, v3;
	v22 =	vadd.f32 v22, v53;
	[tilespmem:s23+$0xFFFFFF80] =	vst v19;
	v19 =	vld.idx.msk [tilespmem:v27+s7+$0x0], $0xffff;
	v25 =	vadd.s32 $0x7, v25  }
0xc9: {  	v32 =	vmul.f32 v51, v2;
	[tilespmem:s23+$0x0] =	vst v16;
	v16 =	vadd.f32 v21, v54;
	v21 =	vld.idx.msk [tilespmem:v29+s7+$0x0], $0xffff  }
0xca: {  	[tilespmem:s23+$0x80] =	vst v22;
	v15 =	vadd.f32 v15, v30;
	v22 =	vld.idx.msk [tilespmem:v31+s7+$0x0], $0xffff;
	v30 =	vmul.f32 v23, v2  }
0xcb: {  	v17 =	vadd.f32 v32, v17;
	v27 =	vadd.s32 $0x1, v20;
	[tilespmem:s23+$0x100] =	vst v16;
	v16 =	vld.idx.msk [tilespmem:v28+s7+$0x0], $0xffff;
	v28 =	vmul.f32 v23, v9  }
0xcc: {  	v29 =	vadd.s32 $0x2, v20;
	[tilespmem:s23+$0x180] =	vst v15;
	v14 =	vadd.f32 v30, v14;
	v15 =	vld.idx.msk [tilespmem:v26+s7+$0x0], $0xffff;
	v26 =	vmul.f32 v23, v8  }
0xcd: {  	[tilespmem:s23+$0xFFFFFE00] =	vst v17;
	v31 =	vadd.s32 $0x3, v20;
	v17 =	vld.idx.msk [tilespmem:v25+s7+$0x0], $0xffff;
	v18 =	vadd.f32 v18, v28;
	v25 =	vmul.f32 v23, v7  }
0xce: {  	v55 =	vadd.s32 $0x4, v20;
	v24 =	vld [tilespmem:s31+$0xFFFFFFE0];
	[tilespmem:s23+$0xFFFFFE50] =	vst v14;
	v19 =	vadd.f32 v19, v26;
	v26 =	vmul.f32 v23, v6  }
0xcf: {  	v32 =	vld [tilespmem:s30+$0xFFFFFFE0];
	v30 =	vadd.s32 $0x5, v20;
	v14 =	vadd.f32 v21, v25;
	v21 =	vmul.f32 v23, v5;
	[tilespmem:s23+$0xFFFFFED0] =	vst v18  }
0xd0: {  	v20 =	vadd.s32 $0x6, v20;
	v27 =	vld.idx.msk [tilespmem:v27+s7+$0x0], $0xffff;
	v25 =	vmul.f32 v23, v4;
	v22 =	vadd.f32 v22, v26;
	[tilespmem:s23+$0xFFFFFF50] =	vst v19  }
0xd1: {  	v28 =	vld.idx.msk [tilespmem:v29+s7+$0x0], $0xffff;
	v16 =	vadd.f32 v16, v21;
	v21 =	vmul.f32 v23, v3;
	[tilespmem:s23+$0xFFFFFFD0] =	vst v14  }
0xd2: {  	v18 =	vld.idx.msk [tilespmem:v31+s7+$0x0], $0xffff;
	v14 =	vadd.f32 v15, v25;
	[tilespmem:s23+$0x50] =	vst v22  }
0xd3: {  	v26 =	vld.idx.msk [tilespmem:v55+s7+$0x0], $0xffff;
	v19 =	vshll.u32 v24, $0x6;
	v17 =	vadd.f32 v17, v21;
	[tilespmem:s23+$0xD0] =	vst v16  }
0xd4: {  	v29 =	vld.idx.msk [tilespmem:v30+s7+$0x0], $0xffff;
	v30 =	vadd.s32 v19, v10;
	[tilespmem:s23+$0x150] =	vst v14  }
0xd5: {  	v31 =	vld.idx.msk [tilespmem:v20+s7+$0x0], $0xffff;
	v15 =	vadd.s32 $0x1, v30;
	[tilespmem:s23+$0x1D0] =	vst v17  }
0xd6: {  	v14 =	vadd.s32 $0x3, v30;
	v20 =	vld [tilespmem:s25+$0x20]  }
0xd7: {  	v19 =	vld [tilespmem:s25+$0xFFFFFFD0];
	v16 =	vadd.s32 $0x2, v30  }
0xd8: {  	v56 =	vadd.s32 $0x6, v30;
	v41 =	vld [tilespmem:s24+$0x20]  }
0xd9: {  	v21 =	vadd.s32 $0x5, v30;
	v35 =	vadd.s32 $0x7, v30;
	v17 =	vadd.s32 $0x4, v30;
	v30 =	vld.idx.msk [tilespmem:v30+s7+$0x0], $0xffff  }
0xda: {  	v34 =	vld.idx.msk [tilespmem:v15+s7+$0x0], $0xffff  }
0xdb: {  	v23 =	vld.idx.msk [tilespmem:v14+s7+$0x0], $0xffff;
	v14 =	vshll.u32 v20, $0x6  }
0xdc: {  	v24 =	vld.idx.msk [tilespmem:v16+s7+$0x0], $0xffff;
	v15 =	vshll.u32 v19, $0x6;
	v16 =	vadd.s32 v14, v10  }
0xdd: {  	v58 =	vmul.f32 v12, v9;
	v36 =	vadd.s32 v15, v10;
	v15 =	vld.idx.msk [tilespmem:v56+s7+$0x0], $0xffff;
	v19 =	vadd.s32 $0x1, v16  }
0xde: {  	v40 =	vmul.f32 v12, v7;
	v43 =	vmul.f32 v12, v6;
	v22 =	vld.idx.msk [tilespmem:v17+s7+$0x0], $0xffff;
	v57 =	vadd.s32 $0x2, v16  }
0xdf: {  	v44 =	vmul.f32 v12, v5;
	v17 =	vmul.f32 v12, v3;
	v20 =	vld.idx.msk [tilespmem:v21+s7+$0x0], $0xffff;
	v39 =	vadd.s32 $0x3, v16  }
0xe0: {  	v18 =	vadd.f32 v18, v40;
	v47 =	vadd.s32 $0x5, v36;
	v14 =	vld.idx.msk [tilespmem:v35+s7+$0x0], $0xffff;
	v42 =	vadd.s32 $0x4, v16  }
0xe1: {  	v37 =	vadd.f32 v13, v17;
	v17 =	vmul.f32 v12, v8;
	v46 =	vadd.s32 $0x5, v16;
	v45 =	vld.idx.msk [tilespmem:v16+s7+$0x0], $0xffff  }
0xe2: {  	v21 =	vmul.f32 v12, v2;
	v13 =	vadd.f32 v27, v58;
	v59 =	vadd.s32 $0x6, v16;
	v27 =	vld.idx.msk [tilespmem:v19+s7+$0x0], $0xffff  }
0xe3: {  	v12 =	vmul.f32 v12, v4;
	v60 =	vadd.s32 $0x7, v16;
	v19 =	vadd.f32 v28, v17;
	v28 =	vld.idx.msk [tilespmem:v57+s7+$0x0], $0xffff  }
0xe4: {  	v11 =	vadd.f32 v21, v11;
	v21 =	vmul.f32 v32, v2;
	v16 =	vadd.f32 v29, v44;
	v29 =	vld.idx.msk [tilespmem:v39+s7+$0x0], $0xffff  }
0xe5: {  	v61 =	vmul.f32 v41, v2;
	v51 =	vmul.f32 v41, v9;
	v12 =	vadd.f32 v31, v12;
	v31 =	vld.idx.msk [tilespmem:v42+s7+$0x0], $0xffff  }
0xe6: {  	v53 =	vmul.f32 v41, v8;
	v55 =	vmul.f32 v41, v7;
	v21 =	vadd.f32 v21, v30;
	v63 =	vld.idx.msk [tilespmem:v46+s7+$0x0], $0xffff  }
0xe7: {  	v54 =	vadd.s32 $0x4, v36;
	v56 =	vmul.f32 v41, v6;
	[tilespmem:s22+$0x1F0] =	vst v37;
	v35 =	vld.idx.msk [tilespmem:v59+s7+$0x0], $0xffff;
	v39 =	vadd.f32 v61, v45  }
0xe8: {  	v62 =	vadd.s32 $0x2, v36;
	v58 =	vmul.f32 v41, v5;
	[tilespmem:s22+$0xFFFFFE20] =	vst v21;
	v33 =	vld.idx.msk [tilespmem:v60+s7+$0x0], $0xffff;
	v27 =	vadd.f32 v27, v51  }
0xe9: {  	v25 =	vld [tilespmem:s24+$0xFFFFFFD0];
	v17 =	vadd.f32 v26, v43;
	v26 =	vadd.s32 $0x1, v36;
	v28 =	vadd.f32 v28, v53;
	[tilespmem:s23+$0xFFFFFE60] =	vst v39  }
0xea: {  	v38 =	vld.idx.msk [tilespmem:v36+s7+$0x0], $0xffff;
	v57 =	vadd.s32 $0x6, v36;
	v59 =	vmul.f32 v41, v4;
	v29 =	vadd.f32 v29, v55;
	[tilespmem:s23+$0xFFFFFEE0] =	vst v27  }
0xeb: {  	v40 =	vld.idx.msk [tilespmem:v47+s7+$0x0], $0xffff;
	v41 =	vmul.f32 v41, v3;
	v60 =	vshll.u32 v48, $0x6;
	v31 =	vadd.f32 v31, v56;
	[tilespmem:s23+$0xFFFFFF60] =	vst v28  }
0xec: {  	v52 =	vadd.s32 $0x3, v36;
	v43 =	vld.idx.msk [tilespmem:v54+s7+$0x0], $0xffff;
	v44 =	vadd.s32 v60, v10;
	v42 =	vadd.f32 v63, v58;
	[tilespmem:s23+$0xFFFFFFE0] =	vst v29  }
0xed: {  	v49 =	vld [tilespmem:s26+$0xFFFFFFC0];
	v35 =	vadd.f32 v35, v59;
	v33 =	vadd.f32 v33, v41;
	v41 =	vmul.f32 v32, v7;
	[tilespmem:s23+$0x60] =	vst v31  }
0xee: {  	s28 =	simm.s32 $0xE6C0;
	v60 =	vmul.f32 v25, v4;
	v26 =	vld.idx.msk [tilespmem:v26+s7+$0x0], $0xffff;
	v29 =	vmul.f32 v32, v9;
	[tilespmem:s23+$0xE0] =	vst v42  }
0xef: {  	v61 =	vadd.s32 $0x1, v44;
	v56 =	vld [tilespmem:s28+$0x0];
	v31 =	vmul.f32 v32, v8;
	[tilespmem:s23+$0x160] =	vst v35;
	v23 =	vadd.f32 v23, v41  }
0xf0: {  	v58 =	vadd.s32 $0x5, v44;
	v39 =	vld.idx.msk [tilespmem:v57+s7+$0x0], $0xffff;
	v42 =	vmul.f32 v32, v6;
	[tilespmem:s23+$0x1E0] =	vst v33;
	v29 =	vadd.f32 v34, v29  }
0xf1: {  	v27 =	vadd.s32 $0x7, v36;
	v36 =	vld.idx.msk [tilespmem:v62+s7+$0x0], $0xffff;
	v35 =	vmul.f32 v32, v5;
	v24 =	vadd.f32 v24, v31;
	[tilespmem:s22+$0xFFFFFFA0] =	vst v23  }
0xf2: {  	v28 =	vld.idx.msk [tilespmem:v52+s7+$0x0], $0xffff;
	v33 =	vmul.f32 v32, v4;
	v22 =	vadd.f32 v22, v42;
	[tilespmem:s22+$0xFFFFFEA0] =	vst v29  }
0xf3: {  	v50 =	vadd.s32 $0x2, v44;
	v32 =	vmul.f32 v32, v3;
	v62 =	vld [tilespmem:s25+$0x30];
	v20 =	vadd.f32 v20, v35;
	[tilespmem:s22+$0xFFFFFF20] =	vst v24  }
0xf4: {  	v63 =	vmul.f32 v25, v9;
	v34 =	vld.idx.msk [tilespmem:v44+s7+$0x0], $0xffff;
	v15 =	vadd.f32 v15, v33;
	[tilespmem:s22+$0x20] =	vst v22  }
0xf5: {  	v37 =	vld.idx.msk [tilespmem:v61+s7+$0x0], $0xffff;
	v14 =	vadd.f32 v14, v32;
	[tilespmem:s22+$0xA0] =	vst v20  }
0xf6: {  	v53 =	vadd.s32 $0x3, v44;
	v26 =	vadd.f32 v26, v63;
	v31 =	vadd.f32 v39, v60;
	v39 =	vld.idx.msk [tilespmem:v58+s7+$0x0], $0xffff;
	[tilespmem:s22+$0x120] =	vst v15  }
0xf7: {  	v47 =	vmul.f32 v25, v2;
	v51 =	vmul.f32 v25, v8;
	v57 =	vadd.s32 $0x4, v44;
	[tilespmem:s22+$0x1A0] =	vst v14;
	v27 =	vld.idx.msk [tilespmem:v27+s7+$0x0], $0xffff  }
0xf8: {  	v59 =	vadd.s32 $0x6, v44;
	v52 =	vmul.f32 v25, v7;
	v44 =	vadd.s32 $0x7, v44;
	[tilespmem:s23+$0xFFFFFE90] =	vst v26;
	v26 =	vld.idx.msk [tilespmem:v50+s7+$0x0], $0xffff  }
0xf9: {  	v54 =	vmul.f32 v25, v6;
	v38 =	vadd.f32 v47, v38;
	v36 =	vadd.f32 v36, v51;
	v48 =	vld [tilespmem:s30+$0xFFFFFFF0]  }
0xfa: {  	v28 =	vadd.f32 v28, v52;
	v50 =	vshll.u32 v49, $0x6;
	v46 =	vshll.u32 v62, $0x6;
	[tilespmem:s23+$0x110] =	vst v31;
	v31 =	vld [tilespmem:s24+$0x30]  }
0xfb: {  	v42 =	vadd.s32 v50, v10;
	v46 =	vadd.s32 v46, v10;
	[tilespmem:s23+$0xFFFFFF10] =	vst v36;
	v36 =	vld.idx.msk [tilespmem:v53+s7+$0x0], $0xffff  }
0xfc: {  	v55 =	vmul.f32 v25, v5;
	v52 =	vmul.f32 v56, v2;
	[tilespmem:s23+$0xFFFFFF90] =	vst v28;
	v28 =	vld.idx.msk [tilespmem:v57+s7+$0x0], $0xffff;
	v51 =	vadd.s32 $0x3, v42  }
0xfd: {  	v43 =	vadd.f32 v43, v54;
	v25 =	vmul.f32 v25, v3;
	[tilespmem:s23+$0xFFFFFE10] =	vst v38;
	v38 =	vld.idx.msk [tilespmem:v44+s7+$0x0], $0xffff;
	v61 =	vadd.s32 $0x7, v46  }
0xfe: {  	v54 =	vmul.f32 v56, v9;
	v34 =	vadd.f32 v52, v34;
	v52 =	vld [tilespmem:s28+$0xFFFFFFC0];
	v62 =	vadd.s32 $0x1, v46  }
0xff: {  	v63 =	vadd.s32 $0x2, v46;
	v25 =	vadd.f32 v27, v25;
	v27 =	vld.idx.msk [tilespmem:v59+s7+$0x0], $0xffff  }
0x100: {  	s29 =	simm.s32 $0xFF80;
	[tilespmem:s23+$0x10] =	vst v43;
	v57 =	vmul.f32 v56, v8;
	v37 =	vadd.f32 v37, v54;
	v53 =	vadd.s32 $0x4, v46;
	v29 =	vld.idx.msk [tilespmem:v46+s7+$0x0], $0xffff  }
0x101: {  	v40 =	vadd.f32 v40, v55;
	v55 =	vadd.s32 $0x5, v46;
	v59 =	vmul.f32 v56, v7;
	[tilespmem:s29+$0xFFFFFE40] =	vst v34;
	v35 =	vld.idx.msk [tilespmem:v51+s7+$0x0], $0xffff  }
0x102: {  	v60 =	vmul.f32 v56, v6;
	v58 =	vadd.s32 $0x6, v46;
	v26 =	vadd.f32 v26, v57;
	[tilespmem:s29+$0xFFFFFEC0] =	vst v37;
	v43 =	vld.idx.msk [tilespmem:v61+s7+$0x0], $0xffff  }
0x103: {  	v50 =	vmul.f32 v56, v3;
	[tilespmem:s23+$0x190] =	vst v25;
	v25 =	vadd.s32 $0x3, v46;
	v36 =	vadd.f32 v36, v59;
	v24 =	vld.idx.msk [tilespmem:v62+s7+$0x0], $0xffff  }
0x104: {  	v28 =	vadd.f32 v28, v60;
	[tilespmem:s29+$0xFFFFFF40] =	vst v26;
	v41 =	vld.idx.msk [tilespmem:v63+s7+$0x0], $0xffff;
	v61 =	vadd.s32 $0x1, v42;
	v62 =	vmul.f32 v56, v5  }
0x105: {  	v49 =	vmul.f32 v56, v4;
	v54 =	vadd.f32 v38, v50;
	v44 =	vld.idx.msk [tilespmem:v53+s7+$0x0], $0xffff;
	[tilespmem:s29+$0xFFFFFFC0] =	vst v36  }
0x106: {  	v63 =	vadd.s32 $0x2, v42;
	v47 =	vld.idx.msk [tilespmem:v55+s7+$0x0], $0xffff;
	[tilespmem:s29+$0x40] =	vst v28;
	v26 =	vadd.f32 v39, v62  }
0x107: {  	v55 =	vadd.s32 $0x6, v42;
	[tilespmem:s29+$0x1C0] =	vst v54;
	v39 =	vld.idx.msk [tilespmem:v58+s7+$0x0], $0xffff;
	v27 =	vadd.f32 v27, v49  }
0x108: {  	v25 =	vld.idx.msk [tilespmem:v25+s7+$0x0], $0xffff;
	[tilespmem:s29+$0xC0] =	vst v26;
	v26 =	vadd.s32 $0x5, v42  }
0x109: {  	v37 =	vmul.f32 v31, v2;
	v57 =	vmul.f32 v31, v3;
	[tilespmem:s29+$0x140] =	vst v27;
	v56 =	vld.idx.msk [tilespmem:v61+s7+$0x0], $0xffff  }
0x10a: {  	v23 =	vmul.f32 v31, v9;
	v30 =	vmul.f32 v31, v8;
	v28 =	vadd.s32 $0x4, v42;
	v34 =	vld [tilespmem:s26+$0x10]  }
0x10b: {  	v22 =	vmul.f32 v31, v7;
	v45 =	vmul.f32 v31, v6;
	v58 =	vld.idx.msk [tilespmem:v63+s7+$0x0], $0xffff  }
0x10c: {  	v46 =	vmul.f32 v31, v5;
	v31 =	vmul.f32 v31, v4;
	v23 =	vadd.f32 v24, v23;
	v24 =	vld.idx.msk [tilespmem:v55+s7+$0x0], $0xffff  }
0x10d: {  	[tilespmem:s23+$0x90] =	vst v40;
	v14 =	vmul.f32 v52, v4;
	v27 =	vadd.s32 $0x7, v42;
	v59 =	vld.idx.msk [tilespmem:v26+s7+$0x0], $0xffff;
	v26 =	vmul.f32 v52, v9  }
0x10e: {  	v33 =	vmul.f32 v52, v3;
	v54 =	vmul.f32 v52, v7;
	v61 =	vld [tilespmem:s25+$0xFFFFFFE0]  }
0x10f: {  	v53 =	vmul.f32 v52, v8;
	v28 =	vld.idx.msk [tilespmem:v28+s7+$0x0], $0xffff;
	v15 =	vadd.f32 v56, v26;
	v26 =	vshll.u32 v34, $0x6  }
0x110: {  	[tilespmem:s22+$0xFFFFFFF0] =	vst v18;
	v21 =	vadd.f32 v35, v54;
	v32 =	vadd.f32 v25, v22;
	v22 =	vld [tilespmem:s31+$0xFFFFFFF0];
	v60 =	vadd.s32 v26, v10  }
0x111: {  	[tilespmem:s22+$0xFFFFFEF0] =	vst v13;
	v20 =	vadd.f32 v43, v57;
	v57 =	vadd.f32 v58, v53;
	v58 =	vld.idx.msk [tilespmem:v42+s7+$0x0], $0xffff;
	v62 =	vadd.s32 $0x1, v60  }
0x112: {  	[tilespmem:s22+$0xFFFFFE70] =	vst v11;
	v43 =	vmul.f32 v52, v2;
	v55 =	vmul.f32 v52, v6;
	v56 =	vld.idx.msk [tilespmem:v27+s7+$0x0], $0xffff;
	v63 =	vadd.s32 $0x2, v60  }
0x113: {  	v38 =	vadd.f32 v39, v31;
	[tilespmem:s29+$0xFFFFFF80] =	vst v21;
	v26 =	vadd.f32 v41, v30;
	v30 =	vld [tilespmem:s24+$0xFFFFFFE0];
	v25 =	vadd.s32 $0x3, v60  }
0x114: {  	v27 =	vmul.f32 v52, v5;
	v13 =	vadd.f32 v28, v55;
	v41 =	vld [tilespmem:s28+$0x10];
	[tilespmem:s29+$0xFFFFFF00] =	vst v57;
	v49 =	vadd.s32 $0x4, v60  }
0x115: {  	v21 =	vadd.f32 v24, v14;
	v14 =	vshll.u32 v61, $0x6;
	[tilespmem:s29+$0xFFFFFE80] =	vst v15;
	v52 =	vadd.s32 $0x5, v60;
	v31 =	vld.idx.msk [tilespmem:v60+s7+$0x0], $0xffff  }
0x116: {  	[tilespmem:s29+$0x0] =	vst v13;
	v28 =	vadd.f32 v59, v27;
	v27 =	vadd.f32 v37, v29;
	v29 =	vadd.s32 $0x6, v60;
	v24 =	vld.idx.msk [tilespmem:v62+s7+$0x0], $0xffff  }
0x117: {  	v36 =	vadd.f32 v47, v46;
	v15 =	vadd.s32 v14, v10;
	[tilespmem:s29+$0x100] =	vst v21;
	v59 =	vadd.s32 $0x7, v60;
	v53 =	vld.idx.msk [tilespmem:v63+s7+$0x0], $0xffff  }
0x118: {  	v34 =	vadd.f32 v44, v45;
	v21 =	vadd.s32 $0x3, v15;
	v13 =	vadd.f32 v56, v33;
	[tilespmem:s29+$0x80] =	vst v28;
	v25 =	vld.idx.msk [tilespmem:v25+s7+$0x0], $0xffff  }
0x119: {  	v55 =	vadd.s32 $0x5, v15;
	[tilespmem:s23+$0xFFFFFE70] =	vst v27;
	v27 =	vmul.f32 v48, v4;
	v61 =	vld.idx.msk [tilespmem:v49+s7+$0x0], $0xffff;
	v62 =	vmul.f32 v41, v2  }
0x11a: {  	v60 =	vadd.f32 v43, v58;
	v14 =	vmul.f32 v30, v2;
	v54 =	vmul.f32 v41, v9;
	v39 =	vld.idx.msk [tilespmem:v52+s7+$0x0], $0xffff  }
0x11b: {  	v28 =	vadd.s32 $0x1, v15;
	v57 =	vmul.f32 v41, v7;
	[tilespmem:s29+$0x180] =	vst v13;
	v13 =	vld.idx.msk [tilespmem:v29+s7+$0x0], $0xffff;
	v29 =	vadd.f32 v62, v31  }
0x11c: {  	v56 =	vadd.s32 $0x6, v15;
	[tilespmem:s29+$0xFFFFFE00] =	vst v60;
	v35 =	vld.idx.msk [tilespmem:v59+s7+$0x0], $0xffff;
	v59 =	vmul.f32 v41, v6;
	v24 =	vadd.f32 v24, v54  }
0x11d: {  	v45 =	vmul.f32 v30, v9;
	v58 =	vld [tilespmem:s26+$0xFFFFFFD0];
	v31 =	vmul.f32 v41, v8;
	v25 =	vadd.f32 v25, v57;
	[tilespmem:s29+$0xFFFFFE50] =	vst v29  }
0x11e: {  	v43 =	vmul.f32 v30, v7;
	v33 =	vadd.f32 v61, v59;
	v29 =	vmul.f32 v41, v5;
	[tilespmem:s29+$0xFFFFFED0] =	vst v24  }
0x11f: {  	v40 =	vadd.s32 $0x2, v15;
	v60 =	vmul.f32 v41, v4;
	v46 =	vld.idx.msk [tilespmem:v55+s7+$0x0], $0xffff;
	v31 =	vadd.f32 v53, v31;
	[tilespmem:s29+$0xFFFFFFD0] =	vst v25  }
0x120: {  	v22 =	vshll.u32 v22, $0x6;
	v51 =	vld.idx.msk [tilespmem:v28+s7+$0x0], $0xffff;
	[tilespmem:s29+$0x50] =	vst v33;
	v28 =	vadd.f32 v39, v29;
	v29 =	vmul.f32 v41, v3  }
0x121: {  	v63 =	vadd.s32 $0x4, v15;
	v61 =	vadd.s32 $0x7, v15;
	v53 =	vld.idx.msk [tilespmem:v56+s7+$0x0], $0xffff;
	[tilespmem:s29+$0xFFFFFF50] =	vst v31;
	v31 =	vadd.f32 v13, v60  }
0x122: {  	v33 =	vld.idx.msk [tilespmem:v21+s7+$0x0], $0xffff;
	v21 =	vshll.u32 v58, $0x6;
	v13 =	vadd.s32 v22, v10;
	v22 =	vadd.f32 v35, v29;
	[tilespmem:s29+$0xD0] =	vst v28  }
0x123: {  	v47 =	vmul.f32 v30, v3;
	v49 =	vmul.f32 v30, v8;
	v24 =	vld [tilespmem:s28+$0xFFFFFFD0];
	v42 =	vadd.s32 v21, v10;
	[tilespmem:s29+$0x150] =	vst v31  }
0x124: {  	v25 =	vld.idx.msk [tilespmem:v40+s7+$0x0], $0xffff;
	v39 =	vmul.f32 v30, v6;
	v41 =	vmul.f32 v30, v4;
	v62 =	vadd.s32 $0x1, v42;
	[tilespmem:s29+$0x1D0] =	vst v22  }
0x125: {  	[tilespmem:s22+$0xFFFFFF70] =	vst v19;
	v19 =	vadd.s32 $0x2, v42;
	v52 =	vadd.s32 $0x3, v42;
	v21 =	vadd.s32 $0x5, v13;
	v22 =	vld [tilespmem:s26+$0x20]  }
0x126: {  	[tilespmem:s22+$0x70] =	vst v17;
	v40 =	vld.idx.msk [tilespmem:v63+s7+$0x0], $0xffff;
	v18 =	vadd.s32 $0x6, v13;
	v17 =	vadd.s32 $0x4, v42;
	v55 =	vadd.s32 $0x5, v42  }
0x127: {  	[tilespmem:s22+$0x170] =	vst v12;
	v12 =	vadd.s32 $0x6, v42;
	v35 =	vmul.f32 v30, v5;
	v28 =	vadd.s32 $0x1, v13;
	v50 =	vld.idx.msk [tilespmem:v61+s7+$0x0], $0xffff  }
0x128: {  	[tilespmem:s22+$0xF0] =	vst v16;
	v29 =	vadd.s32 $0x2, v13;
	v31 =	vadd.s32 $0x3, v13;
	v30 =	vadd.s32 $0x4, v13;
	v56 =	vld.idx.msk [tilespmem:v42+s7+$0x0], $0xffff  }
0x129: {  	[tilespmem:s23+$0xFFFFFFF0] =	vst v32;
	v32 =	vadd.f32 v53, v41;
	v16 =	vmul.f32 v24, v2;
	v54 =	vmul.f32 v24, v9;
	v44 =	vld [tilespmem:s28+$0x20]  }
0x12a: {  	[tilespmem:s23+$0x1F0] =	vst v20;
	v57 =	vmul.f32 v24, v8;
	v58 =	vmul.f32 v24, v7;
	v59 =	vld.idx.msk [tilespmem:v62+s7+$0x0], $0xffff;
	v11 =	vshll.u32 v22, $0x6  }
0x12b: {  	v60 =	vmul.f32 v24, v6;
	v22 =	vadd.f32 v51, v45;
	v51 =	vld.idx.msk [tilespmem:v52+s7+$0x0], $0xffff;
	v52 =	vadd.s32 v11, v10  }
0x12c: {  	[tilespmem:s23+$0xFFFFFEF0] =	vst v23;
	v61 =	vmul.f32 v24, v5;
	v37 =	vmul.f32 v24, v3;
	v62 =	vld.idx.msk [tilespmem:v19+s7+$0x0], $0xffff;
	v19 =	vadd.s32 $0x1, v52  }
0x12d: {  	[tilespmem:s23+$0xFFFFFF70] =	vst v26;
	v20 =	vadd.f32 v40, v39;
	v26 =	vadd.f32 v46, v35;
	v39 =	vld.idx.msk [tilespmem:v55+s7+$0x0], $0xffff;
	v23 =	vadd.s32 $0x2, v52  }
0x12e: {  	[tilespmem:s23+$0x70] =	vst v34;
	v35 =	vmul.f32 v48, v9;
	v40 =	vld.idx.msk [tilespmem:v12+s7+$0x0], $0xffff;
	v34 =	vadd.f32 v50, v47;
	v12 =	vadd.s32 $0x3, v52  }
0x12f: {  	v45 =	vmul.f32 v24, v4;
	v24 =	vadd.f32 v25, v49;
	v49 =	vld.idx.msk [tilespmem:v17+s7+$0x0], $0xffff;
	v53 =	vadd.s32 $0x4, v52  }
0x130: {  	v25 =	vadd.f32 v33, v43;
	v33 =	vmul.f32 v48, v8;
	v55 =	vadd.s32 $0x5, v52;
	v50 =	vld.idx.msk [tilespmem:v52+s7+$0x0], $0xffff  }
0x131: {  	[tilespmem:s23+$0xF0] =	vst v36;
	v17 =	vmul.f32 v48, v7;
	v36 =	vadd.f32 v16, v56;
	v63 =	vadd.s32 $0x6, v52;
	v16 =	vld.idx.msk [tilespmem:v19+s7+$0x0], $0xffff  }
0x132: {  	v11 =	vmul.f32 v48, v2;
	v41 =	vadd.f32 v59, v54;
	v59 =	vadd.s32 $0x7, v42;
	v54 =	vld.idx.msk [tilespmem:v23+s7+$0x0], $0xffff  }
0x133: {  	[tilespmem:s23+$0x170] =	vst v38;
	v43 =	vadd.f32 v62, v57;
	v42 =	vadd.f32 v51, v58;
	v52 =	vadd.s32 $0x7, v52;
	v46 =	vld.idx.msk [tilespmem:v12+s7+$0x0], $0xffff  }
0x134: {  	v58 =	vmul.f32 v44, v2;
	v38 =	vadd.f32 v49, v60;
	v60 =	vmul.f32 v44, v9;
	v47 =	vld.idx.msk [tilespmem:v53+s7+$0x0], $0xffff  }
0x135: {  	v39 =	vadd.f32 v39, v61;
	v19 =	vmul.f32 v48, v6;
	v23 =	vmul.f32 v48, v5;
	v49 =	vld.idx.msk [tilespmem:v55+s7+$0x0], $0xffff  }
0x136: {  	v12 =	vmul.f32 v48, v3;
	v48 =	vld.idx.msk [tilespmem:v63+s7+$0x0], $0xffff;
	v63 =	vmul.f32 v44, v8;
	v62 =	vadd.f32 v58, v50  }
0x137: {  	s5 =	simm.s32 $0xD740;
	v40 =	vadd.f32 v40, v45;
	v45 =	vld.idx.msk [tilespmem:v59+s7+$0x0], $0xffff;
	v53 =	vmul.f32 v44, v7;
	v51 =	vadd.f32 v16, v60  }
0x138: {  	s0 =	simm.s32 $0x4;
	s30 =	simm.s32 $0xFF80;
	s31 =	simm.s32 $0xE6C0;
	v50 =	vld.idx.msk [tilespmem:v52+s7+$0x0], $0xffff;
	v16 =	vadd.s32 $0x7, v13;
	v52 =	vadd.f32 v54, v63;
	v54 =	vmul.f32 v44, v6;
	[tilespmem:s29+$0xFFFFFE60] =	vst v62  }
.LBB2_5:
0x139: {  	v55 =	vld [tilespmem:s5+$0x0];
	v46 =	vadd.f32 v46, v53;
	v53 =	vmul.f32 v44, v5;
	[tilespmem:s29+$0xFFFFFEE0] =	vst v51  }
0x13a: {  	v51 =	vld [tilespmem:s5+$0xFFFFFFC0];
	v47 =	vadd.f32 v47, v54;
	v54 =	vmul.f32 v44, v4;
	[tilespmem:s29+$0xFFFFFF60] =	vst v52  }
0x13b: {  	v44 =	vmul.f32 v44, v3;
	v49 =	vadd.f32 v49, v53;
	[tilespmem:s29+$0xFFFFFFE0] =	vst v46;
	v46 =	vld.idx.msk [tilespmem:v15+s7+$0x0], $0xffff  }
0x13c: {  	v15 =	vadd.f32 v48, v54;
	[tilespmem:s29+$0x60] =	vst v47;
	v28 =	vld.idx.msk [tilespmem:v28+s7+$0x0], $0xffff  }
0x13d: {  	v44 =	vadd.f32 v50, v44;
	[tilespmem:s29+$0xE0] =	vst v49;
	v47 =	vld.idx.msk [tilespmem:v29+s7+$0x0], $0xffff  }
0x13e: {  	v37 =	vadd.f32 v45, v37;
	v29 =	vshll.u32 v55, $0x6;
	[tilespmem:s29+$0x160] =	vst v15;
	v31 =	vld.idx.msk [tilespmem:v31+s7+$0x0], $0xffff  }
0x13f: {  	v15 =	vshll.u32 v51, $0x6;
	v45 =	vadd.s32 v29, v10;
	[tilespmem:s29+$0x1E0] =	vst v44;
	v30 =	vld.idx.msk [tilespmem:v30+s7+$0x0], $0xffff  }
0x140: {  	v15 =	vadd.s32 v15, v10;
	v29 =	vadd.s32 $0x1, v45;
	[tilespmem:s29+$0xFFFFFE90] =	vst v41;
	v41 =	vld [tilespmem:s26+$0x30]  }
0x141: {  	v49 =	vadd.s32 $0x2, v45;
	v44 =	vadd.s32 $0x1, v15;
	v48 =	vadd.s32 $0x2, v15;
	[tilespmem:s29+$0xFFFFFF10] =	vst v43;
	v43 =	vld.idx.msk [tilespmem:v21+s7+$0x0], $0xffff  }
0x142: {  	s28 =	sadd.s32 $0x80, s28;
	v50 =	vadd.s32 $0x3, v15;
	v51 =	vadd.s32 $0x4, v15;
	v21 =	vadd.s32 $0x3, v45;
	[tilespmem:s29+$0xFFFFFF90] =	vst v42;
	v42 =	vld.idx.msk [tilespmem:v18+s7+$0x0], $0xffff  }
0x143: {  	v55 =	vadd.s32 $0x4, v45;
	v52 =	vadd.s32 $0x5, v15;
	v53 =	vadd.s32 $0x6, v15;
	v54 =	vld [tilespmem:s28+$0x0];
	[tilespmem:s29+$0x10] =	vst v38  }
0x144: {  	v57 =	vadd.s32 $0x5, v45;
	v14 =	vadd.f32 v14, v46;
	v38 =	vadd.s32 $0x7, v15;
	v56 =	vld.idx.msk [tilespmem:v45+s7+$0x0], $0xffff;
	[tilespmem:s29+$0x90] =	vst v39  }
0x145: {  	v46 =	vadd.s32 $0x6, v45;
	v39 =	vld.idx.msk [tilespmem:v29+s7+$0x0], $0xffff;
	[tilespmem:s29+$0x110] =	vst v40;
	v18 =	vshll.u32 v41, $0x6;
	v29 =	vadd.f32 v28, v35  }
0x146: {  	v28 =	vadd.f32 v47, v33;
	v35 =	vld.idx.msk [tilespmem:v49+s7+$0x0], $0xffff;
	[tilespmem:s29+$0x190] =	vst v37;
	v37 =	vadd.s32 v18, v10  }
0x147: {  	v18 =	vadd.f32 v30, v19;
	v33 =	vld.idx.msk [tilespmem:v21+s7+$0x0], $0xffff;
	[tilespmem:s29+$0xFFFFFE10] =	vst v36;
	v36 =	vadd.s32 $0x7, v37;
	v21 =	vadd.f32 v31, v17  }
0x148: {  	v19 =	vadd.f32 v43, v23;
	v31 =	vadd.s32 $0x7, v45;
	v17 =	vadd.f32 v42, v27;
	v30 =	vld.idx.msk [tilespmem:v55+s7+$0x0], $0xffff;
	[tilespmem:s23+$0xFFFFFEA0] =	vst v22  }
0x149: {  	v22 =	vld.idx.msk [tilespmem:v57+s7+$0x0], $0xffff;
	[tilespmem:s23+$0xFFFFFF20] =	vst v24  }
0x14a: {  	v24 =	vadd.s32 $0x1, v37;
	v23 =	vld.idx.msk [tilespmem:v46+s7+$0x0], $0xffff;
	[tilespmem:s23+$0xFFFFFFA0] =	vst v25  }
0x14b: {  	v27 =	vadd.s32 $0x2, v37;
	v25 =	vld [tilespmem:s31+$0x30];
	[tilespmem:s23+$0x20] =	vst v20  }
0x14c: {  	v20 =	vadd.s32 $0x3, v37;
	v36 =	vld.idx.msk [tilespmem:v36+s7+$0x0], $0xffff;
	[tilespmem:s23+$0xA0] =	vst v26  }
0x14d: {  	v26 =	vld.idx.msk [tilespmem:v31+s7+$0x0], $0xffff;
	v31 =	vadd.s32 $0x4, v37;
	[tilespmem:s23+$0x120] =	vst v32  }
0x14e: {  	v41 =	vadd.s32 $0x5, v37;
	v32 =	vmul.f32 v54, v2;
	v40 =	vld.idx.msk [tilespmem:v37+s7+$0x0], $0xffff;
	[tilespmem:s23+$0x1A0] =	vst v34  }
0x14f: {  	v34 =	vmul.f32 v54, v9;
	v37 =	vadd.s32 $0x6, v37;
	v24 =	vld.idx.msk [tilespmem:v24+s7+$0x0], $0xffff;
	[tilespmem:s23+$0xFFFFFE20] =	vst v14  }
0x150: {  	v14 =	vadd.f32 v32, v56;
	v27 =	vld.idx.msk [tilespmem:v27+s7+$0x0], $0xffff;
	v42 =	vmul.f32 v25, v2;
	v32 =	vmul.f32 v25, v3  }
0x151: {  	s29 =	sadd.s32 $0x400, s29;
	v34 =	vadd.f32 v39, v34;
	v39 =	vmul.f32 v54, v8;
	v43 =	vmul.f32 v25, v9;
	v20 =	vld.idx.msk [tilespmem:v20+s7+$0x0], $0xffff  }
0x152: {  	s0 =	sadd.s32 $0x2, s0;
	v45 =	vmul.f32 v54, v7;
	[tilespmem:s29+$0xFFFFFE40] =	vst v14;
	v14 =	vld.idx.msk [tilespmem:v31+s7+$0x0], $0xffff;
	v31 =	vadd.f32 v36, v32  }
0x153: {  	p1 =	slt.u32 s0, $0x1E;
	v32 =	vadd.f32 v35, v39;
	v35 =	vmul.f32 v54, v6;
	[tilespmem:s29+$0xFFFFFEC0] =	vst v34;
	v36 =	vld.idx.msk [tilespmem:v41+s7+$0x0], $0xffff  }
0x154: {  	v33 =	vadd.f32 v33, v45;
	v34 =	vmul.f32 v54, v5;
	v37 =	vld.idx.msk [tilespmem:v37+s7+$0x0], $0xffff;
	[tilespmem:s30+$0x1F0] =	vst v31  }
0x155: {  	v30 =	vadd.f32 v30, v35;
	v35 =	vmul.f32 v54, v4;
	v31 =	vld [tilespmem:s28+$0xFFFFFFC0];
	[tilespmem:s29+$0xFFFFFF40] =	vst v32;
	v32 =	vmul.f32 v25, v8  }
0x156: {  	v22 =	vadd.f32 v22, v34;
	v34 =	vmul.f32 v54, v3;
	v39 =	vld.idx.msk [tilespmem:v44+s7+$0x0], $0xffff;
	[tilespmem:s29+$0xFFFFFFC0] =	vst v33  }
0x157: {  	v23 =	vadd.f32 v23, v35;
	v33 =	vld.idx.msk [tilespmem:v48+s7+$0x0], $0xffff;
	[tilespmem:s29+$0x40] =	vst v30;
	v30 =	vmul.f32 v25, v7  }
0x158: {  	v26 =	vadd.f32 v26, v34;
	v35 =	vld.idx.msk [tilespmem:v50+s7+$0x0], $0xffff;
	[tilespmem:s29+$0xC0] =	vst v22;
	v22 =	vmul.f32 v25, v6  }
0x159: {  	v34 =	vld.idx.msk [tilespmem:v51+s7+$0x0], $0xffff;
	[tilespmem:s29+$0x140] =	vst v23;
	v23 =	vmul.f32 v25, v5;
	v25 =	vmul.f32 v25, v4  }
0x15a: {  	v41 =	vld.idx.msk [tilespmem:v52+s7+$0x0], $0xffff;
	v44 =	vmul.f32 v31, v2;
	v45 =	vmul.f32 v31, v9;
	[tilespmem:s29+$0x1C0] =	vst v26  }
0x15b: {  	v24 =	vadd.f32 v24, v43;
	v26 =	vmul.f32 v31, v8;
	v46 =	vmul.f32 v31, v7;
	v47 =	vld [tilespmem:s5+$0x10]  }
0x15c: {  	v48 =	vmul.f32 v31, v5;
	v43 =	vld.idx.msk [tilespmem:v53+s7+$0x0], $0xffff;
	v39 =	vadd.f32 v39, v45;
	v45 =	vmul.f32 v31, v6  }
0x15d: {  	v33 =	vadd.f32 v33, v26;
	v49 =	vld.idx.msk [tilespmem:v38+s7+$0x0], $0xffff;
	v38 =	vmul.f32 v31, v4;
	v31 =	vmul.f32 v31, v3  }
0x15e: {  	v26 =	vadd.f32 v27, v32;
	v35 =	vadd.f32 v35, v46;
	v15 =	vld.idx.msk [tilespmem:v15+s7+$0x0], $0xffff;
	[tilespmem:s29+$0xFFFFFE80] =	vst v39  }
0x15f: {  	v32 =	vadd.f32 v20, v30;
	v27 =	vadd.f32 v34, v45;
	[tilespmem:s29+$0xFFFFFF00] =	vst v33;
	v33 =	vld [tilespmem:s26+$0xFFFFFFE0]  }
0x160: {  	v34 =	vadd.f32 v14, v22;
	v20 =	vadd.f32 v41, v48;
	[tilespmem:s29+$0xFFFFFF80] =	vst v35;
	v30 =	vshll.u32 v47, $0x6;
	v35 =	vld [tilespmem:s31+$0xFFFFFFE0]  }
0x161: {  	v36 =	vadd.f32 v36, v23;
	v23 =	vadd.f32 v37, v25;
	[tilespmem:s29+$0x0] =	vst v27;
	v22 =	vadd.s32 v30, v10;
	v25 =	vld [tilespmem:s25+$0xFFFFFFF0];
	s25 =	smov.u32 s26;
	s26 =	smov.u32 s5  }
0x162: {  	v14 =	vadd.f32 v43, v38;
	v27 =	vadd.f32 v42, v40;
	[tilespmem:s29+$0x80] =	vst v20;
	v20 =	vadd.s32 $0x1, v22;
	v38 =	vld [tilespmem:s24+$0xFFFFFFF0];
	s24 =	smov.u32 s31;
	s31 =	smov.u32 s28  }
0x163: {  	v30 =	vadd.f32 v49, v31;
	v31 =	vadd.s32 $0x2, v22;
	[tilespmem:s30+$0xFFFFFEF0] =	vst v24;
	v39 =	vld.idx.msk [tilespmem:v16+s7+$0x0], $0xffff  }
0x164: {  	v16 =	vadd.f32 v44, v15;
	v24 =	vadd.s32 $0x3, v22;
	[tilespmem:s29+$0x100] =	vst v14;
	v14 =	vshll.u32 v33, $0x6;
	v40 =	vld.idx.msk [tilespmem:v13+s7+$0x0], $0xffff  }
0x165: {  	v13 =	vadd.s32 $0x4, v22;
	[tilespmem:s29+$0x180] =	vst v30;
	v30 =	vld [tilespmem:s28+$0x10];
	v15 =	vadd.s32 v14, v10;
	v14 =	vmul.f32 v35, v2  }
0x166: {  	v33 =	vadd.s32 $0x5, v22;
	[tilespmem:s29+$0xFFFFFE00] =	vst v16;
	v16 =	vld.idx.msk [tilespmem:v22+s7+$0x0], $0xffff;
	v37 =	vadd.s32 $0x1, v15;
	v41 =	vadd.s32 $0x2, v15  }
0x167: {  	v42 =	vadd.s32 $0x6, v22;
	v43 =	vadd.s32 $0x3, v15;
	v44 =	vadd.s32 $0x4, v15;
	v20 =	vld.idx.msk [tilespmem:v20+s7+$0x0], $0xffff;
	[tilespmem:s22+$0xFFFFFEB0] =	vst v29  }
0x168: {  	v22 =	vadd.s32 $0x7, v22;
	v45 =	vadd.s32 $0x5, v15;
	v46 =	vadd.s32 $0x6, v15;
	v29 =	vld.idx.msk [tilespmem:v31+s7+$0x0], $0xffff;
	[tilespmem:s22+$0xFFFFFF30] =	vst v28  }
0x169: {  	v48 =	vmul.f32 v35, v9;
	v49 =	vmul.f32 v35, v8;
	v47 =	vadd.s32 $0x7, v15;
	v24 =	vld.idx.msk [tilespmem:v24+s7+$0x0], $0xffff;
	[tilespmem:s22+$0xFFFFFFB0] =	vst v21  }
0x16a: {  	v50 =	vmul.f32 v35, v7;
	v21 =	vld.idx.msk [tilespmem:v13+s7+$0x0], $0xffff;
	v28 =	vmul.f32 v30, v2;
	v13 =	vshll.u32 v25, $0x6;
	[tilespmem:s22+$0x30] =	vst v18  }
0x16b: {  	v25 =	vmul.f32 v30, v9;
	v18 =	vld.idx.msk [tilespmem:v33+s7+$0x0], $0xffff;
	v33 =	vmul.f32 v35, v6;
	v13 =	vadd.s32 v13, v10  }
0x16c: {  	v51 =	vmul.f32 v35, v5;
	v42 =	vld.idx.msk [tilespmem:v42+s7+$0x0], $0xffff;
	v16 =	vadd.f32 v28, v16;
	v28 =	vmul.f32 v30, v8  }
0x16d: {  	v52 =	vmul.f32 v35, v4;
	v20 =	vadd.f32 v20, v25;
	v25 =	vmul.f32 v30, v7;
	v22 =	vld.idx.msk [tilespmem:v22+s7+$0x0], $0xffff  }
0x16e: {  	v54 =	vmul.f32 v35, v3;
	v31 =	vmul.f32 v30, v6;
	v53 =	vld [tilespmem:s5+$0xFFFFFFD0];
	v29 =	vadd.f32 v29, v28;
	[tilespmem:s29+$0xFFFFFE50] =	vst v16  }
0x16f: {  	v24 =	vadd.f32 v24, v25;
	v25 =	vmul.f32 v30, v5;
	v28 =	vadd.s32 $0x1, v13;
	v16 =	vld [tilespmem:s28+$0xFFFFFFD0];
	[tilespmem:s29+$0xFFFFFED0] =	vst v20  }
0x170: {  	v20 =	vadd.f32 v21, v31;
	v21 =	vmul.f32 v30, v4;
	[tilespmem:s29+$0xFFFFFF50] =	vst v29;
	v35 =	vld.idx.msk [tilespmem:v37+s7+$0x0], $0xffff;
	v29 =	vadd.s32 $0x2, v13  }
0x171: {  	v31 =	vadd.s32 $0x3, v13;
	v18 =	vadd.f32 v18, v25;
	v25 =	vmul.f32 v30, v3;
	[tilespmem:s29+$0xFFFFFFD0] =	vst v24;
	v24 =	vld.idx.msk [tilespmem:v41+s7+$0x0], $0xffff  }
0x172: {  	v30 =	vadd.s32 $0x4, v13;
	v37 =	vadd.f32 v42, v21;
	v21 =	vadd.s32 $0x5, v13;
	[tilespmem:s29+$0x50] =	vst v20;
	v20 =	vld.idx.msk [tilespmem:v43+s7+$0x0], $0xffff  }
0x173: {  	v22 =	vadd.f32 v22, v25;
	v41 =	vshll.u32 v53, $0x6;
	[tilespmem:s29+$0xD0] =	vst v18;
	v42 =	vld.idx.msk [tilespmem:v44+s7+$0x0], $0xffff;
	v18 =	vadd.s32 $0x6, v13  }
0x174: {  	v25 =	vadd.s32 v41, v10;
	v41 =	vmul.f32 v16, v2;
	v43 =	vmul.f32 v16, v9;
	[tilespmem:s29+$0x150] =	vst v37  }
0x175: {  	v44 =	vadd.s32 $0x1, v25;
	v53 =	vadd.s32 $0x2, v25;
	v55 =	vadd.s32 $0x3, v25;
	[tilespmem:s29+$0x1D0] =	vst v22;
	v45 =	vld.idx.msk [tilespmem:v45+s7+$0x0], $0xffff  }
0x176: {  	v56 =	vadd.s32 $0x4, v25;
	v57 =	vadd.s32 $0x5, v25;
	v58 =	vadd.s32 $0x6, v25;
	v59 =	vld [tilespmem:s5+$0x20];
	[tilespmem:s22+$0xB0] =	vst v19  }
0x177: {  	v61 =	vmul.f32 v16, v8;
	v62 =	vmul.f32 v16, v7;
	v60 =	vadd.s32 $0x7, v25;
	v19 =	vld.idx.msk [tilespmem:v46+s7+$0x0], $0xffff;
	[tilespmem:s22+$0x130] =	vst v17  }
0x178: {  	v63 =	vmul.f32 v16, v5;
	v22 =	vadd.f32 v35, v48;
	v46 =	vmul.f32 v16, v6;
	v47 =	vld.idx.msk [tilespmem:v47+s7+$0x0], $0xffff  }
0x179: {  	v1 =	vmul.f32 v16, v4;
	v37 =	vmul.f32 v16, v3;
	v24 =	vadd.f32 v24, v49;
	v48 =	vld.idx.msk [tilespmem:v25+s7+$0x0], $0xffff  }
0x17a: {  	v16 =	vadd.s32 $0x7, v13;
	v25 =	vadd.f32 v20, v50;
	v20 =	vadd.f32 v42, v33;
	v44 =	vld.idx.msk [tilespmem:v44+s7+$0x0], $0xffff;
	[tilespmem:s30+$0xFFFFFF70] =	vst v26  }
0x17b: {  	v26 =	vadd.f32 v45, v51;
	v45 =	vmul.f32 v38, v2;
	v42 =	vld.idx.msk [tilespmem:v53+s7+$0x0], $0xffff;
	v17 =	vshll.u32 v59, $0x6;
	[tilespmem:s30+$0xFFFFFFF0] =	vst v32  }
0x17c: {  	v35 =	vmul.f32 v38, v9;
	v33 =	vmul.f32 v38, v8;
	v49 =	vld.idx.msk [tilespmem:v55+s7+$0x0], $0xffff;
	v50 =	vadd.s32 v17, v10  }
0x17d: {  	v32 =	vadd.f32 v19, v52;
	v17 =	vmul.f32 v38, v7;
	v51 =	vld.idx.msk [tilespmem:v56+s7+$0x0], $0xffff;
	v53 =	vadd.s32 $0x1, v50;
	[tilespmem:s30+$0x70] =	vst v34  }
0x17e: {  	v19 =	vmul.f32 v38, v6;
	v55 =	vadd.s32 $0x2, v50;
	v34 =	vadd.f32 v47, v54;
	v52 =	vld.idx.msk [tilespmem:v57+s7+$0x0], $0xffff;
	[tilespmem:s30+$0xF0] =	vst v36  }
0x17f: {  	v36 =	vadd.f32 v41, v48;
	v48 =	vadd.s32 $0x3, v50;
	v47 =	vld.idx.msk [tilespmem:v58+s7+$0x0], $0xffff;
	[tilespmem:s30+$0x170] =	vst v23;
	v23 =	vmul.f32 v38, v5  }
0x180: {  	v54 =	vadd.s32 $0x4, v50;
	v41 =	vadd.f32 v44, v43;
	v44 =	vld [tilespmem:s28+$0x20];
	[tilespmem:s30+$0xFFFFFE70] =	vst v27;
	v27 =	vmul.f32 v38, v4  }
0x181: {  	v57 =	vadd.s32 $0x5, v50;
	v58 =	vmul.f32 v38, v3;
	v43 =	vadd.f32 v42, v61;
	v56 =	vld.idx.msk [tilespmem:v50+s7+$0x0], $0xffff  }
0x182: {  	v0 =	vadd.f32 v39, v12;
	v59 =	vadd.s32 $0x6, v50;
	v42 =	vadd.f32 v49, v62;
	v53 =	vld.idx.msk [tilespmem:v53+s7+$0x0], $0xffff  }
0x183: {  	v50 =	vadd.s32 $0x7, v50;
	v49 =	vadd.f32 v11, v40;
	v11 =	vmovc v45;
	v38 =	vadd.f32 v51, v46;
	v55 =	vld.idx.msk [tilespmem:v55+s7+$0x0], $0xffff  }
0x184: {  	v12 =	vmov v58;
	v39 =	vadd.f32 v52, v63;
	v46 =	vld.idx.msk [tilespmem:v48+s7+$0x0], $0xffff;
	[tilespmem:s22+$0x1B0] =	vst v0  }
.Ltmp1:
0x185: {  	v40 =	vadd.f32 v47, v1;
	v47 =	vld.idx.msk [tilespmem:v54+s7+$0x0], $0xffff;
	v1 =	vmul.f32 v44, v2;
	[tilespmem:s22+$0xFFFFFE30] =	vst v49;
	s22 =	smov.u32 s23;
	s23 =	smov.u32 s30;
	(pc) =	sbr.rel @p1 .LBB2_5-.Ltmp1, $4  }
0x186: {  	v45 =	vmul.f32 v44, v9;
	s30 =	smov.u32 s29;
	v49 =	vld.idx.msk [tilespmem:v57+s7+$0x0], $0xffff  }
0x187: {  	v52 =	vmul.f32 v44, v8;
	v48 =	vld.idx.msk [tilespmem:v59+s7+$0x0], $0xffff;
	v1 =	vadd.f32 v1, v56  }
0x188: {  	v51 =	vadd.f32 v53, v45;
	v53 =	vmul.f32 v44, v7;
	v50 =	vld.idx.msk [tilespmem:v50+s7+$0x0], $0xffff  }
0x189: {  	s5 =	sadd.s32 $0x80, s5;
	v54 =	vmul.f32 v44, v6;
	v52 =	vadd.f32 v55, v52;
	v45 =	vld.idx.msk [tilespmem:v60+s7+$0x0], $0xffff;
	[tilespmem:s29+$0xFFFFFE60] =	vst v1  }
0x18a: {  	[tilespmem:s29+$0xFFFFFEE0] =	vst v51  }
0x18b: {  	[tilespmem:s29+$0xFFFFFE90] =	vst v41  }
0x18c: {  	[tilespmem:s29+$0xFFFFFF10] =	vst v43  }
0x18d: {  	[tilespmem:s29+$0xFFFFFF90] =	vst v42  }
0x18e: {  	[tilespmem:s29+$0x10] =	vst v38  }
0x18f: {  	[tilespmem:s29+$0x90] =	vst v39  }
0x190: {  	v1 =	vadd.f32 v46, v53;
	v56 =	vmul.f32 v44, v5;
	[tilespmem:s29+$0x110] =	vst v40  }
0x191: {  	v57 =	vmul.f32 v44, v4;
	v47 =	vadd.f32 v47, v54;
	[tilespmem:s29+$0xFFFFFF60] =	vst v52  }
0x192: {  	v58 =	vmul.f32 v44, v3;
	v46 =	vadd.f32 v49, v56;
	[tilespmem:s29+$0xFFFFFFE0] =	vst v1  }
0x193: {  	v1 =	vadd.f32 v48, v57;
	[tilespmem:s29+$0x60] =	vst v47  }
0x194: {  	v15 =	vld.idx.msk [tilespmem:v15+s7+$0x0], $0xffff;
	v44 =	vadd.f32 v50, v58;
	[tilespmem:s29+$0xE0] =	vst v46  }
0x195: {  	v28 =	vld.idx.msk [tilespmem:v28+s7+$0x0], $0xffff;
	[tilespmem:s29+$0x160] =	vst v1  }
0x196: {  	v29 =	vld.idx.msk [tilespmem:v29+s7+$0x0], $0xffff;
	[tilespmem:s29+$0x1E0] =	vst v44  }
0x197: {  	[tilespmem:s29+$0xFFFFFE10] =	vst v36;
	v1 =	vld [tilespmem:s26+$0x30]  }
0x198: {  	v31 =	vld.idx.msk [tilespmem:v31+s7+$0x0], $0xffff;
	[tilespmem:s23+$0xFFFFFEA0] =	vst v22  }
0x199: {  	v30 =	vld.idx.msk [tilespmem:v30+s7+$0x0], $0xffff;
	[tilespmem:s23+$0xFFFFFF20] =	vst v24  }
0x19a: {  	v21 =	vld.idx.msk [tilespmem:v21+s7+$0x0], $0xffff;
	[tilespmem:s23+$0xFFFFFFA0] =	vst v25;
	v37 =	vadd.f32 v45, v37  }
0x19b: {  	v18 =	vld.idx.msk [tilespmem:v18+s7+$0x0], $0xffff;
	[tilespmem:s23+$0x20] =	vst v20  }
0x19c: {  	v16 =	vld.idx.msk [tilespmem:v16+s7+$0x0], $0xffff;
	[tilespmem:s29+$0x190] =	vst v37;
	v1 =	vshll.u32 v1, $0x6  }
0x19d: {  	[tilespmem:s23+$0xA0] =	vst v26;
	v42 =	vld [tilespmem:s26+$0xFFFFFFE0];
	v1 =	vadd.s32 v1, v10  }
0x19e: {  	[tilespmem:s23+$0x120] =	vst v32;
	v13 =	vld.idx.msk [tilespmem:v13+s7+$0x0], $0xffff;
	v14 =	vadd.f32 v14, v15;
	v59 =	vadd.s32 $0x7, v1  }
0x19f: {  	[tilespmem:s23+$0x1A0] =	vst v34;
	v37 =	vld [tilespmem:s31+$0x30];
	v60 =	vadd.s32 $0x1, v1  }
0x1a0: {  	[tilespmem:s23+$0xFFFFFE20] =	vst v14;
	v14 =	vld [tilespmem:s31+$0xFFFFFFE0];
	v61 =	vadd.s32 $0x2, v1  }
0x1a1: {  	v52 =	vld [tilespmem:s25+$0xFFFFFFF0];
	v62 =	vadd.s32 $0x3, v1  }
0x1a2: {  	v49 =	vshll.u32 v42, $0x6;
	v47 =	vadd.s32 $0x4, v1;
	v22 =	vld.idx.msk [tilespmem:v1+s7+$0x0], $0xffff  }
0x1a3: {  	v48 =	vadd.s32 $0x5, v1;
	v50 =	vadd.s32 v49, v10;
	v63 =	vld.idx.msk [tilespmem:v59+s7+$0x0], $0xffff  }
0x1a4: {  	v51 =	vadd.s32 $0x1, v50;
	v24 =	vld.idx.msk [tilespmem:v60+s7+$0x0], $0xffff  }
0x1a5: {  	v36 =	vadd.s32 $0x2, v50;
	v25 =	vld.idx.msk [tilespmem:v61+s7+$0x0], $0xffff  }
0x1a6: {  	v53 =	vadd.s32 $0x3, v50;
	v20 =	vld.idx.msk [tilespmem:v62+s7+$0x0], $0xffff  }
0x1a7: {  	v54 =	vadd.s32 $0x4, v50;
	v26 =	vld.idx.msk [tilespmem:v47+s7+$0x0], $0xffff  }
0x1a8: {  	v55 =	vadd.s32 $0x5, v50;
	v15 =	vld.idx.msk [tilespmem:v48+s7+$0x0], $0xffff  }
0x1a9: {  	v28 =	vadd.f32 v28, v35;
	v57 =	vadd.s32 $0x6, v50;
	v34 =	vld.idx.msk [tilespmem:v51+s7+$0x0], $0xffff  }
0x1aa: {  	v29 =	vadd.f32 v29, v33;
	v1 =	vadd.s32 $0x6, v1;
	v36 =	vld.idx.msk [tilespmem:v36+s7+$0x0], $0xffff  }
0x1ab: {  	v17 =	vadd.f32 v31, v17;
	[tilespmem:s22+$0xFFFFFEB0] =	vst v28;
	v58 =	vmul.f32 v37, v9;
	v59 =	vadd.s32 $0x7, v50;
	v39 =	vld.idx.msk [tilespmem:v53+s7+$0x0], $0xffff  }
0x1ac: {  	v19 =	vadd.f32 v30, v19;
	[tilespmem:s22+$0xFFFFFF30] =	vst v29;
	v41 =	vld.idx.msk [tilespmem:v54+s7+$0x0], $0xffff  }
0x1ad: {  	[tilespmem:s22+$0xFFFFFFB0] =	vst v17;
	v60 =	vmul.f32 v14, v9;
	v61 =	vld.idx.msk [tilespmem:v55+s7+$0x0], $0xffff;
	v24 =	vadd.f32 v24, v58  }
0x1ae: {  	[tilespmem:s22+$0x30] =	vst v19;
	v56 =	vmul.f32 v37, v3;
	v28 =	vmul.f32 v14, v7;
	v62 =	vld.idx.msk [tilespmem:v57+s7+$0x0], $0xffff  }
0x1af: {  	v1 =	vld.idx.msk [tilespmem:v1+s7+$0x0], $0xffff;
	v34 =	vadd.f32 v34, v60;
	[tilespmem:s30+$0xFFFFFEF0] =	vst v24;
	v24 =	vmul.f32 v14, v8  }
0x1b0: {  	v29 =	vmul.f32 v14, v6;
	v40 =	vadd.f32 v63, v56;
	v63 =	vld.idx.msk [tilespmem:v59+s7+$0x0], $0xffff;
	v28 =	vadd.f32 v39, v28  }
0x1b1: {  	v32 =	vld.idx.msk [tilespmem:v50+s7+$0x0], $0xffff;
	v39 =	vmul.f32 v14, v4;
	[tilespmem:s30+$0xFFFFFEA0] =	vst v34;
	v24 =	vadd.f32 v36, v24  }
0x1b2: {  	v29 =	vadd.f32 v41, v29;
	[tilespmem:s30+$0xFFFFFFA0] =	vst v28;
	v36 =	vmul.f32 v14, v5  }
0x1b3: {  	v28 =	vadd.f32 v62, v39;
	[tilespmem:s30+$0xFFFFFF20] =	vst v24;
	v24 =	vmul.f32 v14, v3  }
0x1b4: {  	[tilespmem:s30+$0x20] =	vst v29;
	v29 =	vshll.u32 v52, $0x6;
	v35 =	vadd.f32 v61, v36;
	v14 =	vmul.f32 v14, v2  }
0x1b5: {  	v29 =	vadd.s32 v29, v10;
	[tilespmem:s30+$0x120] =	vst v28;
	v24 =	vadd.f32 v63, v24  }
0x1b6: {  	v28 =	vadd.s32 $0x1, v29;
	[tilespmem:s30+$0xA0] =	vst v35;
	v14 =	vadd.f32 v14, v32  }
0x1b7: {  	v21 =	vadd.f32 v21, v23;
	v11 =	vadd.f32 v11, v13;
	v30 =	vmul.f32 v37, v7;
	[tilespmem:s30+$0x1A0] =	vst v24  }
0x1b8: {  	v17 =	vadd.s32 $0x3, v29;
	[tilespmem:s30+$0xFFFFFE20] =	vst v14;
	v14 =	vadd.f32 v18, v27;
	v18 =	vmul.f32 v37, v8  }
0x1b9: {  	[tilespmem:s22+$0xB0] =	vst v21;
	v31 =	vmul.f32 v37, v6;
	v21 =	vmul.f32 v37, v5;
	v23 =	vadd.s32 $0x2, v29;
	v24 =	vld [tilespmem:s26+$0xFFFFFFF0]  }
0x1ba: {  	[tilespmem:s22+$0xFFFFFE30] =	vst v11;
	v20 =	vadd.f32 v20, v30;
	v19 =	vadd.s32 $0x4, v29;
	v18 =	vadd.f32 v25, v18;
	v25 =	vld [tilespmem:s24+$0xFFFFFFF0]  }
0x1bb: {  	v26 =	vadd.f32 v26, v31;
	v43 =	vadd.s32 $0x5, v29;
	[tilespmem:s22+$0x130] =	vst v14;
	v14 =	vld.idx.msk [tilespmem:v28+s7+$0x0], $0xffff;
	v28 =	vmul.f32 v37, v4  }
0x1bc: {  	[tilespmem:s30+$0xFFFFFFF0] =	vst v20  }
0x1bd: {  	v15 =	vadd.f32 v15, v21;
	[tilespmem:s30+$0x70] =	vst v26;
	v30 =	vadd.s32 $0x6, v29;
	v17 =	vld.idx.msk [tilespmem:v17+s7+$0x0], $0xffff;
	v1 =	vadd.f32 v1, v28  }
0x1be: {  	v21 =	vadd.s32 $0x7, v29;
	v27 =	vmul.f32 v37, v2;
	[tilespmem:s30+$0xFFFFFF70] =	vst v18;
	v18 =	vld.idx.msk [tilespmem:v23+s7+$0x0], $0xffff;
	v20 =	vshll.u32 v24, $0x6  }
0x1bf: {  	v19 =	vld.idx.msk [tilespmem:v19+s7+$0x0], $0xffff;
	[tilespmem:s30+$0x170] =	vst v1;
	v1 =	vadd.f32 v16, v12;
	v10 =	vadd.s32 v20, v10  }
0x1c0: {  	[tilespmem:s30+$0xF0] =	vst v15;
	v15 =	vld.idx.msk [tilespmem:v43+s7+$0x0], $0xffff;
	v20 =	vadd.f32 v27, v22;
	v23 =	vmul.f32 v25, v9;
	v22 =	vadd.s32 $0x1, v10  }
0x1c1: {  	v13 =	vld [tilespmem:s31+$0xFFFFFFF0];
	v24 =	vmul.f32 v25, v8;
	v16 =	vadd.s32 $0x2, v10;
	[tilespmem:s22+$0x1B0] =	vst v1  }
0x1c2: {  	v12 =	vld.idx.msk [tilespmem:v30+s7+$0x0], $0xffff;
	v26 =	vmul.f32 v25, v7;
	[tilespmem:s30+$0xFFFFFE70] =	vst v20;
	v20 =	vadd.s32 $0x3, v10;
	v1 =	vadd.f32 v14, v23  }
0x1c3: {  	[tilespmem:s30+$0x1F0] =	vst v40;
	v27 =	vmul.f32 v25, v5;
	v14 =	vld.idx.msk [tilespmem:v21+s7+$0x0], $0xffff;
	v21 =	vadd.s32 $0x4, v10;
	v11 =	vadd.f32 v18, v24  }
0x1c4: {  	v23 =	vmul.f32 v25, v6;
	v18 =	vld.idx.msk [tilespmem:v29+s7+$0x0], $0xffff;
	v24 =	vadd.s32 $0x5, v10;
	v17 =	vadd.f32 v17, v26;
	[tilespmem:s23+$0xFFFFFEB0] =	vst v1  }
0x1c5: {  	v26 =	vmul.f32 v25, v4;
	v15 =	vadd.f32 v15, v27;
	v1 =	vadd.s32 $0x6, v10;
	[tilespmem:s23+$0xFFFFFF30] =	vst v11;
	v22 =	vld.idx.msk [tilespmem:v22+s7+$0x0], $0xffff  }
0x1c6: {  	v19 =	vadd.f32 v19, v23;
	v11 =	vadd.s32 $0x7, v10;
	v23 =	vmul.f32 v25, v3;
	[tilespmem:s23+$0xFFFFFFB0] =	vst v17;
	v16 =	vld.idx.msk [tilespmem:v16+s7+$0x0], $0xffff  }
0x1c7: {  	v12 =	vadd.f32 v12, v26;
	[tilespmem:s23+$0xB0] =	vst v15;
	v17 =	vld.idx.msk [tilespmem:v20+s7+$0x0], $0xffff;
	v20 =	vmul.f32 v25, v2  }
0x1c8: {  	v9 =	vmul.f32 v13, v9;
	[tilespmem:s23+$0x30] =	vst v19;
	v19 =	vld.idx.msk [tilespmem:v21+s7+$0x0], $0xffff;
	v14 =	vadd.f32 v14, v23  }
0x1c9: {  	v8 =	vmul.f32 v13, v8;
	[tilespmem:s23+$0x130] =	vst v12;
	v15 =	vld.idx.msk [tilespmem:v24+s7+$0x0], $0xffff;
	v12 =	vadd.f32 v20, v18  }
0x1ca: {  	v7 =	vmul.f32 v13, v7;
	v1 =	vld.idx.msk [tilespmem:v1+s7+$0x0], $0xffff;
	[tilespmem:s23+$0x1B0] =	vst v14;
	v9 =	vadd.f32 v22, v9  }
0x1cb: {  	v6 =	vmul.f32 v13, v6;
	v11 =	vld.idx.msk [tilespmem:v11+s7+$0x0], $0xffff;
	[tilespmem:s23+$0xFFFFFE30] =	vst v12;
	v8 =	vadd.f32 v16, v8  }
0x1cc: {  	v5 =	vmul.f32 v13, v5;
	v10 =	vld.idx.msk [tilespmem:v10+s7+$0x0], $0xffff;
	v7 =	vadd.f32 v17, v7;
	[tilespmem:s30+$0xFFFFFEB0] =	vst v9  }
0x1cd: {  	v4 =	vmul.f32 v13, v4;
	v6 =	vadd.f32 v19, v6;
	[tilespmem:s30+$0xFFFFFF30] =	vst v8  }
0x1ce: {  	v3 =	vmul.f32 v13, v3;
	v5 =	vadd.f32 v15, v5;
	[tilespmem:s30+$0xFFFFFFB0] =	vst v7  }
0x1cf: {  	v2 =	vmul.f32 v13, v2;
	v1 =	vadd.f32 v1, v4;
	[tilespmem:s30+$0x30] =	vst v6  }
0x1d0: {  	[tilespmem:s30+$0xB0] =	vst v5;
	v3 =	vadd.f32 v11, v3  }
0x1d1: {  	[tilespmem:s30+$0x130] =	vst v1;
	v1 =	vadd.f32 v2, v10  }
0x1d2: {  	s0 =	sshll.u32 s21, $0xB;
	s26 =	sadd.s32 s20, s9;
	[tilespmem:s30+$0x1B0] =	vst v3  }
0x1d3: {  	s0 =	sadd.s32 s6, s0;
	s20 =	sadd.s32 $0x1, s26;
	[tilespmem:s30+$0xFFFFFE30] =	vst v1  }
0x1d4: {  	[hbm4b:s0+s7] =	stream.linear.scatter [tilespmem:s14], [sflag:$0x1], $0x4000, $0x38;
	[tilespmem:$0x17580] =	vst v63  }
0x1d5: {  	s0 =	sshll.u32 s20, $0x2  }
0x1d6: {  	s5 =	simm.s32 @!p0 $0x2;
	s0 =	sand.u32 $0x38, s0  }
0x1d7: {  	_ =	swait.ge @!p0 [sflag:s5], $0x4000;
	v1 =	vmov s0;
	s31 =	sor.u32 $0x1, s0  }
0x1d8: {  	[sflag:s5] =	ssyncset.done @!p0 $0x0;
	s22 =	sor.u32 $0x2, s0;
	v3 =	vmov s31  }
0x1d9: {  	s30 =	simm.s32 $0xDDF0;
	s23 =	sor.u32 $0x3, s0;
	v0 =	vld [tilespmem:$0x1FFF0];
	[sflag:s5] =	ssyncadd.s32 @!p0 $0xFFFFC000;
	v4 =	vmov s22  }
0x1da: {  	s29 =	simm.s32 $0xEDF0;
	s24 =	sor.u32 $0x4, s0;
	v5 =	vmov s23;
	v6 =	vld [tilespmem:s30+$0xFFFFFFD0]  }
0x1db: {  	s25 =	sor.u32 $0x5, s0;
	v11 =	vmov s24;
	v14 =	vld [tilespmem:s29+$0xFFFFFFD0]  }
0x1dc: {  	s26 =	sor.u32 $0x6, s0;
	v2 =	vld.idx.msk [tilespmem:v1+s11+$0x0], $0xffff;
	v1 =	vmov s25  }
0x1dd: {  	s31 =	sor.u32 $0x7, s0;
	v9 =	vld.idx.msk [tilespmem:v3+s11+$0x0], $0xffff;
	v3 =	vmov s26  }
0x1de: {  	v12 =	vmov s31;
	v8 =	vld.idx.msk [tilespmem:v4+s11+$0x0], $0xffff  }
0x1df: {  	v10 =	vadd.s32 s0, v0;
	v7 =	vld.idx.msk [tilespmem:v5+s11+$0x0], $0xffff;
	v4 =	vshll.u32 v6, $0x6  }
0x1e0: {  	v6 =	vld.idx.msk [tilespmem:v11+s11+$0x0], $0xffff;
	v11 =	vadd.s32 v4, v10  }
0x1e1: {  	v5 =	vld.idx.msk [tilespmem:v1+s11+$0x0], $0xffff;
	v1 =	vadd.s32 $0x1, v11  }
0x1e2: {  	v13 =	vadd.s32 $0x2, v11;
	v4 =	vld.idx.msk [tilespmem:v3+s11+$0x0], $0xffff  }
0x1e3: {  	v3 =	vld.idx.msk [tilespmem:v12+s11+$0x0], $0xffff;
	v12 =	vadd.s32 $0x3, v11  }
0x1e4: {  	v15 =	vadd.s32 $0x4, v11  }
0x1e5: {  	v17 =	vadd.s32 $0x5, v11;
	v16 =	vld.idx.msk [tilespmem:v11+s7+$0x0], $0xffff  }
0x1e6: {  	v18 =	vadd.s32 $0x6, v11;
	v1 =	vld.idx.msk [tilespmem:v1+s7+$0x0], $0xffff  }
0x1e7: {  	v11 =	vadd.s32 $0x7, v11;
	v13 =	vld.idx.msk [tilespmem:v13+s7+$0x0], $0xffff  }
0x1e8: {  	v19 =	vmul.f32 v14, v2;
	v12 =	vld.idx.msk [tilespmem:v12+s7+$0x0], $0xffff  }
0x1e9: {  	v20 =	vmul.f32 v14, v9;
	v15 =	vld.idx.msk [tilespmem:v15+s7+$0x0], $0xffff  }
0x1ea: {  	v17 =	vld.idx.msk [tilespmem:v17+s7+$0x0], $0xffff;
	v16 =	vadd.f32 v19, v16;
	v19 =	vmul.f32 v14, v8  }
0x1eb: {  	s21 =	simm.s32 $0x13780;
	v18 =	vld.idx.msk [tilespmem:v18+s7+$0x0], $0xffff;
	v1 =	vadd.f32 v1, v20;
	v20 =	vmul.f32 v14, v7  }
0x1ec: {  	v11 =	vld.idx.msk [tilespmem:v11+s7+$0x0], $0xffff;
	[tilespmem:s21+$0xFFFFFE40] =	vst v16;
	v13 =	vadd.f32 v13, v19;
	v16 =	vmul.f32 v14, v6  }
0x1ed: {  	[tilespmem:s21+$0xFFFFFEC0] =	vst v1;
	v1 =	vadd.f32 v12, v20;
	v12 =	vmul.f32 v14, v5  }
0x1ee: {  	v15 =	vadd.f32 v15, v16;
	v16 =	vmul.f32 v14, v4;
	[tilespmem:s21+$0xFFFFFF40] =	vst v13  }
0x1ef: {  	v13 =	vmul.f32 v14, v3;
	v12 =	vadd.f32 v17, v12;
	[tilespmem:s21+$0xFFFFFFC0] =	vst v1  }
0x1f0: {  	v1 =	vadd.f32 v18, v16;
	[tilespmem:s21+$0x40] =	vst v15  }
0x1f1: {  	v11 =	vadd.f32 v11, v13;
	[tilespmem:s21+$0xC0] =	vst v12  }
0x1f2: {  	[tilespmem:s21+$0x140] =	vst v1  }
0x1f3: {  	[tilespmem:s21+$0x1C0] =	vst v11  }
0x1f4: {  	v1 =	vld [tilespmem:s30+$0xFFFFFFE0];
	_ =	sdelay $0x4  }
0x1f5: {  	v1 =	vshll.u32 v1, $0x6  }
0x1f6: {  	v1 =	vadd.s32 v1, v10  }
0x1f7: {  	v11 =	vld [tilespmem:s30+$0xFFFFFF90];
	v12 =	vadd.s32 $0x1, v1  }
0x1f8: {  	v13 =	vadd.s32 $0x2, v1  }
0x1f9: {  	v16 =	vld [tilespmem:s29+$0xFFFFFFE0];
	v15 =	vadd.s32 $0x3, v1  }
0x1fa: {  	v14 =	vld [tilespmem:s29+$0xFFFFFF90];
	v17 =	vadd.s32 $0x4, v1  }
0x1fb: {  	v19 =	vadd.s32 $0x5, v1;
	v18 =	vld.idx.msk [tilespmem:v1+s7+$0x0], $0xffff  }
0x1fc: {  	v11 =	vshll.u32 v11, $0x6;
	v20 =	vadd.s32 $0x6, v1;
	v12 =	vld.idx.msk [tilespmem:v12+s7+$0x0], $0xffff  }
0x1fd: {  	v11 =	vadd.s32 v11, v10;
	v1 =	vadd.s32 $0x7, v1;
	v13 =	vld.idx.msk [tilespmem:v13+s7+$0x0], $0xffff  }
0x1fe: {  	v23 =	vmul.f32 v16, v2;
	v21 =	vadd.s32 $0x1, v11;
	v15 =	vld.idx.msk [tilespmem:v15+s7+$0x0], $0xffff  }
0x1ff: {  	v25 =	vmul.f32 v16, v9;
	v22 =	vadd.s32 $0x2, v11;
	v17 =	vld.idx.msk [tilespmem:v17+s7+$0x0], $0xffff  }
0x200: {  	v24 =	vadd.s32 $0x3, v11;
	v19 =	vld.idx.msk [tilespmem:v19+s7+$0x0], $0xffff;
	v18 =	vadd.f32 v23, v18;
	v23 =	vmul.f32 v16, v8  }
0x201: {  	v26 =	vadd.s32 $0x4, v11;
	v20 =	vld.idx.msk [tilespmem:v20+s7+$0x0], $0xffff;
	v12 =	vadd.f32 v12, v25;
	v25 =	vmul.f32 v16, v7  }
0x202: {  	v27 =	vadd.s32 $0x5, v11;
	v1 =	vld.idx.msk [tilespmem:v1+s7+$0x0], $0xffff;
	v13 =	vadd.f32 v13, v23;
	v23 =	vmul.f32 v16, v6;
	[tilespmem:s21+$0xFFFFFE50] =	vst v18  }
0x203: {  	v28 =	vadd.s32 $0x6, v11;
	v21 =	vld.idx.msk [tilespmem:v21+s7+$0x0], $0xffff;
	v15 =	vadd.f32 v15, v25;
	v25 =	vmul.f32 v16, v5;
	[tilespmem:s21+$0xFFFFFED0] =	vst v12  }
0x204: {  	v22 =	vld.idx.msk [tilespmem:v22+s7+$0x0], $0xffff;
	v18 =	vadd.s32 $0x7, v11;
	v17 =	vadd.f32 v17, v23;
	v23 =	vmul.f32 v16, v4;
	[tilespmem:s21+$0xFFFFFF50] =	vst v13  }
0x205: {  	v12 =	vld.idx.msk [tilespmem:v24+s7+$0x0], $0xffff;
	v16 =	vmul.f32 v16, v3;
	v19 =	vadd.f32 v19, v25;
	[tilespmem:s21+$0xFFFFFFD0] =	vst v15  }
0x206: {  	v13 =	vld.idx.msk [tilespmem:v26+s7+$0x0], $0xffff;
	v20 =	vadd.f32 v20, v23;
	[tilespmem:s21+$0x50] =	vst v17  }
0x207: {  	v15 =	vld.idx.msk [tilespmem:v27+s7+$0x0], $0xffff;
	v17 =	vmul.f32 v14, v9;
	v1 =	vadd.f32 v1, v16;
	[tilespmem:s21+$0xD0] =	vst v19  }
0x208: {  	v23 =	vld.idx.msk [tilespmem:v28+s7+$0x0], $0xffff;
	v16 =	vmul.f32 v14, v8;
	[tilespmem:s21+$0x150] =	vst v20  }
0x209: {  	v18 =	vld.idx.msk [tilespmem:v18+s7+$0x0], $0xffff;
	v19 =	vmul.f32 v14, v7;
	v17 =	vadd.f32 v21, v17;
	[tilespmem:s21+$0x1D0] =	vst v1  }
0x20a: {  	v1 =	vmul.f32 v14, v6;
	v16 =	vadd.f32 v22, v16;
	v20 =	vld [tilespmem:s30+$0xFFFFFFF0]  }
0x20b: {  	v11 =	vld.idx.msk [tilespmem:v11+s7+$0x0], $0xffff;
	v21 =	vmul.f32 v14, v5;
	v12 =	vadd.f32 v12, v19;
	[tilespmem:s21+$0xFFFFFE80] =	vst v17  }
0x20c: {  	v17 =	vmul.f32 v14, v4;
	v1 =	vadd.f32 v13, v1;
	[tilespmem:s21+$0xFFFFFF00] =	vst v16  }
0x20d: {  	v13 =	vmul.f32 v14, v3;
	v15 =	vadd.f32 v15, v21;
	[tilespmem:s21+$0xFFFFFF80] =	vst v12  }
0x20e: {  	v12 =	vmul.f32 v14, v2;
	[tilespmem:s21+$0x0] =	vst v1;
	v1 =	vadd.f32 v23, v17  }
0x20f: {  	[tilespmem:s21+$0x80] =	vst v15;
	v13 =	vadd.f32 v18, v13;
	v14 =	vshll.u32 v20, $0x6  }
0x210: {  	v11 =	vadd.f32 v12, v11;
	[tilespmem:s21+$0x100] =	vst v1;
	v1 =	vadd.s32 v14, v10  }
0x211: {  	s24 =	simm.s32 $0xDE70;
	[tilespmem:s21+$0x180] =	vst v13;
	v12 =	vadd.s32 $0x1, v1  }
0x212: {  	v24 =	vld [tilespmem:s24+$0xFFFFFFD0];
	[tilespmem:s21+$0xFFFFFE00] =	vst v11;
	v11 =	vadd.s32 $0x2, v1  }
0x213: {  	v13 =	vld [tilespmem:s30+$0xFFFFFFA0];
	v14 =	vadd.s32 $0x3, v1  }
0x214: {  	v15 =	vld [tilespmem:s29+$0xFFFFFFF0];
	v16 =	vadd.s32 $0x4, v1  }
0x215: {  	v18 =	vadd.s32 $0x5, v1;
	v17 =	vld.idx.msk [tilespmem:v1+s7+$0x0], $0xffff  }
0x216: {  	v19 =	vadd.s32 $0x6, v1;
	v12 =	vld.idx.msk [tilespmem:v12+s7+$0x0], $0xffff  }
0x217: {  	v1 =	vadd.s32 $0x7, v1;
	v11 =	vld.idx.msk [tilespmem:v11+s7+$0x0], $0xffff  }
0x218: {  	v14 =	vld.idx.msk [tilespmem:v14+s7+$0x0], $0xffff;
	v13 =	vshll.u32 v13, $0x6  }
0x219: {  	v20 =	vmul.f32 v15, v2;
	v16 =	vld.idx.msk [tilespmem:v16+s7+$0x0], $0xffff;
	v13 =	vadd.s32 v13, v10  }
0x21a: {  	v21 =	vmul.f32 v15, v9;
	v18 =	vld.idx.msk [tilespmem:v18+s7+$0x0], $0xffff;
	v28 =	vadd.s32 $0x5, v13  }
0x21b: {  	v19 =	vld.idx.msk [tilespmem:v19+s7+$0x0], $0xffff;
	v22 =	vadd.s32 $0x1, v13;
	v17 =	vadd.f32 v20, v17;
	v20 =	vmul.f32 v15, v8  }
0x21c: {  	v1 =	vld.idx.msk [tilespmem:v1+s7+$0x0], $0xffff;
	v12 =	vadd.f32 v12, v21;
	v21 =	vmul.f32 v15, v7  }
0x21d: {  	v23 =	vadd.s32 $0x2, v13;
	v11 =	vadd.f32 v11, v20;
	v20 =	vmul.f32 v15, v6;
	[tilespmem:s21+$0xFFFFFE60] =	vst v17;
	v17 =	vld [tilespmem:s29+$0xFFFFFFA0]  }
0x21e: {  	v25 =	vadd.s32 $0x3, v13;
	v27 =	vld.idx.msk [tilespmem:v13+s7+$0x0], $0xffff;
	v14 =	vadd.f32 v14, v21;
	v21 =	vmul.f32 v15, v5;
	[tilespmem:s21+$0xFFFFFEE0] =	vst v12  }
0x21f: {  	v26 =	vadd.s32 $0x4, v13;
	v28 =	vld.idx.msk [tilespmem:v28+s7+$0x0], $0xffff;
	v12 =	vadd.f32 v16, v20;
	v16 =	vmul.f32 v15, v4;
	[tilespmem:s21+$0xFFFFFF60] =	vst v11  }
0x220: {  	s23 =	simm.s32 $0xEE70;
	v20 =	vld.idx.msk [tilespmem:v22+s7+$0x0], $0xffff;
	v15 =	vmul.f32 v15, v3;
	v11 =	vadd.f32 v18, v21;
	[tilespmem:s21+$0xFFFFFFE0] =	vst v14  }
0x221: {  	v22 =	vld [tilespmem:s23+$0xFFFFFFD0];
	[tilespmem:s21+$0x60] =	vst v12;
	v12 =	vshll.u32 v24, $0x6  }
0x222: {  	v14 =	vld.idx.msk [tilespmem:v23+s7+$0x0], $0xffff;
	v1 =	vadd.f32 v1, v15;
	[tilespmem:s21+$0xE0] =	vst v11;
	v11 =	vadd.s32 v12, v10  }
0x223: {  	v18 =	vld.idx.msk [tilespmem:v25+s7+$0x0], $0xffff;
	v16 =	vadd.f32 v19, v16;
	v12 =	vadd.s32 $0x1, v11  }
0x224: {  	v15 =	vld.idx.msk [tilespmem:v26+s7+$0x0], $0xffff;
	[tilespmem:s21+$0x1E0] =	vst v1;
	v1 =	vadd.s32 $0x2, v11  }
0x225: {  	[tilespmem:s21+$0x160] =	vst v16;
	v16 =	vld [tilespmem:s24+$0xFFFFFF90];
	v21 =	vadd.s32 $0x3, v11  }
0x226: {  	v23 =	vadd.s32 $0x4, v11;
	v19 =	vld [tilespmem:s30+$0x0]  }
0x227: {  	v25 =	vadd.s32 $0x5, v11;
	v24 =	vld.idx.msk [tilespmem:v11+s7+$0x0], $0xffff  }
0x228: {  	v26 =	vadd.s32 $0x6, v11;
	v12 =	vld.idx.msk [tilespmem:v12+s7+$0x0], $0xffff  }
0x229: {  	v11 =	vadd.s32 $0x7, v11;
	v1 =	vld.idx.msk [tilespmem:v1+s7+$0x0], $0xffff  }
0x22a: {  	v29 =	vadd.s32 $0x6, v13;
	v30 =	vmul.f32 v22, v2;
	v21 =	vld.idx.msk [tilespmem:v21+s7+$0x0], $0xffff  }
0x22b: {  	v13 =	vadd.s32 $0x7, v13;
	v31 =	vmul.f32 v22, v9;
	v23 =	vld.idx.msk [tilespmem:v23+s7+$0x0], $0xffff  }
0x22c: {  	v25 =	vld.idx.msk [tilespmem:v25+s7+$0x0], $0xffff;
	v19 =	vshll.u32 v19, $0x6;
	v24 =	vadd.f32 v30, v24;
	v30 =	vmul.f32 v22, v8  }
0x22d: {  	s22 =	simm.s32 $0x13B80;
	v26 =	vld.idx.msk [tilespmem:v26+s7+$0x0], $0xffff;
	v19 =	vadd.s32 v19, v10;
	v12 =	vadd.f32 v12, v31;
	v31 =	vmul.f32 v22, v7  }
0x22e: {  	v44 =	vadd.s32 $0x7, v19;
	v11 =	vld.idx.msk [tilespmem:v11+s7+$0x0], $0xffff;
	[tilespmem:s22+$0xFFFFFE40] =	vst v24;
	v1 =	vadd.f32 v1, v30;
	v24 =	vmul.f32 v22, v6  }
0x22f: {  	v29 =	vld.idx.msk [tilespmem:v29+s7+$0x0], $0xffff;
	[tilespmem:s22+$0xFFFFFEC0] =	vst v12;
	v12 =	vadd.f32 v21, v31;
	v21 =	vmul.f32 v22, v5  }
0x230: {  	v30 =	vld.idx.msk [tilespmem:v13+s7+$0x0], $0xffff;
	v13 =	vshll.u32 v16, $0x6;
	v16 =	vadd.f32 v23, v24;
	v23 =	vmul.f32 v22, v4;
	[tilespmem:s22+$0xFFFFFF40] =	vst v1  }
0x231: {  	v1 =	vadd.s32 v13, v10;
	v22 =	vmul.f32 v22, v3;
	v21 =	vadd.f32 v25, v21;
	[tilespmem:s22+$0xFFFFFFC0] =	vst v12  }
0x232: {  	v46 =	vmul.f32 v17, v5;
	v31 =	vld [tilespmem:s23+$0xFFFFFF90];
	v24 =	vadd.s32 $0x1, v1;
	v23 =	vadd.f32 v26, v23;
	[tilespmem:s22+$0x40] =	vst v16  }
0x233: {  	v13 =	vld.idx.msk [tilespmem:v44+s7+$0x0], $0xffff;
	v25 =	vadd.s32 $0x2, v1;
	v16 =	vmul.f32 v17, v9;
	v22 =	vadd.f32 v11, v22;
	[tilespmem:s22+$0xC0] =	vst v21  }
0x234: {  	v12 =	vld [tilespmem:s29+$0x0];
	v21 =	vmul.f32 v17, v8;
	[tilespmem:s22+$0x140] =	vst v23;
	v23 =	vmul.f32 v17, v7  }
0x235: {  	v26 =	vadd.s32 $0x3, v1;
	v11 =	vld.idx.msk [tilespmem:v19+s7+$0x0], $0xffff;
	v16 =	vadd.f32 v20, v16;
	[tilespmem:s22+$0x1C0] =	vst v22;
	v22 =	vmul.f32 v17, v6  }
0x236: {  	v20 =	vadd.s32 $0x4, v1;
	v14 =	vadd.f32 v14, v21;
	v45 =	vld [tilespmem:s24+$0xFFFFFFE0];
	v18 =	vadd.f32 v18, v23  }
0x237: {  	v21 =	vadd.s32 $0x5, v1;
	[tilespmem:s21+$0xFFFFFE90] =	vst v16;
	v23 =	vld.idx.msk [tilespmem:v24+s7+$0x0], $0xffff;
	v24 =	vmul.f32 v17, v4;
	v15 =	vadd.f32 v15, v22  }
0x238: {  	v16 =	vadd.s32 $0x6, v1;
	v22 =	vld.idx.msk [tilespmem:v25+s7+$0x0], $0xffff;
	v25 =	vmul.f32 v17, v3;
	v17 =	vmul.f32 v17, v2;
	[tilespmem:s21+$0xFFFFFF10] =	vst v14  }
0x239: {  	v14 =	vadd.s32 $0x7, v1;
	v1 =	vld.idx.msk [tilespmem:v1+s7+$0x0], $0xffff;
	[tilespmem:s21+$0xFFFFFF90] =	vst v18;
	v24 =	vadd.f32 v29, v24  }
0x23a: {  	v18 =	vld.idx.msk [tilespmem:v26+s7+$0x0], $0xffff;
	[tilespmem:s21+$0x10] =	vst v15;
	v17 =	vadd.f32 v17, v27  }
0x23b: {  	v15 =	vld.idx.msk [tilespmem:v20+s7+$0x0], $0xffff;
	v20 =	vadd.f32 v30, v25;
	v25 =	vshll.u32 v45, $0x6;
	[tilespmem:s21+$0x110] =	vst v24  }
0x23c: {  	v28 =	vadd.f32 v28, v46;
	v21 =	vld.idx.msk [tilespmem:v21+s7+$0x0], $0xffff;
	[tilespmem:s21+$0xFFFFFE10] =	vst v17;
	v24 =	vadd.s32 v25, v10  }
0x23d: {  	v17 =	vmul.f32 v31, v8;
	v16 =	vld.idx.msk [tilespmem:v16+s7+$0x0], $0xffff;
	[tilespmem:s21+$0x190] =	vst v20;
	v20 =	vmul.f32 v31, v9;
	v25 =	vadd.s32 $0x1, v24  }
0x23e: {  	v27 =	vmul.f32 v31, v7;
	v14 =	vld.idx.msk [tilespmem:v14+s7+$0x0], $0xffff;
	v26 =	vadd.s32 $0x2, v24  }
0x23f: {  	[tilespmem:s21+$0x90] =	vst v28;
	v28 =	vadd.s32 $0x3, v24;
	v17 =	vadd.f32 v22, v17;
	v22 =	vld [tilespmem:s23+$0xFFFFFFE0];
	v20 =	vadd.f32 v23, v20  }
0x240: {  	v29 =	vmul.f32 v31, v6;
	v30 =	vadd.s32 $0x4, v24;
	v23 =	vld [tilespmem:s30+$0xFFFFFFB0]  }
0x241: {  	v47 =	vmul.f32 v31, v5;
	v18 =	vadd.f32 v18, v27;
	v27 =	vadd.s32 $0x5, v24;
	[tilespmem:s22+$0xFFFFFE80] =	vst v20;
	v20 =	vld.idx.msk [tilespmem:v24+s7+$0x0], $0xffff  }
0x242: {  	v48 =	vmul.f32 v31, v4;
	v15 =	vadd.f32 v15, v29;
	[tilespmem:s22+$0xFFFFFF00] =	vst v17;
	v17 =	vld.idx.msk [tilespmem:v25+s7+$0x0], $0xffff;
	v25 =	vadd.s32 $0x6, v24  }
0x243: {  	v29 =	vmul.f32 v31, v3;
	v21 =	vadd.f32 v21, v47;
	[tilespmem:s22+$0xFFFFFF80] =	vst v18;
	v18 =	vld.idx.msk [tilespmem:v26+s7+$0x0], $0xffff;
	v24 =	vadd.s32 $0x7, v24  }
0x244: {  	v31 =	vmul.f32 v31, v2;
	[tilespmem:s22+$0x0] =	vst v15;
	v15 =	vadd.f32 v16, v48;
	v26 =	vadd.s32 $0x1, v19;
	v16 =	vld.idx.msk [tilespmem:v28+s7+$0x0], $0xffff  }
0x245: {  	v28 =	vadd.s32 $0x2, v19;
	[tilespmem:s22+$0x80] =	vst v21;
	v14 =	vadd.f32 v14, v29;
	v21 =	vld.idx.msk [tilespmem:v30+s7+$0x0], $0xffff  }
0x246: {  	v1 =	vadd.f32 v31, v1;
	v31 =	vadd.s32 $0x4, v19;
	v29 =	vmul.f32 v22, v2;
	[tilespmem:s22+$0x100] =	vst v15;
	v15 =	vld.idx.msk [tilespmem:v27+s7+$0x0], $0xffff  }
0x247: {  	v30 =	vadd.s32 $0x3, v19;
	v27 =	vmul.f32 v22, v9;
	[tilespmem:s22+$0x180] =	vst v14;
	v14 =	vld.idx.msk [tilespmem:v25+s7+$0x0], $0xffff  }
0x248: {  	[tilespmem:s22+$0xFFFFFE00] =	vst v1;
	v20 =	vadd.f32 v29, v20;
	v25 =	vmul.f32 v22, v8;
	v1 =	vld.idx.msk [tilespmem:v24+s7+$0x0], $0xffff  }
0x249: {  	v29 =	vadd.s32 $0x5, v19;
	v17 =	vadd.f32 v17, v27;
	v24 =	vmul.f32 v22, v7;
	v26 =	vld.idx.msk [tilespmem:v26+s7+$0x0], $0xffff  }
0x24a: {  	v27 =	vld.idx.msk [tilespmem:v28+s7+$0x0], $0xffff;
	[tilespmem:s22+$0xFFFFFE50] =	vst v20;
	v20 =	vmul.f32 v22, v5;
	v18 =	vadd.f32 v18, v25  }
0x24b: {  	v19 =	vadd.s32 $0x6, v19;
	v28 =	vld.idx.msk [tilespmem:v31+s7+$0x0], $0xffff;
	v25 =	vmul.f32 v22, v6;
	v16 =	vadd.f32 v16, v24;
	[tilespmem:s22+$0xFFFFFED0] =	vst v17  }
0x24c: {  	v17 =	vld.idx.msk [tilespmem:v30+s7+$0x0], $0xffff;
	v24 =	vmul.f32 v22, v4;
	v15 =	vadd.f32 v15, v20;
	[tilespmem:s22+$0xFFFFFF50] =	vst v18  }
0x24d: {  	v30 =	vld [tilespmem:s29+$0xFFFFFFB0];
	v20 =	vmul.f32 v22, v3;
	v21 =	vadd.f32 v21, v25;
	[tilespmem:s22+$0xFFFFFFD0] =	vst v16  }
0x24e: {  	v18 =	vshll.u32 v23, $0x6;
	v16 =	vld.idx.msk [tilespmem:v29+s7+$0x0], $0xffff;
	v14 =	vadd.f32 v14, v24;
	[tilespmem:s22+$0xD0] =	vst v15  }
0x24f: {  	v25 =	vld [tilespmem:s23+$0xFFFFFFA0];
	v29 =	vadd.s32 v18, v10;
	v1 =	vadd.f32 v1, v20;
	[tilespmem:s22+$0x50] =	vst v21  }
0x250: {  	v21 =	vld.idx.msk [tilespmem:v19+s7+$0x0], $0xffff;
	v18 =	vadd.s32 $0x1, v29;
	[tilespmem:s22+$0x150] =	vst v14  }
0x251: {  	v15 =	vadd.s32 $0x2, v29;
	v19 =	vld [tilespmem:s24+$0xFFFFFFA0];
	[tilespmem:s22+$0x1D0] =	vst v1  }
0x252: {  	v56 =	vmul.f32 v12, v5;
	v20 =	vld [tilespmem:s24+$0xFFFFFFF0]  }
0x253: {  	s25 =	simm.s32 $0xDEF0;
	v1 =	vadd.s32 $0x4, v29;
	v40 =	vld [tilespmem:s23+$0xFFFFFFF0]  }
0x254: {  	v14 =	vadd.s32 $0x3, v29;
	v16 =	vadd.f32 v16, v56;
	v56 =	vld [tilespmem:s25+$0xFFFFFFD0]  }
0x255: {  	v31 =	vadd.s32 $0x5, v29;
	v33 =	vld.idx.msk [tilespmem:v18+s7+$0x0], $0xffff  }
0x256: {  	v49 =	vadd.s32 $0x6, v29;
	v24 =	vld.idx.msk [tilespmem:v15+s7+$0x0], $0xffff  }
0x257: {  	v18 =	vadd.s32 $0x7, v29;
	v15 =	vshll.u32 v19, $0x6;
	v29 =	vld.idx.msk [tilespmem:v29+s7+$0x0], $0xffff  }
0x258: {  	v34 =	vadd.s32 v15, v10;
	v22 =	vld.idx.msk [tilespmem:v1+s7+$0x0], $0xffff;
	v1 =	vshll.u32 v20, $0x6  }
0x259: {  	v50 =	vmul.f32 v12, v2;
	v23 =	vld.idx.msk [tilespmem:v14+s7+$0x0], $0xffff;
	v1 =	vadd.s32 v1, v10  }
0x25a: {  	v53 =	vmul.f32 v12, v7;
	v55 =	vmul.f32 v12, v6;
	v20 =	vld.idx.msk [tilespmem:v31+s7+$0x0], $0xffff;
	v31 =	vadd.s32 $0x1, v1  }
0x25b: {  	v11 =	vadd.f32 v50, v11;
	v19 =	vmul.f32 v12, v3;
	v15 =	vld.idx.msk [tilespmem:v49+s7+$0x0], $0xffff;
	v51 =	vadd.s32 $0x2, v1  }
0x25c: {  	v46 =	vmul.f32 v25, v2;
	v52 =	vadd.s32 $0x3, v1;
	v14 =	vld.idx.msk [tilespmem:v18+s7+$0x0], $0xffff;
	v18 =	vmul.f32 v12, v9  }
0x25d: {  	v36 =	vadd.f32 v13, v19;
	v19 =	vmul.f32 v12, v8;
	v54 =	vadd.s32 $0x4, v1;
	v37 =	vld.idx.msk [tilespmem:v34+s7+$0x0], $0xffff  }
0x25e: {  	v58 =	vadd.s32 $0x5, v1;
	v12 =	vmul.f32 v12, v4;
	v13 =	vadd.f32 v26, v18;
	v57 =	vld.idx.msk [tilespmem:v1+s7+$0x0], $0xffff  }
0x25f: {  	v18 =	vadd.f32 v17, v53;
	v17 =	vadd.f32 v28, v55;
	v28 =	vadd.s32 $0x1, v34;
	v26 =	vld.idx.msk [tilespmem:v31+s7+$0x0], $0xffff  }
0x260: {  	v47 =	vmul.f32 v25, v9;
	v19 =	vadd.f32 v27, v19;
	v53 =	vadd.s32 $0x5, v34;
	v27 =	vld.idx.msk [tilespmem:v51+s7+$0x0], $0xffff  }
0x261: {  	v12 =	vadd.f32 v21, v12;
	v21 =	vmul.f32 v30, v2;
	v31 =	vadd.s32 $0x6, v1;
	v59 =	vld.idx.msk [tilespmem:v52+s7+$0x0], $0xffff  }
0x262: {  	v61 =	vmul.f32 v40, v2;
	v48 =	vmul.f32 v40, v9;
	v1 =	vadd.s32 $0x7, v1;
	v60 =	vld.idx.msk [tilespmem:v54+s7+$0x0], $0xffff  }
0x263: {  	[tilespmem:s21+$0xFFFFFE70] =	vst v11;
	v50 =	vmul.f32 v40, v8;
	v63 =	vld.idx.msk [tilespmem:v58+s7+$0x0], $0xffff;
	v51 =	vadd.s32 $0x4, v34;
	v21 =	vadd.f32 v21, v29  }
0x264: {  	[tilespmem:s21+$0x1F0] =	vst v36;
	v55 =	vadd.s32 $0x6, v34;
	v52 =	vmul.f32 v40, v7;
	v54 =	vmul.f32 v40, v6;
	v28 =	vld.idx.msk [tilespmem:v28+s7+$0x0], $0xffff  }
0x265: {  	v62 =	vadd.s32 $0x2, v34;
	v58 =	vmul.f32 v40, v4;
	[tilespmem:s21+$0xFFFFFE20] =	vst v21;
	v39 =	vld.idx.msk [tilespmem:v53+s7+$0x0], $0xffff;
	v38 =	vadd.f32 v61, v57  }
0x266: {  	v57 =	vmul.f32 v40, v5;
	v40 =	vmul.f32 v40, v3;
	v31 =	vld.idx.msk [tilespmem:v31+s7+$0x0], $0xffff;
	v26 =	vadd.f32 v26, v48  }
0x267: {  	v49 =	vadd.s32 $0x3, v34;
	v61 =	vmul.f32 v25, v7;
	v1 =	vld.idx.msk [tilespmem:v1+s7+$0x0], $0xffff;
	v35 =	vadd.f32 v59, v52;
	[tilespmem:s22+$0xFFFFFE60] =	vst v38  }
0x268: {  	v27 =	vadd.f32 v27, v50;
	v32 =	vadd.f32 v60, v54;
	v42 =	vld.idx.msk [tilespmem:v51+s7+$0x0], $0xffff;
	[tilespmem:s22+$0xFFFFFEE0] =	vst v26  }
0x269: {  	s26 =	simm.s32 $0xEEF0;
	v59 =	vshll.u32 v56, $0x6;
	v60 =	vmul.f32 v25, v8;
	v38 =	vld.idx.msk [tilespmem:v55+s7+$0x0], $0xffff;
	[tilespmem:s22+$0xFFFFFFE0] =	vst v35;
	v35 =	vmul.f32 v30, v9  }
0x26a: {  	v41 =	vadd.f32 v63, v57;
	v43 =	vadd.s32 v59, v10;
	v55 =	vld [tilespmem:s26+$0xFFFFFFD0];
	[tilespmem:s22+$0x60] =	vst v32;
	v32 =	vmul.f32 v30, v8  }
0x26b: {  	v63 =	vmul.f32 v25, v5;
	v26 =	vadd.s32 $0x7, v34;
	v34 =	vld.idx.msk [tilespmem:v62+s7+$0x0], $0xffff;
	[tilespmem:s22+$0xFFFFFF60] =	vst v27;
	v33 =	vadd.f32 v33, v35  }
0x26c: {  	v27 =	vld.idx.msk [tilespmem:v49+s7+$0x0], $0xffff;
	v44 =	vadd.s32 $0x1, v43;
	v49 =	vadd.s32 $0x2, v43;
	[tilespmem:s22+$0xE0] =	vst v41;
	v24 =	vadd.f32 v24, v32  }
0x26d: {  	v41 =	vmul.f32 v30, v6;
	v28 =	vadd.f32 v28, v47;
	v31 =	vadd.f32 v31, v58;
	[tilespmem:s21+$0xFFFFFEA0] =	vst v33  }
0x26e: {  	v48 =	vld [tilespmem:s25+$0xFFFFFF90];
	v62 =	vmul.f32 v25, v6;
	v39 =	vadd.f32 v39, v63;
	v1 =	vadd.f32 v1, v40;
	[tilespmem:s21+$0xFFFFFF20] =	vst v24  }
0x26f: {  	v52 =	vadd.s32 $0x3, v43;
	v40 =	vmul.f32 v30, v7;
	v22 =	vadd.f32 v22, v41;
	v35 =	vld.idx.msk [tilespmem:v43+s7+$0x0], $0xffff;
	[tilespmem:s22+$0x160] =	vst v31  }
0x270: {  	v59 =	vadd.s32 $0x5, v43;
	v57 =	vmul.f32 v55, v9;
	v31 =	vmul.f32 v30, v5;
	v26 =	vld.idx.msk [tilespmem:v26+s7+$0x0], $0xffff;
	[tilespmem:s22+$0x1E0] =	vst v1  }
0x271: {  	v1 =	vmul.f32 v30, v4;
	v34 =	vadd.f32 v34, v60;
	v36 =	vld.idx.msk [tilespmem:v44+s7+$0x0], $0xffff;
	[tilespmem:s22+$0xFFFFFE90] =	vst v28  }
0x272: {  	v56 =	vadd.s32 $0x4, v43;
	v30 =	vmul.f32 v30, v3;
	v27 =	vadd.f32 v27, v61;
	v28 =	vld.idx.msk [tilespmem:v49+s7+$0x0], $0xffff;
	[tilespmem:s21+$0x20] =	vst v22  }
0x273: {  	v60 =	vadd.s32 $0x6, v43;
	v61 =	vmul.f32 v25, v4;
	v25 =	vmul.f32 v25, v3;
	v45 =	vld [tilespmem:s24+$0x0];
	[tilespmem:s22+$0xFFFFFF10] =	vst v34  }
0x274: {  	v43 =	vadd.s32 $0x7, v43;
	v23 =	vadd.f32 v23, v40;
	v34 =	vld.idx.msk [tilespmem:v52+s7+$0x0], $0xffff;
	[tilespmem:s22+$0xFFFFFF90] =	vst v27;
	v52 =	vshll.u32 v48, $0x6  }
0x275: {  	v63 =	vadd.f32 v38, v61;
	v38 =	vld.idx.msk [tilespmem:v59+s7+$0x0], $0xffff;
	v20 =	vadd.f32 v20, v31;
	v41 =	vadd.s32 v52, v10  }
0x276: {  	v32 =	vld [tilespmem:s23+$0x0];
	v48 =	vmul.f32 v55, v5;
	v1 =	vadd.f32 v15, v1;
	[tilespmem:s21+$0xFFFFFFA0] =	vst v23;
	v31 =	vadd.s32 $0x3, v41  }
0x277: {  	v27 =	vld.idx.msk [tilespmem:v56+s7+$0x0], $0xffff;
	v14 =	vadd.f32 v14, v30;
	v15 =	vadd.s32 $0x4, v41;
	v30 =	vadd.s32 $0x5, v41;
	[tilespmem:s21+$0xA0] =	vst v20  }
0x278: {  	[tilespmem:s21+$0x120] =	vst v1;
	v25 =	vadd.f32 v26, v25;
	v26 =	vld.idx.msk [tilespmem:v60+s7+$0x0], $0xffff;
	v36 =	vadd.f32 v36, v57;
	v45 =	vshll.u32 v45, $0x6  }
0x279: {  	s28 =	simm.s32 $0x13F80;
	v42 =	vadd.f32 v42, v62;
	[tilespmem:s21+$0x1A0] =	vst v14;
	v54 =	vld.idx.msk [tilespmem:v43+s7+$0x0], $0xffff;
	v45 =	vadd.s32 v45, v10  }
0x27a: {  	v37 =	vadd.f32 v46, v37;
	[tilespmem:s28+$0xFFFFFEC0] =	vst v36;
	v36 =	vadd.f32 v38, v48;
	v48 =	vld [tilespmem:s29+$0xFFFFFFC0];
	v62 =	vadd.s32 $0x7, v45  }
0x27b: {  	v53 =	vmul.f32 v55, v2;
	[tilespmem:s22+$0x10] =	vst v42;
	v49 =	vadd.s32 $0x1, v45;
	v31 =	vld.idx.msk [tilespmem:v31+s7+$0x0], $0xffff  }
0x27c: {  	[tilespmem:s22+$0xFFFFFE10] =	vst v37;
	v59 =	vmul.f32 v55, v8;
	v51 =	vadd.s32 $0x2, v45;
	v15 =	vld.idx.msk [tilespmem:v15+s7+$0x0], $0xffff  }
0x27d: {  	v61 =	vmul.f32 v55, v7;
	v35 =	vadd.f32 v53, v35;
	[tilespmem:s22+$0x190] =	vst v25;
	v25 =	vadd.s32 $0x3, v45;
	v30 =	vld.idx.msk [tilespmem:v30+s7+$0x0], $0xffff  }
0x27e: {  	[tilespmem:s22+$0x110] =	vst v63;
	v28 =	vadd.f32 v28, v59;
	v33 =	vld.idx.msk [tilespmem:v45+s7+$0x0], $0xffff  }
0x27f: {  	[tilespmem:s28+$0xFFFFFE40] =	vst v35;
	v34 =	vadd.f32 v34, v61;
	v56 =	vadd.s32 $0x4, v45;
	v42 =	vld.idx.msk [tilespmem:v62+s7+$0x0], $0xffff;
	v62 =	vmul.f32 v55, v6  }
0x280: {  	v50 =	vmul.f32 v55, v4;
	[tilespmem:s28+$0xFFFFFF40] =	vst v28;
	v58 =	vadd.s32 $0x5, v45;
	v24 =	vld.idx.msk [tilespmem:v49+s7+$0x0], $0xffff  }
0x281: {  	[tilespmem:s28+$0xFFFFFFC0] =	vst v34;
	v40 =	vld.idx.msk [tilespmem:v51+s7+$0x0], $0xffff;
	v51 =	vmul.f32 v55, v3;
	v27 =	vadd.f32 v27, v62  }
0x282: {  	v63 =	vadd.s32 $0x1, v41;
	[tilespmem:s28+$0xC0] =	vst v36;
	v26 =	vadd.f32 v26, v50;
	v25 =	vld.idx.msk [tilespmem:v25+s7+$0x0], $0xffff  }
0x283: {  	v60 =	vadd.s32 $0x6, v45;
	v52 =	vadd.f32 v54, v51;
	[tilespmem:s28+$0x40] =	vst v27;
	v27 =	vld [tilespmem:s26+$0xFFFFFF90]  }
0x284: {  	v37 =	vmul.f32 v32, v2;
	[tilespmem:s28+$0x140] =	vst v26;
	v49 =	vadd.s32 $0x2, v41;
	v43 =	vld.idx.msk [tilespmem:v56+s7+$0x0], $0xffff  }
0x285: {  	v23 =	vmul.f32 v32, v9;
	v29 =	vmul.f32 v32, v8;
	v28 =	vld.idx.msk [tilespmem:v58+s7+$0x0], $0xffff;
	[tilespmem:s28+$0x1C0] =	vst v52  }
0x286: {  	[tilespmem:s21+$0xF0] =	vst v16;
	v22 =	vmul.f32 v32, v7;
	v26 =	vadd.s32 $0x7, v41;
	v55 =	vmul.f32 v32, v3;
	v34 =	vld [tilespmem:s25+$0xFFFFFFE0]  }
0x287: {  	[tilespmem:s22+$0x90] =	vst v39;
	v53 =	vadd.s32 $0x6, v41;
	v46 =	vmul.f32 v32, v5;
	v47 =	vmul.f32 v32, v4;
	v54 =	vld.idx.msk [tilespmem:v63+s7+$0x0], $0xffff  }
0x288: {  	v39 =	vld.idx.msk [tilespmem:v60+s7+$0x0], $0xffff;
	v20 =	vadd.f32 v42, v55;
	v42 =	vmul.f32 v27, v2;
	v57 =	vmul.f32 v27, v9  }
0x289: {  	[tilespmem:s21+$0xFFFFFF70] =	vst v19;
	v56 =	vld.idx.msk [tilespmem:v49+s7+$0x0], $0xffff;
	v58 =	vmul.f32 v27, v8;
	v59 =	vmul.f32 v27, v7  }
0x28a: {  	v41 =	vld.idx.msk [tilespmem:v41+s7+$0x0], $0xffff;
	v23 =	vadd.f32 v24, v23;
	v60 =	vmul.f32 v27, v6;
	v62 =	vmul.f32 v27, v5  }
0x28b: {  	[tilespmem:s21+$0xFFFFFEF0] =	vst v13;
	v61 =	vld.idx.msk [tilespmem:v26+s7+$0x0], $0xffff;
	v14 =	vmul.f32 v27, v4;
	v55 =	vmul.f32 v27, v3;
	v26 =	vshll.u32 v34, $0x6  }
0x28c: {  	v24 =	vld.idx.msk [tilespmem:v53+s7+$0x0], $0xffff;
	v27 =	vadd.f32 v37, v33;
	v1 =	vadd.f32 v54, v57;
	v54 =	vadd.s32 v26, v10  }
0x28d: {  	[tilespmem:s21+$0xFFFFFFF0] =	vst v18;
	v45 =	vmul.f32 v32, v6;
	v32 =	vadd.f32 v25, v22;
	v22 =	vld [tilespmem:s30+$0xFFFFFFC0];
	v57 =	vadd.s32 $0x1, v54  }
0x28e: {  	v63 =	vadd.f32 v56, v58;
	v56 =	vld [tilespmem:s24+$0xFFFFFFB0];
	v21 =	vadd.f32 v31, v59;
	[tilespmem:s22+$0xFFFFFE70] =	vst v27;
	v31 =	vadd.s32 $0x2, v54  }
0x28f: {  	v26 =	vadd.f32 v40, v29;
	v29 =	vld [tilespmem:s23+$0xFFFFFFB0];
	v25 =	vadd.s32 $0x3, v54;
	[tilespmem:s28+$0xFFFFFE80] =	vst v1  }
0x290: {  	v13 =	vadd.f32 v15, v60;
	v58 =	vadd.s32 $0x4, v54;
	v1 =	vadd.f32 v30, v62;
	v30 =	vld [tilespmem:s26+$0xFFFFFFE0];
	[tilespmem:s28+$0xFFFFFF00] =	vst v63  }
0x291: {  	v36 =	vadd.f32 v28, v46;
	v38 =	vadd.f32 v39, v47;
	v59 =	vadd.s32 $0x5, v54;
	[tilespmem:s28+$0xFFFFFF80] =	vst v21;
	v28 =	vld.idx.msk [tilespmem:v54+s7+$0x0], $0xffff  }
0x292: {  	v34 =	vadd.f32 v43, v45;
	v60 =	vadd.s32 $0x6, v54;
	v21 =	vadd.f32 v24, v14;
	[tilespmem:s28+$0x0] =	vst v13;
	v24 =	vld.idx.msk [tilespmem:v57+s7+$0x0], $0xffff  }
0x293: {  	v27 =	vmul.f32 v48, v4;
	v13 =	vadd.f32 v61, v55;
	v61 =	vadd.s32 $0x7, v54;
	[tilespmem:s28+$0x80] =	vst v1;
	v31 =	vld.idx.msk [tilespmem:v31+s7+$0x0], $0xffff  }
0x294: {  	v62 =	vadd.f32 v42, v41;
	[tilespmem:s28+$0x100] =	vst v21;
	v14 =	vshll.u32 v56, $0x6;
	v44 =	vmul.f32 v29, v9;
	v25 =	vld.idx.msk [tilespmem:v25+s7+$0x0], $0xffff  }
0x295: {  	v47 =	vmul.f32 v29, v8;
	v15 =	vadd.s32 v14, v10;
	v40 =	vld.idx.msk [tilespmem:v58+s7+$0x0], $0xffff;
	v52 =	vmul.f32 v30, v2  }
0x296: {  	[tilespmem:s28+$0x180] =	vst v13;
	v42 =	vmul.f32 v29, v7;
	v39 =	vld.idx.msk [tilespmem:v59+s7+$0x0], $0xffff;
	v53 =	vadd.s32 $0x4, v15;
	v54 =	vmul.f32 v30, v9  }
0x297: {  	[tilespmem:s28+$0xFFFFFE00] =	vst v62;
	v13 =	vld.idx.msk [tilespmem:v60+s7+$0x0], $0xffff;
	v55 =	vadd.s32 $0x5, v15;
	v56 =	vmul.f32 v30, v8;
	v28 =	vadd.f32 v52, v28  }
0x298: {  	[tilespmem:s21+$0x70] =	vst v17;
	v59 =	vld [tilespmem:s25+$0xFFFFFFA0];
	v57 =	vadd.s32 $0x6, v15;
	v58 =	vmul.f32 v30, v7;
	v24 =	vadd.f32 v24, v54  }
0x299: {  	v21 =	vadd.s32 $0x3, v15;
	v35 =	vld.idx.msk [tilespmem:v61+s7+$0x0], $0xffff;
	v60 =	vmul.f32 v30, v6;
	v31 =	vadd.f32 v31, v56;
	[tilespmem:s28+$0xFFFFFE50] =	vst v28  }
0x29a: {  	v61 =	vmul.f32 v30, v4;
	v62 =	vadd.s32 $0x7, v15;
	v25 =	vadd.f32 v25, v58;
	[tilespmem:s28+$0xFFFFFED0] =	vst v24  }
0x29b: {  	v63 =	vadd.s32 $0x2, v15;
	v33 =	vadd.f32 v40, v60;
	v28 =	vmul.f32 v30, v5;
	v40 =	vld.idx.msk [tilespmem:v53+s7+$0x0], $0xffff;
	[tilespmem:s28+$0xFFFFFF50] =	vst v31  }
0x29c: {  	v22 =	vshll.u32 v22, $0x6;
	v30 =	vmul.f32 v30, v3;
	v45 =	vld.idx.msk [tilespmem:v55+s7+$0x0], $0xffff;
	[tilespmem:s28+$0xFFFFFFD0] =	vst v25;
	v31 =	vadd.f32 v13, v61  }
0x29d: {  	v41 =	vmul.f32 v29, v4;
	v1 =	vadd.s32 $0x1, v15;
	v52 =	vld.idx.msk [tilespmem:v57+s7+$0x0], $0xffff;
	[tilespmem:s28+$0x50] =	vst v33;
	v28 =	vadd.f32 v39, v28  }
0x29e: {  	v13 =	vadd.s32 v22, v10;
	v33 =	vld.idx.msk [tilespmem:v21+s7+$0x0], $0xffff;
	v21 =	vshll.u32 v59, $0x6;
	v22 =	vadd.f32 v35, v30;
	[tilespmem:s28+$0x150] =	vst v31  }
0x29f: {  	v46 =	vmul.f32 v29, v3;
	v49 =	vld.idx.msk [tilespmem:v62+s7+$0x0], $0xffff;
	v43 =	vadd.s32 v21, v10;
	[tilespmem:s28+$0xD0] =	vst v28  }
0x2a0: {  	v14 =	vmul.f32 v29, v2;
	v25 =	vld.idx.msk [tilespmem:v63+s7+$0x0], $0xffff;
	v39 =	vmul.f32 v29, v6;
	v63 =	vadd.s32 $0x1, v43;
	[tilespmem:s28+$0x1D0] =	vst v22  }
0x2a1: {  	[tilespmem:s21+$0x170] =	vst v12;
	v35 =	vmul.f32 v29, v5;
	v29 =	vadd.s32 $0x2, v13;
	v19 =	vadd.s32 $0x2, v43;
	v22 =	vld [tilespmem:s25+$0xFFFFFFF0]  }
0x2a2: {  	[tilespmem:s22+$0x1F0] =	vst v20;
	v24 =	vld [tilespmem:s26+$0xFFFFFFA0];
	v30 =	vadd.s32 $0x4, v13;
	v21 =	vadd.s32 $0x5, v13;
	v51 =	vadd.s32 $0x3, v43  }
0x2a3: {  	[tilespmem:s22+$0xFFFFFFF0] =	vst v32;
	v1 =	vld.idx.msk [tilespmem:v1+s7+$0x0], $0xffff;
	v18 =	vadd.s32 $0x6, v13;
	v31 =	vadd.s32 $0x3, v13;
	v17 =	vadd.s32 $0x4, v43  }
0x2a4: {  	[tilespmem:s22+$0xFFFFFF70] =	vst v26;
	v54 =	vadd.s32 $0x5, v43;
	v12 =	vadd.s32 $0x6, v43;
	v28 =	vadd.s32 $0x1, v13;
	v55 =	vld.idx.msk [tilespmem:v43+s7+$0x0], $0xffff  }
0x2a5: {  	v20 =	vadd.f32 v40, v39;
	v26 =	vadd.f32 v45, v35;
	v35 =	vmul.f32 v48, v9;
	v50 =	vld.idx.msk [tilespmem:v63+s7+$0x0], $0xffff  }
0x2a6: {  	[tilespmem:s22+$0x70] =	vst v34;
	v32 =	vadd.f32 v52, v41;
	v34 =	vadd.f32 v49, v46;
	v60 =	vld.idx.msk [tilespmem:v19+s7+$0x0], $0xffff;
	v11 =	vshll.u32 v22, $0x6  }
0x2a7: {  	v16 =	vmul.f32 v24, v2;
	v53 =	vmul.f32 v24, v9;
	v51 =	vld.idx.msk [tilespmem:v51+s7+$0x0], $0xffff;
	v61 =	vadd.s32 v11, v10  }
0x2a8: {  	v56 =	vmul.f32 v24, v8;
	v57 =	vmul.f32 v24, v7;
	v62 =	vld.idx.msk [tilespmem:v17+s7+$0x0], $0xffff;
	v19 =	vadd.s32 $0x1, v61  }
0x2a9: {  	[tilespmem:s22+$0xFFFFFEF0] =	vst v23;
	v58 =	vmul.f32 v24, v6;
	v59 =	vmul.f32 v24, v5;
	v39 =	vld.idx.msk [tilespmem:v54+s7+$0x0], $0xffff;
	v23 =	vadd.s32 $0x2, v61  }
0x2aa: {  	v37 =	vmul.f32 v24, v3;
	v40 =	vld.idx.msk [tilespmem:v12+s7+$0x0], $0xffff;
	v17 =	vmul.f32 v48, v7;
	v12 =	vadd.s32 $0x3, v61  }
0x2ab: {  	v22 =	vadd.f32 v1, v44;
	v1 =	vmul.f32 v24, v4;
	v44 =	vld [tilespmem:s26+$0xFFFFFFF0];
	v45 =	vadd.s32 $0x4, v61  }
0x2ac: {  	v24 =	vadd.f32 v25, v47;
	v25 =	vadd.f32 v33, v42;
	v49 =	vadd.s32 $0x5, v61;
	v52 =	vld.idx.msk [tilespmem:v61+s7+$0x0], $0xffff  }
0x2ad: {  	[tilespmem:s22+$0xF0] =	vst v36;
	v33 =	vmul.f32 v48, v8;
	v36 =	vadd.f32 v16, v55;
	v54 =	vadd.s32 $0x6, v61;
	v16 =	vld.idx.msk [tilespmem:v19+s7+$0x0], $0xffff  }
0x2ae: {  	v11 =	vmul.f32 v48, v2;
	v41 =	vadd.f32 v50, v53;
	v50 =	vadd.s32 $0x7, v61;
	v55 =	vld.idx.msk [tilespmem:v23+s7+$0x0], $0xffff  }
0x2af: {  	[tilespmem:s22+$0x170] =	vst v38;
	v42 =	vadd.f32 v51, v57;
	v38 =	vadd.f32 v62, v58;
	v61 =	vadd.s32 $0x7, v43;
	v46 =	vld.idx.msk [tilespmem:v12+s7+$0x0], $0xffff  }
0x2b0: {  	v39 =	vadd.f32 v39, v59;
	v57 =	vmul.f32 v44, v2;
	v63 =	vmul.f32 v44, v8;
	v47 =	vld.idx.msk [tilespmem:v45+s7+$0x0], $0xffff  }
0x2b1: {  	v43 =	vadd.f32 v60, v56;
	v60 =	vmul.f32 v44, v9;
	v19 =	vmul.f32 v48, v6;
	v49 =	vld.idx.msk [tilespmem:v49+s7+$0x0], $0xffff  }
0x2b2: {  	v23 =	vmul.f32 v48, v5;
	v12 =	vmul.f32 v48, v3;
	v48 =	vld.idx.msk [tilespmem:v54+s7+$0x0], $0xffff;
	v62 =	vadd.f32 v57, v52  }
0x2b3: {  	s5 =	simm.s32 $0xDF70;
	v40 =	vadd.f32 v40, v1;
	v53 =	vmul.f32 v44, v7;
	v50 =	vld.idx.msk [tilespmem:v50+s7+$0x0], $0xffff;
	v51 =	vadd.f32 v16, v60  }
0x2b4: {  	s0 =	simm.s32 $0x4;
	s29 =	simm.s32 $0x13F80;
	s30 =	simm.s32 $0xEEF0;
	v54 =	vmul.f32 v44, v6;
	v45 =	vld.idx.msk [tilespmem:v61+s7+$0x0], $0xffff;
	v16 =	vadd.s32 $0x7, v13;
	v52 =	vadd.f32 v55, v63;
	[tilespmem:s28+$0xFFFFFE60] =	vst v62  }
.LBB2_7:
0x2b5: {  	v1 =	vld [tilespmem:s5+$0xFFFFFFD0];
	v46 =	vadd.f32 v46, v53;
	v53 =	vmul.f32 v44, v5;
	[tilespmem:s28+$0xFFFFFEE0] =	vst v51  }
0x2b6: {  	v51 =	vld [tilespmem:s5+$0xFFFFFF90];
	v47 =	vadd.f32 v47, v54;
	v54 =	vmul.f32 v44, v4;
	[tilespmem:s28+$0xFFFFFF60] =	vst v52  }
0x2b7: {  	v44 =	vmul.f32 v44, v3;
	v49 =	vadd.f32 v49, v53;
	[tilespmem:s28+$0xFFFFFFE0] =	vst v46;
	v46 =	vld.idx.msk [tilespmem:v15+s7+$0x0], $0xffff  }
0x2b8: {  	v15 =	vadd.f32 v48, v54;
	[tilespmem:s28+$0x60] =	vst v47;
	v28 =	vld.idx.msk [tilespmem:v28+s7+$0x0], $0xffff  }
0x2b9: {  	v44 =	vadd.f32 v50, v44;
	[tilespmem:s28+$0xE0] =	vst v49;
	v47 =	vld.idx.msk [tilespmem:v29+s7+$0x0], $0xffff  }
0x2ba: {  	v37 =	vadd.f32 v45, v37;
	v1 =	vshll.u32 v1, $0x6;
	[tilespmem:s28+$0x160] =	vst v15;
	v31 =	vld.idx.msk [tilespmem:v31+s7+$0x0], $0xffff  }
0x2bb: {  	v15 =	vshll.u32 v51, $0x6;
	v1 =	vadd.s32 v1, v10;
	[tilespmem:s28+$0x1E0] =	vst v44;
	v30 =	vld.idx.msk [tilespmem:v30+s7+$0x0], $0xffff  }
0x2bc: {  	v15 =	vadd.s32 v15, v10;
	v29 =	vadd.s32 $0x1, v1;
	[tilespmem:s28+$0xFFFFFE90] =	vst v41;
	v41 =	vld [tilespmem:s25+$0x0]  }
0x2bd: {  	v48 =	vadd.s32 $0x2, v1;
	v44 =	vadd.s32 $0x1, v15;
	v45 =	vadd.s32 $0x2, v15;
	[tilespmem:s28+$0xFFFFFF10] =	vst v43;
	v43 =	vld.idx.msk [tilespmem:v21+s7+$0x0], $0xffff  }
0x2be: {  	s26 =	sadd.s32 $0x80, s26;
	v49 =	vadd.s32 $0x3, v15;
	v50 =	vadd.s32 $0x4, v15;
	v21 =	vadd.s32 $0x3, v1;
	[tilespmem:s28+$0xFFFFFF90] =	vst v42;
	v42 =	vld.idx.msk [tilespmem:v18+s7+$0x0], $0xffff  }
0x2bf: {  	v54 =	vadd.s32 $0x4, v1;
	v51 =	vadd.s32 $0x5, v15;
	v52 =	vadd.s32 $0x6, v15;
	v53 =	vld [tilespmem:s26+$0xFFFFFFD0];
	[tilespmem:s28+$0x10] =	vst v38  }
0x2c0: {  	v56 =	vadd.s32 $0x5, v1;
	v14 =	vadd.f32 v14, v46;
	v38 =	vadd.s32 $0x7, v15;
	v55 =	vld.idx.msk [tilespmem:v1+s7+$0x0], $0xffff;
	[tilespmem:s28+$0x90] =	vst v39  }
0x2c1: {  	v46 =	vadd.s32 $0x6, v1;
	v39 =	vld.idx.msk [tilespmem:v29+s7+$0x0], $0xffff;
	[tilespmem:s28+$0x110] =	vst v40;
	v18 =	vshll.u32 v41, $0x6;
	v29 =	vadd.f32 v28, v35  }
0x2c2: {  	v28 =	vadd.f32 v47, v33;
	v35 =	vld.idx.msk [tilespmem:v48+s7+$0x0], $0xffff;
	[tilespmem:s28+$0x190] =	vst v37;
	v37 =	vadd.s32 v18, v10  }
0x2c3: {  	v18 =	vadd.f32 v30, v19;
	v33 =	vld.idx.msk [tilespmem:v21+s7+$0x0], $0xffff;
	[tilespmem:s28+$0xFFFFFE10] =	vst v36;
	v36 =	vadd.s32 $0x7, v37;
	v21 =	vadd.f32 v31, v17  }
0x2c4: {  	v1 =	vadd.s32 $0x7, v1;
	v19 =	vadd.f32 v43, v23;
	v17 =	vadd.f32 v42, v27;
	v30 =	vld.idx.msk [tilespmem:v54+s7+$0x0], $0xffff;
	[tilespmem:s22+$0xFFFFFEA0] =	vst v22  }
0x2c5: {  	v22 =	vld.idx.msk [tilespmem:v56+s7+$0x0], $0xffff;
	[tilespmem:s22+$0xFFFFFF20] =	vst v24  }
0x2c6: {  	v24 =	vadd.s32 $0x1, v37;
	v23 =	vld.idx.msk [tilespmem:v46+s7+$0x0], $0xffff;
	[tilespmem:s22+$0xFFFFFFA0] =	vst v25  }
0x2c7: {  	v27 =	vadd.s32 $0x2, v37;
	v25 =	vld [tilespmem:s30+$0x0];
	[tilespmem:s22+$0x20] =	vst v20  }
0x2c8: {  	v20 =	vadd.s32 $0x3, v37;
	v31 =	vld.idx.msk [tilespmem:v36+s7+$0x0], $0xffff;
	[tilespmem:s22+$0xA0] =	vst v26  }
0x2c9: {  	v26 =	vadd.s32 $0x4, v37;
	v1 =	vld.idx.msk [tilespmem:v1+s7+$0x0], $0xffff;
	[tilespmem:s22+$0x120] =	vst v32  }
0x2ca: {  	v36 =	vadd.s32 $0x5, v37;
	v32 =	vmul.f32 v53, v2;
	v40 =	vld.idx.msk [tilespmem:v37+s7+$0x0], $0xffff;
	[tilespmem:s22+$0x1A0] =	vst v34  }
0x2cb: {  	v34 =	vmul.f32 v53, v9;
	v37 =	vadd.s32 $0x6, v37;
	v24 =	vld.idx.msk [tilespmem:v24+s7+$0x0], $0xffff;
	[tilespmem:s22+$0xFFFFFE20] =	vst v14  }
0x2cc: {  	v14 =	vadd.f32 v32, v55;
	v27 =	vld.idx.msk [tilespmem:v27+s7+$0x0], $0xffff;
	v41 =	vmul.f32 v25, v2;
	v32 =	vmul.f32 v25, v3  }
0x2cd: {  	s28 =	sadd.s32 $0x400, s28;
	v34 =	vadd.f32 v39, v34;
	v39 =	vmul.f32 v53, v8;
	v42 =	vmul.f32 v25, v9;
	v20 =	vld.idx.msk [tilespmem:v20+s7+$0x0], $0xffff  }
0x2ce: {  	s0 =	sadd.s32 $0x2, s0;
	v43 =	vmul.f32 v53, v7;
	[tilespmem:s28+$0xFFFFFE40] =	vst v14;
	v14 =	vld.idx.msk [tilespmem:v26+s7+$0x0], $0xffff;
	v26 =	vadd.f32 v31, v32  }
0x2cf: {  	p0 =	slt.u32 s0, $0x1E;
	v31 =	vadd.f32 v35, v39;
	v32 =	vmul.f32 v53, v6;
	[tilespmem:s28+$0xFFFFFEC0] =	vst v34;
	v35 =	vld.idx.msk [tilespmem:v36+s7+$0x0], $0xffff  }
0x2d0: {  	v33 =	vadd.f32 v33, v43;
	v34 =	vmul.f32 v53, v5;
	v37 =	vld.idx.msk [tilespmem:v37+s7+$0x0], $0xffff;
	[tilespmem:s29+$0x1F0] =	vst v26  }
0x2d1: {  	v30 =	vadd.f32 v30, v32;
	v32 =	vmul.f32 v53, v4;
	v26 =	vld [tilespmem:s26+$0xFFFFFF90];
	[tilespmem:s28+$0xFFFFFF40] =	vst v31;
	v31 =	vmul.f32 v25, v8  }
0x2d2: {  	v22 =	vadd.f32 v22, v34;
	v34 =	vmul.f32 v53, v3;
	v36 =	vld.idx.msk [tilespmem:v44+s7+$0x0], $0xffff;
	[tilespmem:s28+$0xFFFFFFC0] =	vst v33  }
0x2d3: {  	v23 =	vadd.f32 v23, v32;
	v33 =	vld.idx.msk [tilespmem:v45+s7+$0x0], $0xffff;
	[tilespmem:s28+$0x40] =	vst v30;
	v30 =	vmul.f32 v25, v7  }
0x2d4: {  	v1 =	vadd.f32 v1, v34;
	v32 =	vld.idx.msk [tilespmem:v49+s7+$0x0], $0xffff;
	[tilespmem:s28+$0xC0] =	vst v22;
	v22 =	vmul.f32 v25, v6  }
0x2d5: {  	v34 =	vld.idx.msk [tilespmem:v50+s7+$0x0], $0xffff;
	[tilespmem:s28+$0x140] =	vst v23;
	v23 =	vmul.f32 v25, v5;
	v25 =	vmul.f32 v25, v4  }
0x2d6: {  	v39 =	vld.idx.msk [tilespmem:v51+s7+$0x0], $0xffff;
	v43 =	vmul.f32 v26, v2;
	v44 =	vmul.f32 v26, v9;
	[tilespmem:s28+$0x1C0] =	vst v1  }
0x2d7: {  	v24 =	vadd.f32 v24, v42;
	v1 =	vmul.f32 v26, v8;
	v45 =	vmul.f32 v26, v7;
	v46 =	vld [tilespmem:s5+$0xFFFFFFE0]  }
0x2d8: {  	v47 =	vmul.f32 v26, v5;
	v42 =	vld.idx.msk [tilespmem:v52+s7+$0x0], $0xffff;
	v36 =	vadd.f32 v36, v44;
	v44 =	vmul.f32 v26, v6  }
0x2d9: {  	v49 =	vmul.f32 v26, v3;
	v1 =	vadd.f32 v33, v1;
	v33 =	vmul.f32 v26, v4;
	v48 =	vld.idx.msk [tilespmem:v38+s7+$0x0], $0xffff  }
0x2da: {  	v26 =	vadd.f32 v27, v31;
	v38 =	vadd.f32 v32, v45;
	v15 =	vld.idx.msk [tilespmem:v15+s7+$0x0], $0xffff;
	[tilespmem:s28+$0xFFFFFE80] =	vst v36  }
0x2db: {  	v32 =	vadd.f32 v20, v30;
	v27 =	vadd.f32 v34, v44;
	[tilespmem:s28+$0xFFFFFF00] =	vst v1;
	v1 =	vld [tilespmem:s25+$0xFFFFFFB0]  }
0x2dc: {  	v34 =	vadd.f32 v14, v22;
	v20 =	vadd.f32 v39, v47;
	[tilespmem:s28+$0xFFFFFF80] =	vst v38;
	v30 =	vshll.u32 v46, $0x6;
	v31 =	vld [tilespmem:s30+$0xFFFFFFB0]  }
0x2dd: {  	v36 =	vadd.f32 v35, v23;
	v23 =	vadd.f32 v37, v25;
	[tilespmem:s28+$0x0] =	vst v27;
	v22 =	vadd.s32 v30, v10;
	v25 =	vld [tilespmem:s24+$0xFFFFFFC0];
	s24 =	smov.u32 s25;
	s25 =	smov.u32 s5  }
0x2de: {  	v14 =	vadd.f32 v42, v33;
	v27 =	vadd.f32 v41, v40;
	[tilespmem:s28+$0x80] =	vst v20;
	v20 =	vadd.s32 $0x1, v22;
	v38 =	vld [tilespmem:s23+$0xFFFFFFC0];
	s23 =	smov.u32 s30;
	s30 =	smov.u32 s26  }
0x2df: {  	v30 =	vadd.f32 v48, v49;
	v33 =	vadd.s32 $0x2, v22;
	[tilespmem:s29+$0xFFFFFEF0] =	vst v24;
	v39 =	vld.idx.msk [tilespmem:v16+s7+$0x0], $0xffff  }
0x2e0: {  	v16 =	vadd.f32 v43, v15;
	v24 =	vadd.s32 $0x3, v22;
	[tilespmem:s28+$0x100] =	vst v14;
	v1 =	vshll.u32 v1, $0x6;
	v40 =	vld.idx.msk [tilespmem:v13+s7+$0x0], $0xffff  }
0x2e1: {  	v13 =	vadd.s32 $0x4, v22;
	[tilespmem:s28+$0x180] =	vst v30;
	v30 =	vld [tilespmem:s26+$0xFFFFFFE0];
	v15 =	vadd.s32 v1, v10;
	v14 =	vmul.f32 v31, v2  }
0x2e2: {  	[tilespmem:s28+$0xFFFFFE00] =	vst v16;
	v1 =	vld.idx.msk [tilespmem:v22+s7+$0x0], $0xffff;
	v16 =	vadd.s32 $0x5, v22;
	v35 =	vadd.s32 $0x1, v15;
	v37 =	vadd.s32 $0x2, v15  }
0x2e3: {  	v41 =	vadd.s32 $0x6, v22;
	v42 =	vadd.s32 $0x3, v15;
	v43 =	vadd.s32 $0x4, v15;
	v20 =	vld.idx.msk [tilespmem:v20+s7+$0x0], $0xffff;
	[tilespmem:s21+$0xFFFFFEB0] =	vst v29  }
0x2e4: {  	v22 =	vadd.s32 $0x7, v22;
	v44 =	vadd.s32 $0x6, v15;
	v29 =	vld.idx.msk [tilespmem:v33+s7+$0x0], $0xffff;
	v33 =	vadd.s32 $0x5, v15;
	[tilespmem:s21+$0xFFFFFF30] =	vst v28  }
0x2e5: {  	v46 =	vmul.f32 v31, v9;
	v47 =	vmul.f32 v31, v8;
	v45 =	vadd.s32 $0x7, v15;
	v24 =	vld.idx.msk [tilespmem:v24+s7+$0x0], $0xffff;
	[tilespmem:s21+$0xFFFFFFB0] =	vst v21  }
0x2e6: {  	v48 =	vmul.f32 v31, v7;
	v21 =	vld.idx.msk [tilespmem:v13+s7+$0x0], $0xffff;
	v28 =	vmul.f32 v30, v2;
	v13 =	vshll.u32 v25, $0x6;
	[tilespmem:s21+$0x30] =	vst v18  }
0x2e7: {  	v49 =	vmul.f32 v31, v6;
	v18 =	vmul.f32 v30, v9;
	v16 =	vld.idx.msk [tilespmem:v16+s7+$0x0], $0xffff;
	v13 =	vadd.s32 v13, v10  }
0x2e8: {  	v25 =	vld.idx.msk [tilespmem:v41+s7+$0x0], $0xffff;
	v1 =	vadd.f32 v28, v1;
	v28 =	vmul.f32 v30, v8;
	v41 =	vmul.f32 v31, v5  }
0x2e9: {  	v50 =	vmul.f32 v31, v4;
	v18 =	vadd.f32 v20, v18;
	v20 =	vmul.f32 v30, v7;
	v22 =	vld.idx.msk [tilespmem:v22+s7+$0x0], $0xffff  }
0x2ea: {  	v52 =	vmul.f32 v30, v6;
	v51 =	vld [tilespmem:s5+$0xFFFFFFA0];
	v29 =	vadd.f32 v29, v28;
	[tilespmem:s28+$0xFFFFFE50] =	vst v1;
	v1 =	vmul.f32 v31, v3  }
0x2eb: {  	v20 =	vadd.f32 v24, v20;
	v24 =	vmul.f32 v30, v5;
	v28 =	vadd.s32 $0x1, v13;
	v53 =	vld [tilespmem:s26+$0xFFFFFFA0];
	[tilespmem:s28+$0xFFFFFED0] =	vst v18  }
0x2ec: {  	v18 =	vadd.f32 v21, v52;
	v21 =	vmul.f32 v30, v4;
	[tilespmem:s28+$0xFFFFFF50] =	vst v29;
	v35 =	vld.idx.msk [tilespmem:v35+s7+$0x0], $0xffff;
	v29 =	vadd.s32 $0x2, v13  }
0x2ed: {  	v31 =	vadd.s32 $0x3, v13;
	v16 =	vadd.f32 v16, v24;
	v24 =	vmul.f32 v30, v3;
	[tilespmem:s28+$0xFFFFFFD0] =	vst v20;
	v20 =	vld.idx.msk [tilespmem:v37+s7+$0x0], $0xffff  }
0x2ee: {  	v30 =	vadd.s32 $0x4, v13;
	v25 =	vadd.f32 v25, v21;
	v21 =	vadd.s32 $0x5, v13;
	[tilespmem:s28+$0x50] =	vst v18;
	v42 =	vld.idx.msk [tilespmem:v42+s7+$0x0], $0xffff  }
0x2ef: {  	v22 =	vadd.f32 v22, v24;
	v18 =	vadd.s32 $0x6, v13;
	v37 =	vshll.u32 v51, $0x6;
	[tilespmem:s28+$0xD0] =	vst v16;
	v16 =	vld.idx.msk [tilespmem:v43+s7+$0x0], $0xffff  }
0x2f0: {  	v24 =	vadd.s32 v37, v10;
	v43 =	vmul.f32 v53, v2;
	v51 =	vmul.f32 v53, v9;
	[tilespmem:s28+$0x150] =	vst v25  }
0x2f1: {  	v25 =	vadd.s32 $0x1, v24;
	v52 =	vadd.s32 $0x2, v24;
	v54 =	vadd.s32 $0x3, v24;
	[tilespmem:s28+$0x1D0] =	vst v22;
	v33 =	vld.idx.msk [tilespmem:v33+s7+$0x0], $0xffff  }
0x2f2: {  	v55 =	vadd.s32 $0x4, v24;
	v56 =	vadd.s32 $0x5, v24;
	v57 =	vadd.s32 $0x6, v24;
	v58 =	vld [tilespmem:s5+$0xFFFFFFF0];
	[tilespmem:s21+$0xB0] =	vst v19  }
0x2f3: {  	v60 =	vmul.f32 v53, v8;
	v61 =	vmul.f32 v53, v7;
	v59 =	vadd.s32 $0x7, v24;
	v19 =	vld.idx.msk [tilespmem:v44+s7+$0x0], $0xffff;
	[tilespmem:s21+$0x130] =	vst v17  }
0x2f4: {  	v62 =	vmul.f32 v53, v6;
	v63 =	vmul.f32 v53, v5;
	v22 =	vadd.f32 v35, v46;
	v44 =	vld.idx.msk [tilespmem:v45+s7+$0x0], $0xffff  }
0x2f5: {  	v0 =	vmul.f32 v53, v4;
	v37 =	vmul.f32 v53, v3;
	v45 =	vld.idx.msk [tilespmem:v24+s7+$0x0], $0xffff;
	v24 =	vadd.f32 v20, v47  }
0x2f6: {  	v20 =	vadd.f32 v16, v49;
	v16 =	vadd.s32 $0x7, v13;
	v46 =	vld.idx.msk [tilespmem:v25+s7+$0x0], $0xffff;
	v25 =	vadd.f32 v42, v48;
	[tilespmem:s29+$0xFFFFFF70] =	vst v26  }
0x2f7: {  	v47 =	vmul.f32 v38, v2;
	v26 =	vadd.f32 v33, v41;
	v42 =	vld.idx.msk [tilespmem:v52+s7+$0x0], $0xffff;
	v17 =	vshll.u32 v58, $0x6;
	[tilespmem:s29+$0xFFFFFFF0] =	vst v32  }
0x2f8: {  	v35 =	vmul.f32 v38, v9;
	v33 =	vmul.f32 v38, v8;
	v48 =	vld.idx.msk [tilespmem:v54+s7+$0x0], $0xffff;
	v49 =	vadd.s32 v17, v10  }
0x2f9: {  	v32 =	vadd.f32 v19, v50;
	v17 =	vmul.f32 v38, v7;
	v52 =	vld.idx.msk [tilespmem:v55+s7+$0x0], $0xffff;
	v53 =	vadd.s32 $0x1, v49;
	[tilespmem:s29+$0x70] =	vst v34  }
0x2fa: {  	v19 =	vmul.f32 v38, v6;
	v54 =	vadd.s32 $0x2, v49;
	v34 =	vadd.f32 v44, v1;
	v50 =	vld.idx.msk [tilespmem:v56+s7+$0x0], $0xffff;
	[tilespmem:s29+$0xF0] =	vst v36  }
0x2fb: {  	v36 =	vadd.f32 v43, v45;
	v45 =	vadd.s32 $0x3, v49;
	v1 =	vld.idx.msk [tilespmem:v57+s7+$0x0], $0xffff;
	[tilespmem:s29+$0x170] =	vst v23;
	v23 =	vmul.f32 v38, v5  }
0x2fc: {  	v41 =	vadd.f32 v46, v51;
	v51 =	vadd.s32 $0x4, v49;
	v44 =	vld [tilespmem:s26+$0xFFFFFFF0];
	[tilespmem:s29+$0xFFFFFE70] =	vst v27;
	v27 =	vmul.f32 v38, v4  }
0x2fd: {  	v56 =	vadd.s32 $0x5, v49;
	v57 =	vmul.f32 v38, v3;
	v43 =	vadd.f32 v42, v60;
	v55 =	vld.idx.msk [tilespmem:v49+s7+$0x0], $0xffff  }
0x2fe: {  	v58 =	vadd.f32 v39, v12;
	v42 =	vadd.f32 v48, v61;
	v48 =	vadd.s32 $0x6, v49;
	v53 =	vld.idx.msk [tilespmem:v53+s7+$0x0], $0xffff  }
0x2ff: {  	v38 =	vadd.f32 v52, v62;
	v52 =	vld.idx.msk [tilespmem:v54+s7+$0x0], $0xffff;
	v54 =	vadd.s32 $0x7, v49;
	v49 =	vadd.f32 v11, v40;
	v11 =	vmovc v47  }
0x300: {  	v12 =	vmov v57;
	v39 =	vadd.f32 v50, v63;
	v46 =	vld.idx.msk [tilespmem:v45+s7+$0x0], $0xffff;
	[tilespmem:s21+$0x1B0] =	vst v58  }
.Ltmp2:
0x301: {  	v40 =	vadd.f32 v1, v0;
	v47 =	vld.idx.msk [tilespmem:v51+s7+$0x0], $0xffff;
	v0 =	vmul.f32 v44, v2;
	[tilespmem:s21+$0xFFFFFE30] =	vst v49;
	s21 =	smov.u32 s22;
	s22 =	smov.u32 s29;
	(pc) =	sbr.rel @p0 .LBB2_7-.Ltmp2, $4  }
0x302: {  	v1 =	vmul.f32 v44, v9;
	s29 =	smov.u32 s28;
	v49 =	vld.idx.msk [tilespmem:v56+s7+$0x0], $0xffff  }
0x303: {  	v48 =	vld.idx.msk [tilespmem:v48+s7+$0x0], $0xffff;
	v0 =	vadd.f32 v0, v55;
	v55 =	vmul.f32 v44, v8  }
0x304: {  	v51 =	vadd.f32 v53, v1;
	v53 =	vmul.f32 v44, v7;
	v50 =	vld.idx.msk [tilespmem:v54+s7+$0x0], $0xffff  }
0x305: {  	s5 =	sadd.s32 $0x80, s5;
	v54 =	vmul.f32 v44, v6;
	v45 =	vld.idx.msk [tilespmem:v59+s7+$0x0], $0xffff;
	v52 =	vadd.f32 v52, v55;
	[tilespmem:s28+$0xFFFFFE60] =	vst v0  }
0x306: {  	[tilespmem:s28+$0xFFFFFEE0] =	vst v51  }
0x307: {  	[tilespmem:s28+$0xFFFFFE90] =	vst v41  }
0x308: {  	[tilespmem:s28+$0xFFFFFF10] =	vst v43  }
0x309: {  	[tilespmem:s28+$0xFFFFFF90] =	vst v42  }
0x30a: {  	[tilespmem:s28+$0x10] =	vst v38  }
0x30b: {  	[tilespmem:s28+$0x90] =	vst v39  }
0x30c: {  	[tilespmem:s28+$0x110] =	vst v40  }
0x30d: {  	v0 =	vadd.f32 v46, v53;
	v1 =	vmul.f32 v44, v5;
	[tilespmem:s28+$0xFFFFFE10] =	vst v36  }
0x30e: {  	v63 =	vmul.f32 v44, v4;
	v62 =	vadd.f32 v47, v54;
	[tilespmem:s28+$0xFFFFFF60] =	vst v52  }
0x30f: {  	v1 =	vadd.f32 v49, v1;
	v49 =	vmul.f32 v44, v3;
	[tilespmem:s28+$0xFFFFFFE0] =	vst v0  }
0x310: {  	v51 =	vadd.f32 v48, v63;
	[tilespmem:s28+$0x60] =	vst v62  }
0x311: {  	v30 =	vld.idx.msk [tilespmem:v30+s7+$0x0], $0xffff;
	v44 =	vadd.f32 v50, v49;
	[tilespmem:s28+$0xE0] =	vst v1  }
0x312: {  	v21 =	vld.idx.msk [tilespmem:v21+s7+$0x0], $0xffff;
	[tilespmem:s28+$0x160] =	vst v51;
	v37 =	vadd.f32 v45, v37  }
0x313: {  	v18 =	vld.idx.msk [tilespmem:v18+s7+$0x0], $0xffff;
	[tilespmem:s28+$0x1E0] =	vst v44  }
0x314: {  	[tilespmem:s28+$0x190] =	vst v37;
	v0 =	vld [tilespmem:s25+$0x0]  }
0x315: {  	v41 =	vld [tilespmem:s25+$0xFFFFFFB0]  }
0x316: {  	v52 =	vld.idx.msk [tilespmem:v15+s7+$0x0], $0xffff;
	[tilespmem:s22+$0xFFFFFEA0] =	vst v22  }
0x317: {  	v16 =	vld.idx.msk [tilespmem:v16+s7+$0x0], $0xffff;
	[tilespmem:s22+$0xFFFFFF20] =	vst v24  }
0x318: {  	v13 =	vld.idx.msk [tilespmem:v13+s7+$0x0], $0xffff;
	[tilespmem:s22+$0xFFFFFFA0] =	vst v25  }
0x319: {  	v15 =	vld.idx.msk [tilespmem:v28+s7+$0x0], $0xffff;
	[tilespmem:s22+$0x20] =	vst v20;
	v0 =	vshll.u32 v0, $0x6  }
0x31a: {  	v28 =	vld.idx.msk [tilespmem:v29+s7+$0x0], $0xffff;
	[tilespmem:s22+$0xA0] =	vst v26;
	v60 =	vshll.u32 v41, $0x6;
	v0 =	vadd.s32 v0, v10  }
0x31b: {  	v29 =	vld.idx.msk [tilespmem:v31+s7+$0x0], $0xffff;
	[tilespmem:s22+$0x120] =	vst v32;
	v1 =	vadd.f32 v14, v52;
	v61 =	vadd.s32 v60, v10  }
0x31c: {  	[tilespmem:s22+$0x1A0] =	vst v34;
	v37 =	vld [tilespmem:s30+$0x0];
	v53 =	vadd.s32 $0x7, v0  }
0x31d: {  	[tilespmem:s22+$0xFFFFFE20] =	vst v1;
	v1 =	vld [tilespmem:s30+$0xFFFFFFB0];
	v54 =	vadd.s32 $0x1, v0  }
0x31e: {  	v38 =	vld [tilespmem:s24+$0xFFFFFFC0];
	v55 =	vadd.s32 $0x2, v0  }
0x31f: {  	v56 =	vadd.s32 $0x3, v0;
	v22 =	vld.idx.msk [tilespmem:v0+s7+$0x0], $0xffff  }
0x320: {  	v57 =	vadd.s32 $0x4, v0;
	v32 =	vld.idx.msk [tilespmem:v61+s7+$0x0], $0xffff  }
0x321: {  	v58 =	vadd.s32 $0x5, v0;
	v31 =	vld.idx.msk [tilespmem:v53+s7+$0x0], $0xffff  }
0x322: {  	v62 =	vadd.s32 $0x1, v61;
	v59 =	vld.idx.msk [tilespmem:v54+s7+$0x0], $0xffff  }
0x323: {  	v36 =	vadd.s32 $0x2, v61;
	v25 =	vld.idx.msk [tilespmem:v55+s7+$0x0], $0xffff  }
0x324: {  	v19 =	vadd.f32 v30, v19;
	v63 =	vadd.s32 $0x3, v61;
	v20 =	vld.idx.msk [tilespmem:v56+s7+$0x0], $0xffff  }
0x325: {  	v21 =	vadd.f32 v21, v23;
	v15 =	vadd.f32 v15, v35;
	v48 =	vadd.s32 $0x4, v61;
	v26 =	vld.idx.msk [tilespmem:v57+s7+$0x0], $0xffff  }
0x326: {  	v60 =	vmul.f32 v1, v6;
	v51 =	vadd.s32 $0x6, v61;
	v14 =	vld.idx.msk [tilespmem:v58+s7+$0x0], $0xffff;
	v54 =	vmul.f32 v1, v9  }
0x327: {  	v49 =	vadd.s32 $0x5, v61;
	v34 =	vld.idx.msk [tilespmem:v62+s7+$0x0], $0xffff;
	v56 =	vmul.f32 v1, v8;
	v58 =	vmul.f32 v1, v7  }
0x328: {  	v53 =	vadd.s32 $0x7, v61;
	v36 =	vld.idx.msk [tilespmem:v36+s7+$0x0], $0xffff;
	v61 =	vmul.f32 v1, v5;
	v62 =	vmul.f32 v1, v4  }
0x329: {  	[tilespmem:s21+$0x30] =	vst v19;
	v0 =	vadd.s32 $0x6, v0;
	v39 =	vld.idx.msk [tilespmem:v63+s7+$0x0], $0xffff;
	v63 =	vmul.f32 v1, v3;
	v1 =	vmul.f32 v1, v2  }
0x32a: {  	v28 =	vadd.f32 v28, v33;
	[tilespmem:s21+$0xB0] =	vst v21;
	v50 =	vmul.f32 v37, v3;
	v40 =	vld.idx.msk [tilespmem:v48+s7+$0x0], $0xffff  }
0x32b: {  	[tilespmem:s21+$0xFFFFFEB0] =	vst v15;
	v52 =	vmul.f32 v37, v9;
	v57 =	vld.idx.msk [tilespmem:v51+s7+$0x0], $0xffff;
	v1 =	vadd.f32 v1, v32  }
0x32c: {  	[tilespmem:s21+$0xFFFFFF30] =	vst v28;
	v55 =	vld.idx.msk [tilespmem:v49+s7+$0x0], $0xffff;
	v31 =	vadd.f32 v31, v50  }
0x32d: {  	v24 =	vadd.f32 v59, v52;
	v59 =	vld.idx.msk [tilespmem:v53+s7+$0x0], $0xffff;
	[tilespmem:s29+$0xFFFFFE20] =	vst v1  }
0x32e: {  	v0 =	vld.idx.msk [tilespmem:v0+s7+$0x0], $0xffff;
	v15 =	vadd.f32 v39, v58;
	[tilespmem:s29+$0x1F0] =	vst v31  }
0x32f: {  	v28 =	vadd.f32 v40, v60;
	[tilespmem:s29+$0xFFFFFEF0] =	vst v24  }
0x330: {  	v35 =	vadd.f32 v57, v62;
	[tilespmem:s29+$0xFFFFFFA0] =	vst v15  }
0x331: {  	v31 =	vadd.f32 v34, v54;
	[tilespmem:s29+$0x20] =	vst v28  }
0x332: {  	v24 =	vadd.f32 v36, v56;
	[tilespmem:s29+$0x120] =	vst v35  }
0x333: {  	v34 =	vadd.f32 v55, v61;
	v36 =	vshll.u32 v38, $0x6;
	[tilespmem:s29+$0xFFFFFEA0] =	vst v31  }
0x334: {  	v28 =	vadd.s32 v36, v10;
	[tilespmem:s29+$0xFFFFFF20] =	vst v24;
	v24 =	vadd.f32 v59, v63  }
0x335: {  	v11 =	vadd.f32 v11, v13;
	v42 =	vmul.f32 v37, v8;
	[tilespmem:s29+$0xA0] =	vst v34;
	v39 =	vadd.s32 $0x1, v28  }
0x336: {  	v41 =	vadd.f32 v18, v27;
	v45 =	vmul.f32 v37, v7;
	v48 =	vld [tilespmem:s23+$0xFFFFFFC0];
	v40 =	vadd.s32 $0x2, v28;
	[tilespmem:s29+$0x1A0] =	vst v24  }
0x337: {  	[tilespmem:s21+$0xFFFFFE30] =	vst v11;
	v47 =	vmul.f32 v37, v6;
	v18 =	vadd.f32 v25, v42;
	v43 =	vadd.s32 $0x3, v28;
	v24 =	vld [tilespmem:s25+$0xFFFFFFC0]  }
0x338: {  	[tilespmem:s21+$0x130] =	vst v41;
	v20 =	vadd.f32 v20, v45;
	v46 =	vadd.s32 $0x4, v28  }
0x339: {  	v44 =	vmul.f32 v37, v2;
	v26 =	vadd.f32 v26, v47;
	[tilespmem:s29+$0xFFFFFF70] =	vst v18;
	v49 =	vadd.s32 $0x5, v28;
	v31 =	vld [tilespmem:s30+$0xFFFFFFC0]  }
0x33a: {  	v50 =	vmul.f32 v37, v5;
	v62 =	vadd.f32 v16, v12;
	[tilespmem:s29+$0xFFFFFFF0] =	vst v20;
	v51 =	vadd.s32 $0x6, v28;
	v52 =	vld.idx.msk [tilespmem:v39+s7+$0x0], $0xffff  }
0x33b: {  	v53 =	vmul.f32 v37, v4;
	v38 =	vadd.f32 v29, v17;
	[tilespmem:s29+$0x70] =	vst v26;
	v55 =	vadd.s32 $0x7, v28;
	v54 =	vld.idx.msk [tilespmem:v40+s7+$0x0], $0xffff  }
0x33c: {  	v14 =	vadd.f32 v14, v50;
	v61 =	vmul.f32 v48, v9;
	[tilespmem:s21+$0x1B0] =	vst v62;
	v15 =	vld.idx.msk [tilespmem:v43+s7+$0x0], $0xffff;
	v56 =	vshll.u32 v24, $0x6  }
0x33d: {  	[tilespmem:s21+$0xFFFFFFB0] =	vst v38;
	v0 =	vadd.f32 v0, v53;
	v57 =	vld.idx.msk [tilespmem:v46+s7+$0x0], $0xffff;
	v58 =	vadd.s32 v56, v10  }
0x33e: {  	v30 =	vmul.f32 v48, v8;
	[tilespmem:s29+$0xF0] =	vst v14;
	v59 =	vadd.f32 v44, v22;
	v60 =	vld.idx.msk [tilespmem:v49+s7+$0x0], $0xffff;
	v20 =	vadd.s32 $0x1, v58  }
0x33f: {  	v33 =	vmul.f32 v48, v7;
	[tilespmem:s29+$0x170] =	vst v0;
	v63 =	vld.idx.msk [tilespmem:v51+s7+$0x0], $0xffff;
	v34 =	vadd.f32 v52, v61;
	v29 =	vadd.s32 $0x2, v58  }
0x340: {  	v37 =	vmul.f32 v48, v6;
	[tilespmem:s29+$0xFFFFFE70] =	vst v59;
	v35 =	vld.idx.msk [tilespmem:v55+s7+$0x0], $0xffff;
	v38 =	vadd.f32 v54, v30;
	v32 =	vadd.s32 $0x3, v58  }
0x341: {  	v41 =	vmul.f32 v48, v5;
	v39 =	vld.idx.msk [tilespmem:v28+s7+$0x0], $0xffff;
	v15 =	vadd.f32 v15, v33;
	v36 =	vadd.s32 $0x4, v58;
	[tilespmem:s22+$0xFFFFFEB0] =	vst v34  }
0x342: {  	v43 =	vmul.f32 v48, v4;
	v17 =	vadd.f32 v57, v37;
	v40 =	vadd.s32 $0x5, v58;
	[tilespmem:s22+$0xFFFFFF30] =	vst v38;
	v10 =	vld.idx.msk [tilespmem:v58+s7+$0x0], $0xffff  }
0x343: {  	v45 =	vmul.f32 v48, v3;
	v14 =	vadd.f32 v60, v41;
	v42 =	vadd.s32 $0x6, v58;
	[tilespmem:s22+$0xFFFFFFB0] =	vst v15;
	v20 =	vld.idx.msk [tilespmem:v20+s7+$0x0], $0xffff  }
0x344: {  	v47 =	vmul.f32 v48, v2;
	v12 =	vadd.f32 v63, v43;
	v44 =	vadd.s32 $0x7, v58;
	[tilespmem:s22+$0x30] =	vst v17;
	v16 =	vld.idx.msk [tilespmem:v29+s7+$0x0], $0xffff  }
0x345: {  	v1 =	vadd.f32 v35, v45;
	v61 =	vmul.f32 v31, v2;
	[tilespmem:s22+$0xB0] =	vst v14;
	v46 =	vld.idx.msk [tilespmem:v32+s7+$0x0], $0xffff  }
0x346: {  	v49 =	vmul.f32 v31, v9;
	v52 =	vadd.f32 v47, v39;
	[tilespmem:s22+$0x130] =	vst v12;
	v48 =	vld.idx.msk [tilespmem:v36+s7+$0x0], $0xffff  }
0x347: {  	v51 =	vmul.f32 v31, v8;
	[tilespmem:s22+$0x1B0] =	vst v1;
	v50 =	vld.idx.msk [tilespmem:v40+s7+$0x0], $0xffff;
	v63 =	vadd.f32 v61, v10  }
0x348: {  	v53 =	vmul.f32 v31, v7;
	[tilespmem:s22+$0xFFFFFE30] =	vst v52;
	v0 =	vld.idx.msk [tilespmem:v42+s7+$0x0], $0xffff;
	v54 =	vadd.f32 v20, v49  }
0x349: {  	v56 =	vmul.f32 v31, v6;
	v55 =	vld.idx.msk [tilespmem:v44+s7+$0x0], $0xffff;
	v8 =	vadd.f32 v16, v51;
	[tilespmem:s29+$0xFFFFFE30] =	vst v63  }
0x34a: {  	v57 =	vmul.f32 v31, v5;
	v7 =	vadd.f32 v46, v53;
	[tilespmem:s29+$0xFFFFFEB0] =	vst v54  }
0x34b: {  	s19 =	sadd.s32 $0x1, s19;
	v58 =	vmul.f32 v31, v4;
	v59 =	vadd.f32 v48, v56;
	[tilespmem:s29+$0xFFFFFF30] =	vst v8  }
0x34c: {  	p0 =	sne.s32 s19, $0x32;
	v60 =	vmul.f32 v31, v3;
	v5 =	vadd.f32 v50, v57;
	[tilespmem:s29+$0xFFFFFFB0] =	vst v7  }
.Ltmp3:
0x34d: {  	v0 =	vadd.f32 v0, v58;
	[tilespmem:s29+$0x30] =	vst v59;
	(pc) =	sbr.rel @p0 .LBB2_4-.Ltmp3, $4  }
0x34e: {  	s0 =	sshll.u32 s20, $0xB;
	v62 =	vadd.f32 v55, v60;
	[tilespmem:s29+$0xB0] =	vst v5  }
0x34f: {  	s0 =	sand.u32 $0x1FFFF800, s0;
	[tilespmem:s29+$0x130] =	vst v0  }
0x350: {  	s0 =	sadd.s32 s6, s0;
	[tilespmem:s29+$0x1B0] =	vst v62  }
0x351: {  	[hbm4b:s0+s7] =	stream.linear.scatter [tilespmem:s15], [sflag:$0x2], $0x4000, $0x38;
	[tilespmem:$0x17580] =	vst v63  }
0x352: {  	s18 =	sadd.s32 $0x1, s18  }
0x353: {  	_ =	swait.ge [sflag:s16], $0x4000;
	p0 =	sne.s32 s18, s10  }
.Ltmp4:
0x354: {  	[sflag:s16] =	ssyncset.done $0x0;
	(pc) =	sbr.rel @p0 .LBB2_1-.Ltmp4, $4  }
0x355: {  	[sflag:s16] =	ssyncadd.s32 $0xFFFFC000  }
0x356: {  	_ =	swait.ge [sflag:s17], $0x4000  }
0x357: {  	[sflag:s17] =	ssyncset.done $0x0  }
0x358: {  	v0 =	vlaneseq.u32;
	[sflag:s17] =	ssyncadd.s32 $0xFFFFC000  }
0x359: {  	_ =	sfence.sel $0x180000  }
0x35a: {  	[bflag:$0x0] =	sbarrier.arrive $0xFFFF  }
0x35b: {  	_ =	strace $0x90000047  }
0x35c: {  	s0 =	stileid.u32;
	[bflag:$0x2] =	sbarrier.arrive $0xFFFF  }
0x35d: {  	p0 =	sne.s32 s0, $0x0;
	s0 =	rddreg [dreg:$0x6]  }
0x35e: {  	s0 =	sadd.s32 @!p0 $0x100000, s0  }
0x35f: {  	[sflag:s0] =	ssyncadd.tile.s32 @!p0 $0x1;
	_ =	shalt  }
.Lfunc_end2:
_tile_overlayer_lowered:
.L_overlay_start_2:
0x360: {  	(tag) =	ssettag $0x2  }
0x361: {  	s0 =	rddreg [dreg:$0x0];
	s2 =	stileid.u32  }
0x362: {  	s1 =	rddreg [dreg:$0x1];
	p0 =	sne.s32 s2, $0x0  }
0x363: {  	s3 =	rddreg [dreg:$0x2];
	[bflag:$0x3] =	sbarrier.arrive $0xFFFF;
	s2 =	simm.s32 @!p0 $0x1C03  }
0x364: {  	[timem:s3], [sflag:s2] =	dma.local @!p0 [hbm:s0], s1  }
0x365: {  	s0 =	simm.s32 @!p0 $0x3  }
0x366: {  	_ =	swait.ge @!p0 [sflag:s0], s1  }
0x367: {  	s1 =	ssub.s32 @!p0 $0x0, s1;
	[sflag:s0] =	ssyncset.done @!p0 $0x0  }
0x368: {  	[sflag:s0] =	ssyncadd.s32 @!p0 s1  }
0x369: {  	[bflag:$0x3] =	sbarrier.arrive $0xFFFF  }
0x36a: {  	_ =	shalt  }

</sc_bundles>
